<compile_context>
chip_gen: v7x
topology: tpu7x:2x2x1
jax: 0.10.2.dev20260603
libtpu: 0.0.44.dev20260713+nightly
codegen_flags: <defaults>
</compile_context>

<pallas_src>
import functools

import jax
import jax.numpy as jnp
from jax import lax
from jax.experimental import pallas as pl
from jax.experimental.pallas import tpu as pltpu
from jax.experimental.pallas import tpu_sc as plsc

N = 10000
E = 640000
D = 128
ED = 16
H = 64
L = 4
G = 64

NC = 2
NS = 16
NW = NC * NS
NB = 320
NBK = 32
ROWS = NBK * NB
CAP = 20480
OCAP = 2560
SS = NBK * CAP + OCAP
C = 80
EWB = E // NS
EWS = SS // NW
FWB = SS // NS
BE = 2560
_f32 = jnp.float32
_i32 = jnp.int32

_SENT = -1.0


def _sc_bin_body(pos_hbm, rec_hbm, out_hbm, posb, rbuf, sbuf, sem):
  sid = lax.axis_index("s")

  def srow(r, carry):
    for j in range(8):
      sbuf[r, pl.ds(j * 16, 16)] = jnp.full((16,), _SENT, _f32)
    return carry

  lax.fori_loop(0, C, srow, 0)

  def fill(i, carry):
    pltpu.sync_copy(sbuf, out_hbm.at[pl.ds(sid * FWB + i * C, C)])
    return carry

  lax.fori_loop(0, FWB // C, fill, 0)
  plsc.subcore_barrier()

  def chunk(i, carry):
    off = sid * EWB + i * C
    pltpu.sync_copy(pos_hbm.at[pl.ds(off, C)], posb)
    pltpu.async_copy(rec_hbm.at[pl.ds(off, C)], rbuf, sem).wait()
    pltpu.sync_copy(rbuf, out_hbm.at[posb])
    return carry

  lax.fori_loop(0, EWB // C, chunk, 0)


def _sc_gather_body(dst_hbm, src_hbm, td_hbm, ts_hbm, g_hbm,
                    idxd, idxs, bufd, bufs, semd, sems):
  wid = lax.axis_index("s") * NC + lax.axis_index("c")
  base = wid * EWS

  def chunk(i, carry):
    off = base + i * C
    pltpu.sync_copy(dst_hbm.at[pl.ds(off, C)], idxd)
    pltpu.sync_copy(src_hbm.at[pl.ds(off, C)], idxs)
    cpd = pltpu.async_copy(td_hbm.at[idxd], bufd, semd)
    cps = pltpu.async_copy(ts_hbm.at[idxs], bufs, sems)
    cpd.wait()
    cps.wait()

    def row(r, c2):
      for j in range(8):
        s = pl.ds(j * 16, 16)
        bufd[r, s] = bufd[r, s] + bufs[r, s]
      return c2

    lax.fori_loop(0, C, row, 0)
    pltpu.sync_copy(bufd, g_hbm.at[pl.ds(off, C)])
    return carry

  lax.fori_loop(0, EWS // C, chunk, 0)


@functools.cache
def _sc_kernels():
  mesh1 = plsc.VectorSubcoreMesh(core_axis_name="c", subcore_axis_name="s",
                                 num_cores=1)
  mesh2 = plsc.VectorSubcoreMesh(core_axis_name="c", subcore_axis_name="s")
  binning = functools.partial(
      pl.kernel,
      out_type=jax.ShapeDtypeStruct((SS, 128), _f32),
      mesh=mesh1,
      scratch_types=[
          pltpu.VMEM((C,), _i32),
          pltpu.VMEM((C, 128), _f32),
          pltpu.VMEM((C, 128), _f32),
          pltpu.SemaphoreType.DMA,
      ],
  )(_sc_bin_body)
  gather = functools.partial(
      pl.kernel,
      out_type=jax.ShapeDtypeStruct((SS, 2 * H), _f32),
      mesh=mesh2,
      scratch_types=[
          pltpu.VMEM((C,), _i32),
          pltpu.VMEM((C,), _i32),
          pltpu.VMEM((C, 2 * H), _f32),
          pltpu.VMEM((C, 2 * H), _f32),
          pltpu.SemaphoreType.DMA,
          pltpu.SemaphoreType.DMA,
      ],
  )(_sc_gather_body)
  return binning, gather


def _cumsum0(x):
  s = 1
  n = x.shape[0]
  while s < n:
    x = x + jnp.concatenate([jnp.zeros((s, x.shape[1]), x.dtype), x[:-s]],
                            axis=0)
    s *= 2
  return x


def _rank_body(dst_ref, posb_ref, ovf_ref, c32, cov):
  pid = pl.program_id(0)

  @pl.when(pid == 0)
  def _init():
    c32[...] = jnp.zeros((1, NBK), _f32)
    cov[...] = jnp.zeros((1, NBK), _f32)

  d = dst_ref[0, 0, :]
  b = d // NB
  oh = (b[:, None] == lax.broadcasted_iota(_i32, (BE, NBK), 1)).astype(_f32)
  csum = _cumsum0(oh)
  posb = jnp.sum((csum - oh + c32[...]) * oh, axis=1)
  ovf = (posb >= CAP).astype(_f32)
  ovfrank = _cumsum0(ovf[:, None])[:, 0] - ovf + cov[0, 0]
  posb_ref[0, 0, :] = posb.astype(_i32)
  ovf_ref[0, 0, :] = ovfrank.astype(_i32)
  c32[...] = c32[...] + jnp.sum(oh, axis=0, keepdims=True)
  cov[...] = cov[...] + jnp.sum(ovf)


def _pos_body(dst_ref, src_ref, ea_ref, posb_ref, ovf_ref, pos_ref, rec_ref):
  d = dst_ref[0, 0, :]
  b = d // NB
  posb = posb_ref[0, 0, :]
  ovfrank = jnp.minimum(ovf_ref[0, 0, :], OCAP - 1)
  pos_ref[0, 0, :] = jnp.where(posb < CAP, b * CAP + posb,
                               NBK * CAP + ovfrank)
  db = lax.bitcast_convert_type(d, _f32)
  sb = lax.bitcast_convert_type(src_ref[0, 0, :], _f32)
  rec_ref[...] = jnp.concatenate(
      [db[:, None], sb[:, None], ea_ref[...], jnp.zeros((BE, 110), _f32)],
      axis=1)


def _extract_body(rec_ref, dst_ref, src_ref, loc_ref, dstv_ref, ea_ref):
  d = lax.bitcast_convert_type(rec_ref[:, 0], _i32)
  s = lax.bitcast_convert_type(rec_ref[:, 1], _i32)
  valid = (d >= 0) & (d < N)
  dst_ref[0, 0, :] = jnp.clip(d, 0, N - 1)
  src_ref[0, 0, :] = jnp.clip(s, 0, N - 1)
  loc_ref[0, 0, :] = jnp.where(valid, d % NB, 9999)
  dstv_ref[0, 0, :] = jnp.where(valid, d, 20000)
  ea_ref[...] = rec_ref[:, 2:2 + ED]


def _segm_body(loc_ref, m_ref, out_ref):
  jb = pl.program_id(1)

  @pl.when(jb == 0)
  def _init():
    out_ref[...] = jnp.zeros((NB, H), _f32)

  ohT = (lax.broadcasted_iota(_i32, (NB, BE), 0)
         == loc_ref[0, 0, :][None, :]).astype(_f32)
  out_ref[...] = out_ref[...] + jnp.dot(ohT, m_ref[...],
                                        preferred_element_type=_f32)


def _ovf_body(dstv_ref, m_ref, out_ref):
  i = pl.program_id(0)
  ohT = ((lax.broadcasted_iota(_i32, (BE, BE), 0) + i * BE)
         == dstv_ref[0, 0, :][None, :]).astype(_f32)
  out_ref[...] = jnp.dot(ohT, m_ref[...], preferred_element_type=_f32)


def _embed_body(x_ref, we_ref, be_ref, wd_ref, ws_ref, h_ref, td_ref, ts_ref):
  h = jnp.maximum(jnp.dot(x_ref[...], we_ref[...],
                          preferred_element_type=_f32) + be_ref[...], 0.0)
  h_ref[...] = h
  td_ref[...] = jnp.dot(h, wd_ref[...], preferred_element_type=_f32)
  ts_ref[...] = jnp.dot(h, ws_ref[...], preferred_element_type=_f32)


def _edge_body(g_ref, ea_ref, we_ref, b_ref, m_ref):
  z = g_ref[...] + jnp.dot(ea_ref[...], we_ref[...],
                           preferred_element_type=_f32) + b_ref[...]
  zf = z[:, :H]
  zs = z[:, H:]
  sig = 1.0 / (1.0 + jnp.exp(-zf))
  sp = jnp.maximum(zs, 0.0) + jnp.log(1.0 + jnp.exp(-jnp.abs(zs)))
  m_ref[...] = sig * sp


def _bn_update(h, p1_ref, p2_ref, gm_ref, bt_ref):
  conv = h + p1_ref[...] + p2_ref[...]
  mu = jnp.mean(conv, axis=0, keepdims=True)
  dc = conv - mu
  var = jnp.mean(dc * dc, axis=0, keepdims=True)
  hn = jnp.maximum(dc * lax.rsqrt(var + 1e-5) * gm_ref[...] + bt_ref[...], 0.0)
  return h + hn


def _update_body(h_ref, p1_ref, p2_ref, gm_ref, bt_ref, wd_ref, ws_ref,
                 h_out, td_ref, ts_ref):
  h2 = _bn_update(h_ref[...], p1_ref, p2_ref, gm_ref, bt_ref)
  h_out[...] = h2
  td_ref[...] = jnp.dot(h2, wd_ref[...], preferred_element_type=_f32)
  ts_ref[...] = jnp.dot(h2, ws_ref[...], preferred_element_type=_f32)


def _final_body(h_ref, p1_ref, p2_ref, gm_ref, bt_ref, batch_ref,
                w1_ref, b1_ref, w2_ref, b2_ref, wbg_ref, bbg_ref, out_ref):
  h2 = _bn_update(h_ref[...], p1_ref, p2_ref, gm_ref, bt_ref)
  seg = lax.broadcasted_iota(_i32, (G, N), 0)
  oh = (batch_ref[...] == seg).astype(_f32)
  sums = jnp.dot(oh, h2, preferred_element_type=_f32)
  counts = jnp.sum(oh, axis=1, keepdims=True)
  pooled = sums / jnp.maximum(counts, 1.0)
  o = jnp.maximum(jnp.dot(pooled, w1_ref[...],
                          preferred_element_type=_f32) + b1_ref[...], 0.0)
  o = jnp.maximum(jnp.dot(o, w2_ref[...],
                          preferred_element_type=_f32) + b2_ref[...], 0.0)
  out_ref[...] = jnp.dot(o, wbg_ref[...],
                         preferred_element_type=_f32) + bbg_ref[...]


_rank_call = pl.pallas_call(
    _rank_body,
    grid=(E // BE,),
    in_specs=[pl.BlockSpec((1, 1, BE), lambda i: (i, 0, 0))],
    out_specs=[pl.BlockSpec((1, 1, BE), lambda i: (i, 0, 0)),
               pl.BlockSpec((1, 1, BE), lambda i: (i, 0, 0))],
    out_shape=[jax.ShapeDtypeStruct((E // BE, 1, BE), _i32),
               jax.ShapeDtypeStruct((E // BE, 1, BE), _i32)],
    scratch_shapes=[pltpu.VMEM((1, NBK), _f32), pltpu.VMEM((1, NBK), _f32)],
)

_pos_call = pl.pallas_call(
    _pos_body,
    grid=(E // BE,),
    in_specs=[pl.BlockSpec((1, 1, BE), lambda i: (i, 0, 0)),
              pl.BlockSpec((1, 1, BE), lambda i: (i, 0, 0)),
              pl.BlockSpec((BE, ED), lambda i: (i, 0)),
              pl.BlockSpec((1, 1, BE), lambda i: (i, 0, 0)),
              pl.BlockSpec((1, 1, BE), lambda i: (i, 0, 0))],
    out_specs=[pl.BlockSpec((1, 1, BE), lambda i: (i, 0, 0)),
               pl.BlockSpec((BE, 128), lambda i: (i, 0))],
    out_shape=[jax.ShapeDtypeStruct((E // BE, 1, BE), _i32),
               jax.ShapeDtypeStruct((E, 128), _f32)],
)

_extract_call = pl.pallas_call(
    _extract_body,
    grid=(SS // BE,),
    in_specs=[pl.BlockSpec((BE, 128), lambda i: (i, 0))],
    out_specs=[pl.BlockSpec((1, 1, BE), lambda i: (i, 0, 0)),
               pl.BlockSpec((1, 1, BE), lambda i: (i, 0, 0)),
               pl.BlockSpec((1, 1, BE), lambda i: (i, 0, 0)),
               pl.BlockSpec((1, 1, BE), lambda i: (i, 0, 0)),
               pl.BlockSpec((BE, ED), lambda i: (i, 0))],
    out_shape=[jax.ShapeDtypeStruct((SS // BE, 1, BE), _i32),
               jax.ShapeDtypeStruct((SS // BE, 1, BE), _i32),
               jax.ShapeDtypeStruct((SS // BE, 1, BE), _i32),
               jax.ShapeDtypeStruct((SS // BE, 1, BE), _i32),
               jax.ShapeDtypeStruct((SS, ED), _f32)],
)

_segm_call = pl.pallas_call(
    _segm_body,
    grid=(NBK, CAP // BE),
    in_specs=[pl.BlockSpec((1, 1, BE), lambda w, j: (w * (CAP // BE) + j, 0, 0)),
              pl.BlockSpec((BE, H), lambda w, j: (w * (CAP // BE) + j, 0))],
    out_specs=pl.BlockSpec((NB, H), lambda w, j: (w, 0)),
    out_shape=jax.ShapeDtypeStruct((ROWS, H), _f32),
)

_ovf_call = pl.pallas_call(
    _ovf_body,
    grid=(ROWS // BE,),
    in_specs=[pl.BlockSpec((1, 1, BE), lambda i: (SS // BE - 1, 0, 0)),
              pl.BlockSpec((BE, H), lambda i: (SS // BE - 1, 0))],
    out_specs=pl.BlockSpec((BE, H), lambda i: (i, 0)),
    out_shape=jax.ShapeDtypeStruct((ROWS, H), _f32),
)

_embed_call = pl.pallas_call(
    _embed_body,
    out_shape=[jax.ShapeDtypeStruct((N, H), _f32),
               jax.ShapeDtypeStruct((N, 2 * H), _f32),
               jax.ShapeDtypeStruct((N, 2 * H), _f32)],
)

_edge_call = pl.pallas_call(
    _edge_body,
    grid=(SS // BE,),
    in_specs=[pl.BlockSpec((BE, 2 * H), lambda i: (i, 0)),
              pl.BlockSpec((BE, ED), lambda i: (i, 0)),
              pl.BlockSpec((ED, 2 * H), lambda i: (0, 0)),
              pl.BlockSpec((1, 2 * H), lambda i: (0, 0))],
    out_specs=pl.BlockSpec((BE, H), lambda i: (i, 0)),
    out_shape=jax.ShapeDtypeStruct((SS, H), _f32),
)

_update_call = pl.pallas_call(
    _update_body,
    out_shape=[jax.ShapeDtypeStruct((N, H), _f32),
               jax.ShapeDtypeStruct((N, 2 * H), _f32),
               jax.ShapeDtypeStruct((N, 2 * H), _f32)],
)

_final_call = pl.pallas_call(
    _final_body,
    out_shape=jax.ShapeDtypeStruct((G, 128), _f32),
)


def kernel(x, edge_index, edge_attr, batch, W_emb, b_emb, Wf, bf, Ws, bs,
           gamma, beta, W1, b1, W2, b2, Wbg, bbg):
  src = edge_index[0]
  dst = edge_index[1]

  Wd = jnp.concatenate([Wf[:, :H, :], Ws[:, :H, :]], axis=2)
  Wsr = jnp.concatenate([Wf[:, H:2 * H, :], Ws[:, H:2 * H, :]], axis=2)
  We = jnp.concatenate([Wf[:, 2 * H:, :], Ws[:, 2 * H:, :]], axis=2)
  bc = jnp.concatenate([bf, bs], axis=1)
  wbg_pad = jnp.zeros((32, 128), _f32).at[:, 0].set(Wbg[:, 0])
  bbg_pad = jnp.zeros((1, 128), _f32).at[0, 0].set(bbg[0])

  sc_bin, sc_gather = _sc_kernels()

  dst3 = dst.reshape(E // BE, 1, BE)
  src3 = src.reshape(E // BE, 1, BE)
  posb3, ovf3 = _rank_call(dst3)
  pos3, rec = _pos_call(dst3, src3, edge_attr, posb3, ovf3)
  rec_s = sc_bin(pos3.reshape(E), rec)
  dst3s, src3s, loc3s, dstv3s, ea_s = _extract_call(rec_s)
  dst_s = dst3s.reshape(SS)
  src_s = src3s.reshape(SS)

  h, td, ts = _embed_call(x, W_emb, b_emb.reshape(1, H), Wd[0], Wsr[0])
  out = None
  for l in range(L):
    g = sc_gather(dst_s, src_s, td, ts)
    m = _edge_call(g, ea_s, We[l], bc[l].reshape(1, 2 * H))
    agg1 = _segm_call(loc3s, m)[:N]
    agg2 = _ovf_call(dstv3s, m)[:N]
    if l < L - 1:
      h, td, ts = _update_call(h, agg1, agg2, gamma[l].reshape(1, H),
                               beta[l].reshape(1, H), Wd[l + 1], Wsr[l + 1])
    else:
      out = _final_call(h, agg1, agg2, gamma[l].reshape(1, H),
                        beta[l].reshape(1, H), batch.reshape(1, N),
                        W1, b1.reshape(1, 64), W2, b2.reshape(1, 32),
                        wbg_pad, bbg_pad)
  return out[:, 0]

# --- scband reference (transcript-rebuilt; emitter-appended) ---
"""Pipeline reference for scband-cgcnn-60181081752148 (READ-ONLY COPY).

The authoritative reference and input builder live on the scoring server;
editing this copy changes nothing except your own understanding.
"""

import jax, jax.numpy as jnp
import numpy as np

N = 10000
E = 640000
D = 128
ED = 16
H = 64
L = 4
G = 64
Z = 2 * H + ED


def setup_inputs(seed: int = 0) -> dict:
    key = jax.random.key(seed)
    ks = jax.random.split(key, 16)
    inp = {}
    inp["x"] = jax.random.normal(ks[0], (N, D), jnp.float32)
    inp["edge_index"] = jax.random.randint(ks[1], (2, E), 0, N, dtype=jnp.int32)
    inp["edge_attr"] = jax.random.uniform(ks[2], (E, ED), dtype=jnp.float32)
    inp["batch"] = jnp.sort(jax.random.randint(ks[3], (N,), 0, G, dtype=jnp.int32))
    inp["W_emb"] = jax.random.normal(ks[4], (D, H), jnp.float32) / np.sqrt(D)
    inp["b_emb"] = jnp.zeros((H,), jnp.float32)
    inp["Wf"] = jax.random.normal(ks[5], (L, Z, H), jnp.float32) / np.sqrt(Z)
    inp["bf"] = jnp.zeros((L, H), jnp.float32)
    inp["Ws"] = jax.random.normal(ks[6], (L, Z, H), jnp.float32) / np.sqrt(Z)
    inp["bs"] = jnp.zeros((L, H), jnp.float32)
    inp["gamma"] = jnp.ones((L, H), jnp.float32)
    inp["beta"] = jnp.zeros((L, H), jnp.float32)
    inp["W1"] = jax.random.normal(ks[7], (H, 64), jnp.float32) / np.sqrt(H)
    inp["b1"] = jnp.zeros((64,), jnp.float32)
    inp["W2"] = jax.random.normal(ks[8], (64, 32), jnp.float32) / np.sqrt(64)
    inp["b2"] = jnp.zeros((32,), jnp.float32)
    inp["Wbg"] = jax.random.normal(ks[9], (32, 1), jnp.float32) / np.sqrt(32)
    inp["bbg"] = jnp.zeros((1,), jnp.float32)
    return inp


def _bn(h, g, b):
    mu = jnp.mean(h, axis=0)
    var = jnp.var(h, axis=0)
    return (h - mu) / jnp.sqrt(var + 1e-5) * g + b


def reference(x, edge_index, edge_attr, batch, W_emb, b_emb, Wf, bf, Ws, bs, gamma, beta, W1, b1, W2, b2, Wbg, bbg):
    src = edge_index[0]
    dst = edge_index[1]
    h = jax.nn.relu(x @ W_emb + b_emb)
    for l in range(L):
        x_i = h[dst]
        x_j = h[src]
        z = jnp.concatenate([x_i, x_j, edge_attr], axis=1)
        m = jax.nn.sigmoid(z @ Wf[l] + bf[l]) * jax.nn.softplus(z @ Ws[l] + bs[l])
        conv_out = h + jax.ops.segment_sum(m, dst, num_segments=N)
        h_new = jax.nn.relu(_bn(conv_out, gamma[l], beta[l]))
        h = h + h_new
    sums = jax.ops.segment_sum(h, batch, num_segments=G)
    counts = jax.ops.segment_sum(jnp.ones((N,), jnp.float32), batch, num_segments=G)
    pooled = sums / jnp.maximum(counts, 1.0)[:, None]
    o = jax.nn.relu(pooled @ W1 + b1)
    o = jax.nn.relu(o @ W2 + b2)
    out = o @ Wbg + bbg
    return out.squeeze()

if __name__ == "__main__":
    import jax
    _d = setup_inputs()
    print(jax.jit(kernel)(*tuple(_d.values())))

</pallas_src>

<mosaic_0001>
#map = affine_map<(d0, d1) -> (0)>
#map1 = affine_map<(d0, d1) -> (0, 0)>
module attributes {stable_mosaic.version = 14 : i64} {
  func.func @_sc_gather_body(%arg0: i32, %arg1: i32, %arg2: memref<657920xi32, #tpu.memory_space<hbm>>, %arg3: memref<657920xi32, #tpu.memory_space<hbm>>, %arg4: memref<10000x128xf32, #tpu.memory_space<hbm>>, %arg5: memref<10000x128xf32, #tpu.memory_space<hbm>>, %arg6: memref<657920x128xf32, #tpu.memory_space<hbm>>, %arg7: memref<80xi32, #tpu.memory_space<vmem>>, %arg8: memref<80xi32, #tpu.memory_space<vmem>>, %arg9: memref<80x128xf32, #tpu.memory_space<vmem>>, %arg10: memref<80x128xf32, #tpu.memory_space<vmem>>, %arg11: memref<!tpu.dma_semaphore, #tpu.memory_space<semaphore_mem>>, %arg12: memref<!tpu.dma_semaphore, #tpu.memory_space<semaphore_mem>>) attributes {dimension_semantics = [#tpu.dimension_semantics<core_parallel>, #tpu.dimension_semantics<subcore_parallel>], iteration_bounds = array<i64: 2, 16>, scalar_prefetch = 0 : i64, scratch_operands = 6 : i64, tpu.core_type = #tpu.core_type<sc_vector_subcore>, window_params = [{transform_indices = #map}, {transform_indices = #map}, {transform_indices = #map1}, {transform_indices = #map1}, {transform_indices = #map1}]} {
    %mul3A = arith.constant 2 : i32
    %mul3A_0 = arith.muli %arg1, %mul3A : i32
    %add3A = arith.addi %mul3A_0, %arg0 : i32
    %mul3A_1 = arith.constant 20560 : i32
    %mul3A_2 = arith.muli %add3A, %mul3A_1 : i32
    %scan3A = arith.constant 0 : i32
    %scan3A_3 = arith.constant 0 : i32
    %scan3A_4 = arith.constant 257 : i32
    %scan3A_5 = arith.addi %scan3A_3, %scan3A_4 : i32
    %scan3A_6 = arith.constant 1 : i32
    scf.for %scan3A_8 = %scan3A_3 to %scan3A_5 step %scan3A_6  : i32 {
      %mul3A_9 = arith.constant 80 : i32
      %mul3A_10 = arith.muli %scan3A_8, %mul3A_9 : i32
      %add3A_11 = arith.addi %mul3A_2, %mul3A_10 : i32
      "tpu.region"() ({
        %run_scoped3A = tpu.sem_alloc : memref<!tpu.dma_semaphore, #tpu.memory_space<semaphore_mem>>
        %dma_start3A_28 = tpu.memref_slice %arg2[%add3A_11] : memref<657920xi32, #tpu.memory_space<hbm>> -> memref<80xi32, #tpu.memory_space<hbm>>
        %dma_start3A_29 = tpu.memref_slice %arg2[%add3A_11] : memref<657920xi32, #tpu.memory_space<hbm>> -> memref<80xi32, #tpu.memory_space<hbm>>
        tpu.enqueue_dma source(%dma_start3A_29 : memref<80xi32, #tpu.memory_space<hbm>>) target(%arg7 : memref<80xi32, #tpu.memory_space<vmem>>) target_semaphore(%run_scoped3A : memref<!tpu.dma_semaphore, #tpu.memory_space<semaphore_mem>>)
        %dma_wait3A_30 = tpu.memref_slice %arg2[%add3A_11] : memref<657920xi32, #tpu.memory_space<hbm>> -> memref<80xi32, #tpu.memory_space<hbm>>
        %dma_wait3A_31 = tpu.memref_slice %arg2[%add3A_11] : memref<657920xi32, #tpu.memory_space<hbm>> -> memref<80xi32, #tpu.memory_space<hbm>>
        tpu.wait_dma2 semaphore(%run_scoped3A : memref<!tpu.dma_semaphore, #tpu.memory_space<semaphore_mem>>) src(%dma_wait3A_31 : memref<80xi32, #tpu.memory_space<hbm>>) dst(%arg7 : memref<80xi32, #tpu.memory_space<vmem>>)
        tpu.yield
      }) : () -> ()
      "tpu.region"() ({
        %run_scoped3A = tpu.sem_alloc : memref<!tpu.dma_semaphore, #tpu.memory_space<semaphore_mem>>
        %dma_start3A_28 = tpu.memref_slice %arg3[%add3A_11] : memref<657920xi32, #tpu.memory_space<hbm>> -> memref<80xi32, #tpu.memory_space<hbm>>
        %dma_start3A_29 = tpu.memref_slice %arg3[%add3A_11] : memref<657920xi32, #tpu.memory_space<hbm>> -> memref<80xi32, #tpu.memory_space<hbm>>
        tpu.enqueue_dma source(%dma_start3A_29 : memref<80xi32, #tpu.memory_space<hbm>>) target(%arg8 : memref<80xi32, #tpu.memory_space<vmem>>) target_semaphore(%run_scoped3A : memref<!tpu.dma_semaphore, #tpu.memory_space<semaphore_mem>>)
        %dma_wait3A_30 = tpu.memref_slice %arg3[%add3A_11] : memref<657920xi32, #tpu.memory_space<hbm>> -> memref<80xi32, #tpu.memory_space<hbm>>
        %dma_wait3A_31 = tpu.memref_slice %arg3[%add3A_11] : memref<657920xi32, #tpu.memory_space<hbm>> -> memref<80xi32, #tpu.memory_space<hbm>>
        tpu.wait_dma2 semaphore(%run_scoped3A : memref<!tpu.dma_semaphore, #tpu.memory_space<semaphore_mem>>) src(%dma_wait3A_31 : memref<80xi32, #tpu.memory_space<hbm>>) dst(%arg8 : memref<80xi32, #tpu.memory_space<vmem>>)
        tpu.yield
      }) : () -> ()
      %dma_start3A = arith.constant 0 : i32
      %dma_start3A_12 = arith.constant 0 : i32
      %dma_start3A_13 = tpu.memref_slice %arg4[%dma_start3A, %dma_start3A_12] : memref<10000x128xf32, #tpu.memory_space<hbm>> -> memref<10000x128xf32, #tpu.memory_space<hbm>>
      tpu.enqueue_indirect_dma source(%dma_start3A_13 : memref<10000x128xf32, #tpu.memory_space<hbm>>) target(%arg9 : memref<80x128xf32, #tpu.memory_space<vmem>>) offsets(%arg7 : memref<80xi32, #tpu.memory_space<vmem>>) semaphore(%arg11 : memref<!tpu.dma_semaphore, #tpu.memory_space<semaphore_mem>>)
      %dma_start3A_14 = arith.constant 0 : i32
      %dma_start3A_15 = arith.constant 0 : i32
      %dma_start3A_16 = tpu.memref_slice %arg5[%dma_start3A_14, %dma_start3A_15] : memref<10000x128xf32, #tpu.memory_space<hbm>> -> memref<10000x128xf32, #tpu.memory_space<hbm>>
      tpu.enqueue_indirect_dma source(%dma_start3A_16 : memref<10000x128xf32, #tpu.memory_space<hbm>>) target(%arg10 : memref<80x128xf32, #tpu.memory_space<vmem>>) offsets(%arg8 : memref<80xi32, #tpu.memory_space<vmem>>) semaphore(%arg12 : memref<!tpu.dma_semaphore, #tpu.memory_space<semaphore_mem>>)
      %dma_wait3A = arith.constant 0 : i32
      %dma_wait3A_17 = arith.constant 0 : i32
      %dma_wait3A_18 = tpu.memref_slice %arg4[%dma_wait3A, %dma_wait3A_17] : memref<10000x128xf32, #tpu.memory_space<hbm>> -> memref<10000x128xf32, #tpu.memory_space<hbm>>
      tpu.wait_indirect_dma semaphore(%arg11 : memref<!tpu.dma_semaphore, #tpu.memory_space<semaphore_mem>>) src(%dma_wait3A_18 : memref<10000x128xf32, #tpu.memory_space<hbm>>) dst(%arg9 : memref<80x128xf32, #tpu.memory_space<vmem>>)
      %dma_wait3A_19 = arith.constant 0 : i32
      %dma_wait3A_20 = arith.constant 0 : i32
      %dma_wait3A_21 = tpu.memref_slice %arg5[%dma_wait3A_19, %dma_wait3A_20] : memref<10000x128xf32, #tpu.memory_space<hbm>> -> memref<10000x128xf32, #tpu.memory_space<hbm>>
      tpu.wait_indirect_dma semaphore(%arg12 : memref<!tpu.dma_semaphore, #tpu.memory_space<semaphore_mem>>) src(%dma_wait3A_21 : memref<10000x128xf32, #tpu.memory_space<hbm>>) dst(%arg10 : memref<80x128xf32, #tpu.memory_space<vmem>>)
      %scan3A_22 = arith.constant 0 : i32
      %scan3A_23 = arith.constant 0 : i32
      %scan3A_24 = arith.constant 80 : i32
      %scan3A_25 = arith.addi %scan3A_23, %scan3A_24 : i32
      %scan3A_26 = arith.constant 1 : i32
      scf.for %scan3A_28 = %scan3A_23 to %scan3A_25 step %scan3A_26  : i32 {
        %get3A = arith.index_cast %scan3A_28 : i32 to index
        %get3A_29 = arith.constant 0 : index
        %get3A_30 = tpu.vector_load %arg9[%get3A, %get3A_29] {strides = array<i32>} : memref<80x128xf32, #tpu.memory_space<vmem>>, vector<1x16xf32>,
        %get3A_31 = vector.shape_cast %get3A_30 : vector<1x16xf32> to vector<16xf32>
        %get3A_32 = arith.index_cast %scan3A_28 : i32 to index
        %get3A_33 = arith.constant 0 : index
        %get3A_34 = tpu.vector_load %arg10[%get3A_32, %get3A_33] {strides = array<i32>} : memref<80x128xf32, #tpu.memory_space<vmem>>, vector<1x16xf32>,
        %get3A_35 = vector.shape_cast %get3A_34 : vector<1x16xf32> to vector<16xf32>
        %add3A_36 = arith.addf %get3A_31, %get3A_35 : vector<16xf32>
        %swap3A = arith.index_cast %scan3A_28 : i32 to index
        %swap3A_37 = arith.constant 0 : index
        %swap3A_38 = tpu.vector_load %arg9[%swap3A, %swap3A_37] {strides = array<i32>} : memref<80x128xf32, #tpu.memory_space<vmem>>, vector<1x16xf32>,
        %swap3A_39 = vector.shape_cast %swap3A_38 : vector<1x16xf32> to vector<16xf32>
        %swap3A_40 = vector.shape_cast %add3A_36 : vector<16xf32> to vector<1x16xf32>
        tpu.vector_store %arg9[%swap3A, %swap3A_37], %swap3A_40 {strides = array<i32>} : memref<80x128xf32, #tpu.memory_space<vmem>>, vector<1x16xf32>,
        %get3A_41 = arith.index_cast %scan3A_28 : i32 to index
        %get3A_42 = arith.constant 16 : index
        %get3A_43 = tpu.vector_load %arg9[%get3A_41, %get3A_42] {strides = array<i32>} : memref<80x128xf32, #tpu.memory_space<vmem>>, vector<1x16xf32>,
        %get3A_44 = vector.shape_cast %get3A_43 : vector<1x16xf32> to vector<16xf32>
        %get3A_45 = arith.index_cast %scan3A_28 : i32 to index
        %get3A_46 = arith.constant 16 : index
        %get3A_47 = tpu.vector_load %arg10[%get3A_45, %get3A_46] {strides = array<i32>} : memref<80x128xf32, #tpu.memory_space<vmem>>, vector<1x16xf32>,
        %get3A_48 = vector.shape_cast %get3A_47 : vector<1x16xf32> to vector<16xf32>
        %add3A_49 = arith.addf %get3A_44, %get3A_48 : vector<16xf32>
        %swap3A_50 = arith.index_cast %scan3A_28 : i32 to index
        %swap3A_51 = arith.constant 16 : index
        %swap3A_52 = tpu.vector_load %arg9[%swap3A_50, %swap3A_51] {strides = array<i32>} : memref<80x128xf32, #tpu.memory_space<vmem>>, vector<1x16xf32>,
        %swap3A_53 = vector.shape_cast %swap3A_52 : vector<1x16xf32> to vector<16xf32>
        %swap3A_54 = vector.shape_cast %add3A_49 : vector<16xf32> to vector<1x16xf32>
        tpu.vector_store %arg9[%swap3A_50, %swap3A_51], %swap3A_54 {strides = array<i32>} : memref<80x128xf32, #tpu.memory_space<vmem>>, vector<1x16xf32>,
        %get3A_55 = arith.index_cast %scan3A_28 : i32 to index
        %get3A_56 = arith.constant 32 : index
        %get3A_57 = tpu.vector_load %arg9[%get3A_55, %get3A_56] {strides = array<i32>} : memref<80x128xf32, #tpu.memory_space<vmem>>, vector<1x16xf32>,
        %get3A_58 = vector.shape_cast %get3A_57 : vector<1x16xf32> to vector<16xf32>
        %get3A_59 = arith.index_cast %scan3A_28 : i32 to index
        %get3A_60 = arith.constant 32 : index
        %get3A_61 = tpu.vector_load %arg10[%get3A_59, %get3A_60] {strides = array<i32>} : memref<80x128xf32, #tpu.memory_space<vmem>>, vector<1x16xf32>,
        %get3A_62 = vector.shape_cast %get3A_61 : vector<1x16xf32> to vector<16xf32>
        %add3A_63 = arith.addf %get3A_58, %get3A_62 : vector<16xf32>
        %swap3A_64 = arith.index_cast %scan3A_28 : i32 to index
        %swap3A_65 = arith.constant 32 : index
        %swap3A_66 = tpu.vector_load %arg9[%swap3A_64, %swap3A_65] {strides = array<i32>} : memref<80x128xf32, #tpu.memory_space<vmem>>, vector<1x16xf32>,
        %swap3A_67 = vector.shape_cast %swap3A_66 : vector<1x16xf32> to vector<16xf32>
        %swap3A_68 = vector.shape_cast %add3A_63 : vector<16xf32> to vector<1x16xf32>
        tpu.vector_store %arg9[%swap3A_64, %swap3A_65], %swap3A_68 {strides = array<i32>} : memref<80x128xf32, #tpu.memory_space<vmem>>, vector<1x16xf32>,
        %get3A_69 = arith.index_cast %scan3A_28 : i32 to index
        %get3A_70 = arith.constant 48 : index
        %get3A_71 = tpu.vector_load %arg9[%get3A_69, %get3A_70] {strides = array<i32>} : memref<80x128xf32, #tpu.memory_space<vmem>>, vector<1x16xf32>,
        %get3A_72 = vector.shape_cast %get3A_71 : vector<1x16xf32> to vector<16xf32>
        %get3A_73 = arith.index_cast %scan3A_28 : i32 to index
        %get3A_74 = arith.constant 48 : index
        %get3A_75 = tpu.vector_load %arg10[%get3A_73, %get3A_74] {strides = array<i32>} : memref<80x128xf32, #tpu.memory_space<vmem>>, vector<1x16xf32>,
        %get3A_76 = vector.shape_cast %get3A_75 : vector<1x16xf32> to vector<16xf32>
        %add3A_77 = arith.addf %get3A_72, %get3A_76 : vector<16xf32>
        %swap3A_78 = arith.index_cast %scan3A_28 : i32 to index
        %swap3A_79 = arith.constant 48 : index
        %swap3A_80 = tpu.vector_load %arg9[%swap3A_78, %swap3A_79] {strides = array<i32>} : memref<80x128xf32, #tpu.memory_space<vmem>>, vector<1x16xf32>,
        %swap3A_81 = vector.shape_cast %swap3A_80 : vector<1x16xf32> to vector<16xf32>
        %swap3A_82 = vector.shape_cast %add3A_77 : vector<16xf32> to vector<1x16xf32>
        tpu.vector_store %arg9[%swap3A_78, %swap3A_79], %swap3A_82 {strides = array<i32>} : memref<80x128xf32, #tpu.memory_space<vmem>>, vector<1x16xf32>,
        %get3A_83 = arith.index_cast %scan3A_28 : i32 to index
        %get3A_84 = arith.constant 64 : index
        %get3A_85 = tpu.vector_load %arg9[%get3A_83, %get3A_84] {strides = array<i32>} : memref<80x128xf32, #tpu.memory_space<vmem>>, vector<1x16xf32>,
        %get3A_86 = vector.shape_cast %get3A_85 : vector<1x16xf32> to vector<16xf32>
        %get3A_87 = arith.index_cast %scan3A_28 : i32 to index
        %get3A_88 = arith.constant 64 : index
        %get3A_89 = tpu.vector_load %arg10[%get3A_87, %get3A_88] {strides = array<i32>} : memref<80x128xf32, #tpu.memory_space<vmem>>, vector<1x16xf32>,
        %get3A_90 = vector.shape_cast %get3A_89 : vector<1x16xf32> to vector<16xf32>
        %add3A_91 = arith.addf %get3A_86, %get3A_90 : vector<16xf32>
        %swap3A_92 = arith.index_cast %scan3A_28 : i32 to index
        %swap3A_93 = arith.constant 64 : index
        %swap3A_94 = tpu.vector_load %arg9[%swap3A_92, %swap3A_93] {strides = array<i32>} : memref<80x128xf32, #tpu.memory_space<vmem>>, vector<1x16xf32>,
        %swap3A_95 = vector.shape_cast %swap3A_94 : vector<1x16xf32> to vector<16xf32>
        %swap3A_96 = vector.shape_cast %add3A_91 : vector<16xf32> to vector<1x16xf32>
        tpu.vector_store %arg9[%swap3A_92, %swap3A_93], %swap3A_96 {strides = array<i32>} : memref<80x128xf32, #tpu.memory_space<vmem>>, vector<1x16xf32>,
        %get3A_97 = arith.index_cast %scan3A_28 : i32 to index
        %get3A_98 = arith.constant 80 : index
        %get3A_99 = tpu.vector_load %arg9[%get3A_97, %get3A_98] {strides = array<i32>} : memref<80x128xf32, #tpu.memory_space<vmem>>, vector<1x16xf32>,
        %get3A_100 = vector.shape_cast %get3A_99 : vector<1x16xf32> to vector<16xf32>
        %get3A_101 = arith.index_cast %scan3A_28 : i32 to index
        %get3A_102 = arith.constant 80 : index
        %get3A_103 = tpu.vector_load %arg10[%get3A_101, %get3A_102] {strides = array<i32>} : memref<80x128xf32, #tpu.memory_space<vmem>>, vector<1x16xf32>,
        %get3A_104 = vector.shape_cast %get3A_103 : vector<1x16xf32> to vector<16xf32>
        %add3A_105 = arith.addf %get3A_100, %get3A_104 : vector<16xf32>
        %swap3A_106 = arith.index_cast %scan3A_28 : i32 to index
        %swap3A_107 = arith.constant 80 : index
        %swap3A_108 = tpu.vector_load %arg9[%swap3A_106, %swap3A_107] {strides = array<i32>} : memref<80x128xf32, #tpu.memory_space<vmem>>, vector<1x16xf32>,
        %swap3A_109 = vector.shape_cast %swap3A_108 : vector<1x16xf32> to vector<16xf32>
        %swap3A_110 = vector.shape_cast %add3A_105 : vector<16xf32> to vector<1x16xf32>
        tpu.vector_store %arg9[%swap3A_106, %swap3A_107], %swap3A_110 {strides = array<i32>} : memref<80x128xf32, #tpu.memory_space<vmem>>, vector<1x16xf32>,
        %get3A_111 = arith.index_cast %scan3A_28 : i32 to index
        %get3A_112 = arith.constant 96 : index
        %get3A_113 = tpu.vector_load %arg9[%get3A_111, %get3A_112] {strides = array<i32>} : memref<80x128xf32, #tpu.memory_space<vmem>>, vector<1x16xf32>,
        %get3A_114 = vector.shape_cast %get3A_113 : vector<1x16xf32> to vector<16xf32>
        %get3A_115 = arith.index_cast %scan3A_28 : i32 to index
        %get3A_116 = arith.constant 96 : index
        %get3A_117 = tpu.vector_load %arg10[%get3A_115, %get3A_116] {strides = array<i32>} : memref<80x128xf32, #tpu.memory_space<vmem>>, vector<1x16xf32>,
        %get3A_118 = vector.shape_cast %get3A_117 : vector<1x16xf32> to vector<16xf32>
        %add3A_119 = arith.addf %get3A_114, %get3A_118 : vector<16xf32>
        %swap3A_120 = arith.index_cast %scan3A_28 : i32 to index
        %swap3A_121 = arith.constant 96 : index
        %swap3A_122 = tpu.vector_load %arg9[%swap3A_120, %swap3A_121] {strides = array<i32>} : memref<80x128xf32, #tpu.memory_space<vmem>>, vector<1x16xf32>,
        %swap3A_123 = vector.shape_cast %swap3A_122 : vector<1x16xf32> to vector<16xf32>
        %swap3A_124 = vector.shape_cast %add3A_119 : vector<16xf32> to vector<1x16xf32>
        tpu.vector_store %arg9[%swap3A_120, %swap3A_121], %swap3A_124 {strides = array<i32>} : memref<80x128xf32, #tpu.memory_space<vmem>>, vector<1x16xf32>,
        %get3A_125 = arith.index_cast %scan3A_28 : i32 to index
        %get3A_126 = arith.constant 112 : index
        %get3A_127 = tpu.vector_load %arg9[%get3A_125, %get3A_126] {strides = array<i32>} : memref<80x128xf32, #tpu.memory_space<vmem>>, vector<1x16xf32>,
        %get3A_128 = vector.shape_cast %get3A_127 : vector<1x16xf32> to vector<16xf32>
        %get3A_129 = arith.index_cast %scan3A_28 : i32 to index
        %get3A_130 = arith.constant 112 : index
        %get3A_131 = tpu.vector_load %arg10[%get3A_129, %get3A_130] {strides = array<i32>} : memref<80x128xf32, #tpu.memory_space<vmem>>, vector<1x16xf32>,
        %get3A_132 = vector.shape_cast %get3A_131 : vector<1x16xf32> to vector<16xf32>
        %add3A_133 = arith.addf %get3A_128, %get3A_132 : vector<16xf32>
        %swap3A_134 = arith.index_cast %scan3A_28 : i32 to index
        %swap3A_135 = arith.constant 112 : index
        %swap3A_136 = tpu.vector_load %arg9[%swap3A_134, %swap3A_135] {strides = array<i32>} : memref<80x128xf32, #tpu.memory_space<vmem>>, vector<1x16xf32>,
        %swap3A_137 = vector.shape_cast %swap3A_136 : vector<1x16xf32> to vector<16xf32>
        %swap3A_138 = vector.shape_cast %add3A_133 : vector<16xf32> to vector<1x16xf32>
        tpu.vector_store %arg9[%swap3A_134, %swap3A_135], %swap3A_138 {strides = array<i32>} : memref<80x128xf32, #tpu.memory_space<vmem>>, vector<1x16xf32>,
      }
      %scan3A_27 = arith.constant 80 : i32
      "tpu.region"() ({
        %run_scoped3A = tpu.sem_alloc : memref<!tpu.dma_semaphore, #tpu.memory_space<semaphore_mem>>
        %dma_start3A_28 = arith.constant 0 : i32
        %dma_start3A_29 = tpu.memref_slice %arg6[%add3A_11, %dma_start3A_28] : memref<657920x128xf32, #tpu.memory_space<hbm>> -> memref<80x128xf32, #tpu.memory_space<hbm>>
        %dma_start3A_30 = arith.constant 0 : i32
        %dma_start3A_31 = tpu.memref_slice %arg6[%add3A_11, %dma_start3A_30] : memref<657920x128xf32, #tpu.memory_space<hbm>> -> memref<80x128xf32, #tpu.memory_space<hbm>>
        tpu.enqueue_dma source(%arg9 : memref<80x128xf32, #tpu.memory_space<vmem>>) target(%dma_start3A_31 : memref<80x128xf32, #tpu.memory_space<hbm>>) target_semaphore(%run_scoped3A : memref<!tpu.dma_semaphore, #tpu.memory_space<semaphore_mem>>)
        %dma_wait3A_32 = arith.constant 0 : i32
        %dma_wait3A_33 = tpu.memref_slice %arg6[%add3A_11, %dma_wait3A_32] : memref<657920x128xf32, #tpu.memory_space<hbm>> -> memref<80x128xf32, #tpu.memory_space<hbm>>
        %dma_wait3A_34 = arith.constant 0 : i32
        %dma_wait3A_35 = tpu.memref_slice %arg6[%add3A_11, %dma_wait3A_34] : memref<657920x128xf32, #tpu.memory_space<hbm>> -> memref<80x128xf32, #tpu.memory_space<hbm>>
        tpu.wait_dma2 semaphore(%run_scoped3A : memref<!tpu.dma_semaphore, #tpu.memory_space<semaphore_mem>>) src(%arg9 : memref<80x128xf32, #tpu.memory_space<vmem>>) dst(%dma_wait3A_35 : memref<80x128xf32, #tpu.memory_space<hbm>>)
        tpu.yield
      }) : () -> ()
    }
    %scan3A_7 = arith.constant 257 : i32
    return
  }
}

#map = affine_map<(d0, d1) -> (0)>
#map1 = affine_map<(d0, d1) -> (0, 0)>
module attributes {stable_mosaic.version = 14 : i64} {
  func.func @_sc_gather_body(%arg0: i32, %arg1: i32, %arg2: memref<657920xi32, #tpu.memory_space<hbm>>, %arg3: memref<657920xi32, #tpu.memory_space<hbm>>, %arg4: memref<10000x128xf32, #tpu.memory_space<hbm>>, %arg5: memref<10000x128xf32, #tpu.memory_space<hbm>>, %arg6: memref<657920x128xf32, #tpu.memory_space<hbm>>, %arg7: memref<80xi32, #tpu.memory_space<vmem>>, %arg8: memref<80xi32, #tpu.memory_space<vmem>>, %arg9: memref<80x128xf32, #tpu.memory_space<vmem>>, %arg10: memref<80x128xf32, #tpu.memory_space<vmem>>, %arg11: memref<!tpu.dma_semaphore, #tpu.memory_space<semaphore_mem>>, %arg12: memref<!tpu.dma_semaphore, #tpu.memory_space<semaphore_mem>>) attributes {dimension_semantics = [#tpu.dimension_semantics<core_parallel>, #tpu.dimension_semantics<subcore_parallel>], iteration_bounds = array<i64: 2, 16>, scalar_prefetch = 0 : i64, scratch_operands = 6 : i64, tpu.core_type = #tpu.core_type<sc_vector_subcore>, window_params = [{transform_indices = #map}, {transform_indices = #map}, {transform_indices = #map1}, {transform_indices = #map1}, {transform_indices = #map1}]} {
    %mul3A = arith.constant 2 : i32
    %mul3A_0 = arith.muli %arg1, %mul3A : i32
    %add3A = arith.addi %mul3A_0, %arg0 : i32
    %mul3A_1 = arith.constant 20560 : i32
    %mul3A_2 = arith.muli %add3A, %mul3A_1 : i32
    %scan3A = arith.constant 0 : i32
    %scan3A_3 = arith.constant 0 : i32
    %scan3A_4 = arith.constant 257 : i32
    %scan3A_5 = arith.addi %scan3A_3, %scan3A_4 : i32
    %scan3A_6 = arith.constant 1 : i32
    scf.for %scan3A_8 = %scan3A_3 to %scan3A_5 step %scan3A_6  : i32 {
      %mul3A_9 = arith.constant 80 : i32
      %mul3A_10 = arith.muli %scan3A_8, %mul3A_9 : i32
      %add3A_11 = arith.addi %mul3A_2, %mul3A_10 : i32
      "tpu.region"() ({
        %run_scoped3A = tpu.sem_alloc : memref<!tpu.dma_semaphore, #tpu.memory_space<semaphore_mem>>
        %dma_start3A_28 = tpu.memref_slice %arg2[%add3A_11] : memref<657920xi32, #tpu.memory_space<hbm>> -> memref<80xi32, #tpu.memory_space<hbm>>
        %dma_start3A_29 = tpu.memref_slice %arg2[%add3A_11] : memref<657920xi32, #tpu.memory_space<hbm>> -> memref<80xi32, #tpu.memory_space<hbm>>
        tpu.enqueue_dma source(%dma_start3A_29 : memref<80xi32, #tpu.memory_space<hbm>>) target(%arg7 : memref<80xi32, #tpu.memory_space<vmem>>) target_semaphore(%run_scoped3A : memref<!tpu.dma_semaphore, #tpu.memory_space<semaphore_mem>>)
        %dma_wait3A_30 = tpu.memref_slice %arg2[%add3A_11] : memref<657920xi32, #tpu.memory_space<hbm>> -> memref<80xi32, #tpu.memory_space<hbm>>
        %dma_wait3A_31 = tpu.memref_slice %arg2[%add3A_11] : memref<657920xi32, #tpu.memory_space<hbm>> -> memref<80xi32, #tpu.memory_space<hbm>>
        tpu.wait_dma2 semaphore(%run_scoped3A : memref<!tpu.dma_semaphore, #tpu.memory_space<semaphore_mem>>) src(%dma_wait3A_31 : memref<80xi32, #tpu.memory_space<hbm>>) dst(%arg7 : memref<80xi32, #tpu.memory_space<vmem>>)
        tpu.yield
      }) : () -> ()
      "tpu.region"() ({
        %run_scoped3A = tpu.sem_alloc : memref<!tpu.dma_semaphore, #tpu.memory_space<semaphore_mem>>
        %dma_start3A_28 = tpu.memref_slice %arg3[%add3A_11] : memref<657920xi32, #tpu.memory_space<hbm>> -> memref<80xi32, #tpu.memory_space<hbm>>
        %dma_start3A_29 = tpu.memref_slice %arg3[%add3A_11] : memref<657920xi32, #tpu.memory_space<hbm>> -> memref<80xi32, #tpu.memory_space<hbm>>
        tpu.enqueue_dma source(%dma_start3A_29 : memref<80xi32, #tpu.memory_space<hbm>>) target(%arg8 : memref<80xi32, #tpu.memory_space<vmem>>) target_semaphore(%run_scoped3A : memref<!tpu.dma_semaphore, #tpu.memory_space<semaphore_mem>>)
        %dma_wait3A_30 = tpu.memref_slice %arg3[%add3A_11] : memref<657920xi32, #tpu.memory_space<hbm>> -> memref<80xi32, #tpu.memory_space<hbm>>
        %dma_wait3A_31 = tpu.memref_slice %arg3[%add3A_11] : memref<657920xi32, #tpu.memory_space<hbm>> -> memref<80xi32, #tpu.memory_space<hbm>>
        tpu.wait_dma2 semaphore(%run_scoped3A : memref<!tpu.dma_semaphore, #tpu.memory_space<semaphore_mem>>) src(%dma_wait3A_31 : memref<80xi32, #tpu.memory_space<hbm>>) dst(%arg8 : memref<80xi32, #tpu.memory_space<vmem>>)
        tpu.yield
      }) : () -> ()
      %dma_start3A = arith.constant 0 : i32
      %dma_start3A_12 = arith.constant 0 : i32
      %dma_start3A_13 = tpu.memref_slice %arg4[%dma_start3A, %dma_start3A_12] : memref<10000x128xf32, #tpu.memory_space<hbm>> -> memref<10000x128xf32, #tpu.memory_space<hbm>>
      tpu.enqueue_indirect_dma source(%dma_start3A_13 : memref<10000x128xf32, #tpu.memory_space<hbm>>) target(%arg9 : memref<80x128xf32, #tpu.memory_space<vmem>>) offsets(%arg7 : memref<80xi32, #tpu.memory_space<vmem>>) semaphore(%arg11 : memref<!tpu.dma_semaphore, #tpu.memory_space<semaphore_mem>>)
      %dma_start3A_14 = arith.constant 0 : i32
      %dma_start3A_15 = arith.constant 0 : i32
      %dma_start3A_16 = tpu.memref_slice %arg5[%dma_start3A_14, %dma_start3A_15] : memref<10000x128xf32, #tpu.memory_space<hbm>> -> memref<10000x128xf32, #tpu.memory_space<hbm>>
      tpu.enqueue_indirect_dma source(%dma_start3A_16 : memref<10000x128xf32, #tpu.memory_space<hbm>>) target(%arg10 : memref<80x128xf32, #tpu.memory_space<vmem>>) offsets(%arg8 : memref<80xi32, #tpu.memory_space<vmem>>) semaphore(%arg12 : memref<!tpu.dma_semaphore, #tpu.memory_space<semaphore_mem>>)
      %dma_wait3A = arith.constant 0 : i32
      %dma_wait3A_17 = arith.constant 0 : i32
      %dma_wait3A_18 = tpu.memref_slice %arg4[%dma_wait3A, %dma_wait3A_17] : memref<10000x128xf32, #tpu.memory_space<hbm>> -> memref<10000x128xf32, #tpu.memory_space<hbm>>
      tpu.wait_indirect_dma semaphore(%arg11 : memref<!tpu.dma_semaphore, #tpu.memory_space<semaphore_mem>>) src(%dma_wait3A_18 : memref<10000x128xf32, #tpu.memory_space<hbm>>) dst(%arg9 : memref<80x128xf32, #tpu.memory_space<vmem>>)
      %dma_wait3A_19 = arith.constant 0 : i32
      %dma_wait3A_20 = arith.constant 0 : i32
      %dma_wait3A_21 = tpu.memref_slice %arg5[%dma_wait3A_19, %dma_wait3A_20] : memref<10000x128xf32, #tpu.memory_space<hbm>> -> memref<10000x128xf32, #tpu.memory_space<hbm>>
      tpu.wait_indirect_dma semaphore(%arg12 : memref<!tpu.dma_semaphore, #tpu.memory_space<semaphore_mem>>) src(%dma_wait3A_21 : memref<10000x128xf32, #tpu.memory_space<hbm>>) dst(%arg10 : memref<80x128xf32, #tpu.memory_space<vmem>>)
      %scan3A_22 = arith.constant 0 : i32
      %scan3A_23 = arith.constant 0 : i32
      %scan3A_24 = arith.constant 80 : i32
      %scan3A_25 = arith.addi %scan3A_23, %scan3A_24 : i32
      %scan3A_26 = arith.constant 1 : i32
      scf.for %scan3A_28 = %scan3A_23 to %scan3A_25 step %scan3A_26  : i32 {
        %get3A = arith.index_cast %scan3A_28 : i32 to index
        %get3A_29 = arith.constant 0 : index
        %get3A_30 = tpu.vector_load %arg9[%get3A, %get3A_29] {strides = array<i32>} : memref<80x128xf32, #tpu.memory_space<vmem>>, vector<1x16xf32>,
        %get3A_31 = vector.shape_cast %get3A_30 : vector<1x16xf32> to vector<16xf32>
        %get3A_32 = arith.index_cast %scan3A_28 : i32 to index
        %get3A_33 = arith.constant 0 : index
        %get3A_34 = tpu.vector_load %arg10[%get3A_32, %get3A_33] {strides = array<i32>} : memref<80x128xf32, #tpu.memory_space<vmem>>, vector<1x16xf32>,
        %get3A_35 = vector.shape_cast %get3A_34 : vector<1x16xf32> to vector<16xf32>
        %add3A_36 = arith.addf %get3A_31, %get3A_35 : vector<16xf32>
        %swap3A = arith.index_cast %scan3A_28 : i32 to index
        %swap3A_37 = arith.constant 0 : index
        %swap3A_38 = tpu.vector_load %arg9[%swap3A, %swap3A_37] {strides = array<i32>} : memref<80x128xf32, #tpu.memory_space<vmem>>, vector<1x16xf32>,
        %swap3A_39 = vector.shape_cast %swap3A_38 : vector<1x16xf32> to vector<16xf32>
        %swap3A_40 = vector.shape_cast %add3A_36 : vector<16xf32> to vector<1x16xf32>
        tpu.vector_store %arg9[%swap3A, %swap3A_37], %swap3A_40 {strides = array<i32>} : memref<80x128xf32, #tpu.memory_space<vmem>>, vector<1x16xf32>,
        %get3A_41 = arith.index_cast %scan3A_28 : i32 to index
        %get3A_42 = arith.constant 16 : index
        %get3A_43 = tpu.vector_load %arg9[%get3A_41, %get3A_42] {strides = array<i32>} : memref<80x128xf32, #tpu.memory_space<vmem>>, vector<1x16xf32>,
        %get3A_44 = vector.shape_cast %get3A_43 : vector<1x16xf32> to vector<16xf32>
        %get3A_45 = arith.index_cast %scan3A_28 : i32 to index
        %get3A_46 = arith.constant 16 : index
        %get3A_47 = tpu.vector_load %arg10[%get3A_45, %get3A_46] {strides = array<i32>} : memref<80x128xf32, #tpu.memory_space<vmem>>, vector<1x16xf32>,
        %get3A_48 = vector.shape_cast %get3A_47 : vector<1x16xf32> to vector<16xf32>
        %add3A_49 = arith.addf %get3A_44, %get3A_48 : vector<16xf32>
        %swap3A_50 = arith.index_cast %scan3A_28 : i32 to index
        %swap3A_51 = arith.constant 16 : index
        %swap3A_52 = tpu.vector_load %arg9[%swap3A_50, %swap3A_51] {strides = array<i32>} : memref<80x128xf32, #tpu.memory_space<vmem>>, vector<1x16xf32>,
        %swap3A_53 = vector.shape_cast %swap3A_52 : vector<1x16xf32> to vector<16xf32>
        %swap3A_54 = vector.shape_cast %add3A_49 : vector<16xf32> to vector<1x16xf32>
        tpu.vector_store %arg9[%swap3A_50, %swap3A_51], %swap3A_54 {strides = array<i32>} : memref<80x128xf32, #tpu.memory_space<vmem>>, vector<1x16xf32>,
        %get3A_55 = arith.index_cast %scan3A_28 : i32 to index
        %get3A_56 = arith.constant 32 : index
        %get3A_57 = tpu.vector_load %arg9[%get3A_55, %get3A_56] {strides = array<i32>} : memref<80x128xf32, #tpu.memory_space<vmem>>, vector<1x16xf32>,
        %get3A_58 = vector.shape_cast %get3A_57 : vector<1x16xf32> to vector<16xf32>
        %get3A_59 = arith.index_cast %scan3A_28 : i32 to index
        %get3A_60 = arith.constant 32 : index
        %get3A_61 = tpu.vector_load %arg10[%get3A_59, %get3A_60] {strides = array<i32>} : memref<80x128xf32, #tpu.memory_space<vmem>>, vector<1x16xf32>,
        %get3A_62 = vector.shape_cast %get3A_61 : vector<1x16xf32> to vector<16xf32>
        %add3A_63 = arith.addf %get3A_58, %get3A_62 : vector<16xf32>
        %swap3A_64 = arith.index_cast %scan3A_28 : i32 to index
        %swap3A_65 = arith.constant 32 : index
        %swap3A_66 = tpu.vector_load %arg9[%swap3A_64, %swap3A_65] {strides = array<i32>} : memref<80x128xf32, #tpu.memory_space<vmem>>, vector<1x16xf32>,
        %swap3A_67 = vector.shape_cast %swap3A_66 : vector<1x16xf32> to vector<16xf32>
        %swap3A_68 = vector.shape_cast %add3A_63 : vector<16xf32> to vector<1x16xf32>
        tpu.vector_store %arg9[%swap3A_64, %swap3A_65], %swap3A_68 {strides = array<i32>} : memref<80x128xf32, #tpu.memory_space<vmem>>, vector<1x16xf32>,
        %get3A_69 = arith.index_cast %scan3A_28 : i32 to index
        %get3A_70 = arith.constant 48 : index
        %get3A_71 = tpu.vector_load %arg9[%get3A_69, %get3A_70] {strides = array<i32>} : memref<80x128xf32, #tpu.memory_space<vmem>>, vector<1x16xf32>,
        %get3A_72 = vector.shape_cast %get3A_71 : vector<1x16xf32> to vector<16xf32>
        %get3A_73 = arith.index_cast %scan3A_28 : i32 to index
        %get3A_74 = arith.constant 48 : index
        %get3A_75 = tpu.vector_load %arg10[%get3A_73, %get3A_74] {strides = array<i32>} : memref<80x128xf32, #tpu.memory_space<vmem>>, vector<1x16xf32>,
        %get3A_76 = vector.shape_cast %get3A_75 : vector<1x16xf32> to vector<16xf32>
        %add3A_77 = arith.addf %get3A_72, %get3A_76 : vector<16xf32>
        %swap3A_78 = arith.index_cast %scan3A_28 : i32 to index
        %swap3A_79 = arith.constant 48 : index
        %swap3A_80 = tpu.vector_load %arg9[%swap3A_78, %swap3A_79] {strides = array<i32>} : memref<80x128xf32, #tpu.memory_space<vmem>>, vector<1x16xf32>,
        %swap3A_81 = vector.shape_cast %swap3A_80 : vector<1x16xf32> to vector<16xf32>
        %swap3A_82 = vector.shape_cast %add3A_77 : vector<16xf32> to vector<1x16xf32>
        tpu.vector_store %arg9[%swap3A_78, %swap3A_79], %swap3A_82 {strides = array<i32>} : memref<80x128xf32, #tpu.memory_space<vmem>>, vector<1x16xf32>,
        %get3A_83 = arith.index_cast %scan3A_28 : i32 to index
        %get3A_84 = arith.constant 64 : index
        %get3A_85 = tpu.vector_load %arg9[%get3A_83, %get3A_84] {strides = array<i32>} : memref<80x128xf32, #tpu.memory_space<vmem>>, vector<1x16xf32>,
        %get3A_86 = vector.shape_cast %get3A_85 : vector<1x16xf32> to vector<16xf32>
        %get3A_87 = arith.index_cast %scan3A_28 : i32 to index
        %get3A_88 = arith.constant 64 : index
        %get3A_89 = tpu.vector_load %arg10[%get3A_87, %get3A_88] {strides = array<i32>} : memref<80x128xf32, #tpu.memory_space<vmem>>, vector<1x16xf32>,
        %get3A_90 = vector.shape_cast %get3A_89 : vector<1x16xf32> to vector<16xf32>
        %add3A_91 = arith.addf %get3A_86, %get3A_90 : vector<16xf32>
        %swap3A_92 = arith.index_cast %scan3A_28 : i32 to index
        %swap3A_93 = arith.constant 64 : index
        %swap3A_94 = tpu.vector_load %arg9[%swap3A_92, %swap3A_93] {strides = array<i32>} : memref<80x128xf32, #tpu.memory_space<vmem>>, vector<1x16xf32>,
        %swap3A_95 = vector.shape_cast %swap3A_94 : vector<1x16xf32> to vector<16xf32>
        %swap3A_96 = vector.shape_cast %add3A_91 : vector<16xf32> to vector<1x16xf32>
        tpu.vector_store %arg9[%swap3A_92, %swap3A_93], %swap3A_96 {strides = array<i32>} : memref<80x128xf32, #tpu.memory_space<vmem>>, vector<1x16xf32>,
        %get3A_97 = arith.index_cast %scan3A_28 : i32 to index
        %get3A_98 = arith.constant 80 : index
        %get3A_99 = tpu.vector_load %arg9[%get3A_97, %get3A_98] {strides = array<i32>} : memref<80x128xf32, #tpu.memory_space<vmem>>, vector<1x16xf32>,
        %get3A_100 = vector.shape_cast %get3A_99 : vector<1x16xf32> to vector<16xf32>
        %get3A_101 = arith.index_cast %scan3A_28 : i32 to index
        %get3A_102 = arith.constant 80 : index
        %get3A_103 = tpu.vector_load %arg10[%get3A_101, %get3A_102] {strides = array<i32>} : memref<80x128xf32, #tpu.memory_space<vmem>>, vector<1x16xf32>,
        %get3A_104 = vector.shape_cast %get3A_103 : vector<1x16xf32> to vector<16xf32>
        %add3A_105 = arith.addf %get3A_100, %get3A_104 : vector<16xf32>
        %swap3A_106 = arith.index_cast %scan3A_28 : i32 to index
        %swap3A_107 = arith.constant 80 : index
        %swap3A_108 = tpu.vector_load %arg9[%swap3A_106, %swap3A_107] {strides = array<i32>} : memref<80x128xf32, #tpu.memory_space<vmem>>, vector<1x16xf32>,
        %swap3A_109 = vector.shape_cast %swap3A_108 : vector<1x16xf32> to vector<16xf32>
        %swap3A_110 = vector.shape_cast %add3A_105 : vector<16xf32> to vector<1x16xf32>
        tpu.vector_store %arg9[%swap3A_106, %swap3A_107], %swap3A_110 {strides = array<i32>} : memref<80x128xf32, #tpu.memory_space<vmem>>, vector<1x16xf32>,
        %get3A_111 = arith.index_cast %scan3A_28 : i32 to index
        %get3A_112 = arith.constant 96 : index
        %get3A_113 = tpu.vector_load %arg9[%get3A_111, %get3A_112] {strides = array<i32>} : memref<80x128xf32, #tpu.memory_space<vmem>>, vector<1x16xf32>,
        %get3A_114 = vector.shape_cast %get3A_113 : vector<1x16xf32> to vector<16xf32>
        %get3A_115 = arith.index_cast %scan3A_28 : i32 to index
        %get3A_116 = arith.constant 96 : index
        %get3A_117 = tpu.vector_load %arg10[%get3A_115, %get3A_116] {strides = array<i32>} : memref<80x128xf32, #tpu.memory_space<vmem>>, vector<1x16xf32>,
        %get3A_118 = vector.shape_cast %get3A_117 : vector<1x16xf32> to vector<16xf32>
        %add3A_119 = arith.addf %get3A_114, %get3A_118 : vector<16xf32>
        %swap3A_120 = arith.index_cast %scan3A_28 : i32 to index
        %swap3A_121 = arith.constant 96 : index
        %swap3A_122 = tpu.vector_load %arg9[%swap3A_120, %swap3A_121] {strides = array<i32>} : memref<80x128xf32, #tpu.memory_space<vmem>>, vector<1x16xf32>,
        %swap3A_123 = vector.shape_cast %swap3A_122 : vector<1x16xf32> to vector<16xf32>
        %swap3A_124 = vector.shape_cast %add3A_119 : vector<16xf32> to vector<1x16xf32>
        tpu.vector_store %arg9[%swap3A_120, %swap3A_121], %swap3A_124 {strides = array<i32>} : memref<80x128xf32, #tpu.memory_space<vmem>>, vector<1x16xf32>,
        %get3A_125 = arith.index_cast %scan3A_28 : i32 to index
        %get3A_126 = arith.constant 112 : index
        %get3A_127 = tpu.vector_load %arg9[%get3A_125, %get3A_126] {strides = array<i32>} : memref<80x128xf32, #tpu.memory_space<vmem>>, vector<1x16xf32>,
        %get3A_128 = vector.shape_cast %get3A_127 : vector<1x16xf32> to vector<16xf32>
        %get3A_129 = arith.index_cast %scan3A_28 : i32 to index
        %get3A_130 = arith.constant 112 : index
        %get3A_131 = tpu.vector_load %arg10[%get3A_129, %get3A_130] {strides = array<i32>} : memref<80x128xf32, #tpu.memory_space<vmem>>, vector<1x16xf32>,
        %get3A_132 = vector.shape_cast %get3A_131 : vector<1x16xf32> to vector<16xf32>
        %add3A_133 = arith.addf %get3A_128, %get3A_132 : vector<16xf32>
        %swap3A_134 = arith.index_cast %scan3A_28 : i32 to index
        %swap3A_135 = arith.constant 112 : index
        %swap3A_136 = tpu.vector_load %arg9[%swap3A_134, %swap3A_135] {strides = array<i32>} : memref<80x128xf32, #tpu.memory_space<vmem>>, vector<1x16xf32>,
        %swap3A_137 = vector.shape_cast %swap3A_136 : vector<1x16xf32> to vector<16xf32>
        %swap3A_138 = vector.shape_cast %add3A_133 : vector<16xf32> to vector<1x16xf32>
        tpu.vector_store %arg9[%swap3A_134, %swap3A_135], %swap3A_138 {strides = array<i32>} : memref<80x128xf32, #tpu.memory_space<vmem>>, vector<1x16xf32>,
      }
      %scan3A_27 = arith.constant 80 : i32
      "tpu.region"() ({
        %run_scoped3A = tpu.sem_alloc : memref<!tpu.dma_semaphore, #tpu.memory_space<semaphore_mem>>
        %dma_start3A_28 = arith.constant 0 : i32
        %dma_start3A_29 = tpu.memref_slice %arg6[%add3A_11, %dma_start3A_28] : memref<657920x128xf32, #tpu.memory_space<hbm>> -> memref<80x128xf32, #tpu.memory_space<hbm>>
        %dma_start3A_30 = arith.constant 0 : i32
        %dma_start3A_31 = tpu.memref_slice %arg6[%add3A_11, %dma_start3A_30] : memref<657920x128xf32, #tpu.memory_space<hbm>> -> memref<80x128xf32, #tpu.memory_space<hbm>>
        tpu.enqueue_dma source(%arg9 : memref<80x128xf32, #tpu.memory_space<vmem>>) target(%dma_start3A_31 : memref<80x128xf32, #tpu.memory_space<hbm>>) target_semaphore(%run_scoped3A : memref<!tpu.dma_semaphore, #tpu.memory_space<semaphore_mem>>)
        %dma_wait3A_32 = arith.constant 0 : i32
        %dma_wait3A_33 = tpu.memref_slice %arg6[%add3A_11, %dma_wait3A_32] : memref<657920x128xf32, #tpu.memory_space<hbm>> -> memref<80x128xf32, #tpu.memory_space<hbm>>
        %dma_wait3A_34 = arith.constant 0 : i32
        %dma_wait3A_35 = tpu.memref_slice %arg6[%add3A_11, %dma_wait3A_34] : memref<657920x128xf32, #tpu.memory_space<hbm>> -> memref<80x128xf32, #tpu.memory_space<hbm>>
        tpu.wait_dma2 semaphore(%run_scoped3A : memref<!tpu.dma_semaphore, #tpu.memory_space<semaphore_mem>>) src(%arg9 : memref<80x128xf32, #tpu.memory_space<vmem>>) dst(%dma_wait3A_35 : memref<80x128xf32, #tpu.memory_space<hbm>>)
        tpu.yield
      }) : () -> ()
    }
    %scan3A_7 = arith.constant 257 : i32
    return
  }
}

#map = affine_map<(d0, d1) -> (0)>
#map1 = affine_map<(d0, d1) -> (0, 0)>
module attributes {stable_mosaic.version = 14 : i64} {
  func.func @_sc_bin_body(%arg0: i32, %arg1: i32, %arg2: memref<640000xi32, #tpu.memory_space<hbm>>, %arg3: memref<640000x128xf32, #tpu.memory_space<hbm>>, %arg4: memref<657920x128xf32, #tpu.memory_space<hbm>>, %arg5: memref<80xi32, #tpu.memory_space<vmem>>, %arg6: memref<80x128xf32, #tpu.memory_space<vmem>>, %arg7: memref<80x128xf32, #tpu.memory_space<vmem>>, %arg8: memref<!tpu.dma_semaphore, #tpu.memory_space<semaphore_mem>>) attributes {dimension_semantics = [#tpu.dimension_semantics<core_parallel>, #tpu.dimension_semantics<subcore_parallel>], iteration_bounds = array<i64: 1, 16>, scalar_prefetch = 0 : i64, scratch_operands = 4 : i64, tpu.core_type = #tpu.core_type<sc_vector_subcore>, window_params = [{transform_indices = #map}, {transform_indices = #map1}, {transform_indices = #map1}]} {
    %scan3A = arith.constant 0 : i32
    %scan3A_0 = arith.constant 0 : i32
    %scan3A_1 = arith.constant 80 : i32
    %scan3A_2 = arith.addi %scan3A_0, %scan3A_1 : i32
    %scan3A_3 = arith.constant 1 : i32
    scf.for %scan3A_17 = %scan3A_0 to %scan3A_2 step %scan3A_3  : i32 {
      %broadcast_in_dim3A = arith.constant -1.000000e+00 : f32
      %broadcast_in_dim3A_18 = vector.broadcast %broadcast_in_dim3A : f32 to vector<16xf32>
      %swap3A = arith.index_cast %scan3A_17 : i32 to index
      %swap3A_19 = arith.constant 0 : index
      %swap3A_20 = tpu.vector_load %arg7[%swap3A, %swap3A_19] {strides = array<i32>} : memref<80x128xf32, #tpu.memory_space<vmem>>, vector<1x16xf32>,
      %swap3A_21 = vector.shape_cast %swap3A_20 : vector<1x16xf32> to vector<16xf32>
      %swap3A_22 = vector.shape_cast %broadcast_in_dim3A_18 : vector<16xf32> to vector<1x16xf32>
      tpu.vector_store %arg7[%swap3A, %swap3A_19], %swap3A_22 {strides = array<i32>} : memref<80x128xf32, #tpu.memory_space<vmem>>, vector<1x16xf32>,
      %broadcast_in_dim3A_23 = arith.constant -1.000000e+00 : f32
      %broadcast_in_dim3A_24 = vector.broadcast %broadcast_in_dim3A_23 : f32 to vector<16xf32>
      %swap3A_25 = arith.index_cast %scan3A_17 : i32 to index
      %swap3A_26 = arith.constant 16 : index
      %swap3A_27 = tpu.vector_load %arg7[%swap3A_25, %swap3A_26] {strides = array<i32>} : memref<80x128xf32, #tpu.memory_space<vmem>>, vector<1x16xf32>,
      %swap3A_28 = vector.shape_cast %swap3A_27 : vector<1x16xf32> to vector<16xf32>
      %swap3A_29 = vector.shape_cast %broadcast_in_dim3A_24 : vector<16xf32> to vector<1x16xf32>
      tpu.vector_store %arg7[%swap3A_25, %swap3A_26], %swap3A_29 {strides = array<i32>} : memref<80x128xf32, #tpu.memory_space<vmem>>, vector<1x16xf32>,
      %broadcast_in_dim3A_30 = arith.constant -1.000000e+00 : f32
      %broadcast_in_dim3A_31 = vector.broadcast %broadcast_in_dim3A_30 : f32 to vector<16xf32>
      %swap3A_32 = arith.index_cast %scan3A_17 : i32 to index
      %swap3A_33 = arith.constant 32 : index
      %swap3A_34 = tpu.vector_load %arg7[%swap3A_32, %swap3A_33] {strides = array<i32>} : memref<80x128xf32, #tpu.memory_space<vmem>>, vector<1x16xf32>,
      %swap3A_35 = vector.shape_cast %swap3A_34 : vector<1x16xf32> to vector<16xf32>
      %swap3A_36 = vector.shape_cast %broadcast_in_dim3A_31 : vector<16xf32> to vector<1x16xf32>
      tpu.vector_store %arg7[%swap3A_32, %swap3A_33], %swap3A_36 {strides = array<i32>} : memref<80x128xf32, #tpu.memory_space<vmem>>, vector<1x16xf32>,
      %broadcast_in_dim3A_37 = arith.constant -1.000000e+00 : f32
      %broadcast_in_dim3A_38 = vector.broadcast %broadcast_in_dim3A_37 : f32 to vector<16xf32>
      %swap3A_39 = arith.index_cast %scan3A_17 : i32 to index
      %swap3A_40 = arith.constant 48 : index
      %swap3A_41 = tpu.vector_load %arg7[%swap3A_39, %swap3A_40] {strides = array<i32>} : memref<80x128xf32, #tpu.memory_space<vmem>>, vector<1x16xf32>,
      %swap3A_42 = vector.shape_cast %swap3A_41 : vector<1x16xf32> to vector<16xf32>
      %swap3A_43 = vector.shape_cast %broadcast_in_dim3A_38 : vector<16xf32> to vector<1x16xf32>
      tpu.vector_store %arg7[%swap3A_39, %swap3A_40], %swap3A_43 {strides = array<i32>} : memref<80x128xf32, #tpu.memory_space<vmem>>, vector<1x16xf32>,
      %broadcast_in_dim3A_44 = arith.constant -1.000000e+00 : f32
      %broadcast_in_dim3A_45 = vector.broadcast %broadcast_in_dim3A_44 : f32 to vector<16xf32>
      %swap3A_46 = arith.index_cast %scan3A_17 : i32 to index
      %swap3A_47 = arith.constant 64 : index
      %swap3A_48 = tpu.vector_load %arg7[%swap3A_46, %swap3A_47] {strides = array<i32>} : memref<80x128xf32, #tpu.memory_space<vmem>>, vector<1x16xf32>,
      %swap3A_49 = vector.shape_cast %swap3A_48 : vector<1x16xf32> to vector<16xf32>
      %swap3A_50 = vector.shape_cast %broadcast_in_dim3A_45 : vector<16xf32> to vector<1x16xf32>
      tpu.vector_store %arg7[%swap3A_46, %swap3A_47], %swap3A_50 {strides = array<i32>} : memref<80x128xf32, #tpu.memory_space<vmem>>, vector<1x16xf32>,
      %broadcast_in_dim3A_51 = arith.constant -1.000000e+00 : f32
      %broadcast_in_dim3A_52 = vector.broadcast %broadcast_in_dim3A_51 : f32 to vector<16xf32>
      %swap3A_53 = arith.index_cast %scan3A_17 : i32 to index
      %swap3A_54 = arith.constant 80 : index
      %swap3A_55 = tpu.vector_load %arg7[%swap3A_53, %swap3A_54] {strides = array<i32>} : memref<80x128xf32, #tpu.memory_space<vmem>>, vector<1x16xf32>,
      %swap3A_56 = vector.shape_cast %swap3A_55 : vector<1x16xf32> to vector<16xf32>
      %swap3A_57 = vector.shape_cast %broadcast_in_dim3A_52 : vector<16xf32> to vector<1x16xf32>
      tpu.vector_store %arg7[%swap3A_53, %swap3A_54], %swap3A_57 {strides = array<i32>} : memref<80x128xf32, #tpu.memory_space<vmem>>, vector<1x16xf32>,
      %broadcast_in_dim3A_58 = arith.constant -1.000000e+00 : f32
      %broadcast_in_dim3A_59 = vector.broadcast %broadcast_in_dim3A_58 : f32 to vector<16xf32>
      %swap3A_60 = arith.index_cast %scan3A_17 : i32 to index
      %swap3A_61 = arith.constant 96 : index
      %swap3A_62 = tpu.vector_load %arg7[%swap3A_60, %swap3A_61] {strides = array<i32>} : memref<80x128xf32, #tpu.memory_space<vmem>>, vector<1x16xf32>,
      %swap3A_63 = vector.shape_cast %swap3A_62 : vector<1x16xf32> to vector<16xf32>
      %swap3A_64 = vector.shape_cast %broadcast_in_dim3A_59 : vector<16xf32> to vector<1x16xf32>
      tpu.vector_store %arg7[%swap3A_60, %swap3A_61], %swap3A_64 {strides = array<i32>} : memref<80x128xf32, #tpu.memory_space<vmem>>, vector<1x16xf32>,
      %broadcast_in_dim3A_65 = arith.constant -1.000000e+00 : f32
      %broadcast_in_dim3A_66 = vector.broadcast %broadcast_in_dim3A_65 : f32 to vector<16xf32>
      %swap3A_67 = arith.index_cast %scan3A_17 : i32 to index
      %swap3A_68 = arith.constant 112 : index
      %swap3A_69 = tpu.vector_load %arg7[%swap3A_67, %swap3A_68] {strides = array<i32>} : memref<80x128xf32, #tpu.memory_space<vmem>>, vector<1x16xf32>,
      %swap3A_70 = vector.shape_cast %swap3A_69 : vector<1x16xf32> to vector<16xf32>
      %swap3A_71 = vector.shape_cast %broadcast_in_dim3A_66 : vector<16xf32> to vector<1x16xf32>
      tpu.vector_store %arg7[%swap3A_67, %swap3A_68], %swap3A_71 {strides = array<i32>} : memref<80x128xf32, #tpu.memory_space<vmem>>, vector<1x16xf32>,
    }
    %scan3A_4 = arith.constant 80 : i32
    %scan3A_5 = arith.constant 0 : i32
    %scan3A_6 = arith.constant 0 : i32
    %scan3A_7 = arith.constant 514 : i32
    %scan3A_8 = arith.addi %scan3A_6, %scan3A_7 : i32
    %scan3A_9 = arith.constant 1 : i32
    scf.for %scan3A_17 = %scan3A_6 to %scan3A_8 step %scan3A_9  : i32 {
      %mul3A = arith.constant 41120 : i32
      %mul3A_18 = arith.muli %arg1, %mul3A : i32
      %mul3A_19 = arith.constant 80 : i32
      %mul3A_20 = arith.muli %scan3A_17, %mul3A_19 : i32
      %add3A = arith.addi %mul3A_18, %mul3A_20 : i32
      "tpu.region"() ({
        %run_scoped3A = tpu.sem_alloc : memref<!tpu.dma_semaphore, #tpu.memory_space<semaphore_mem>>
        %dma_start3A = arith.constant 0 : i32
        %dma_start3A_21 = tpu.memref_slice %arg4[%add3A, %dma_start3A] : memref<657920x128xf32, #tpu.memory_space<hbm>> -> memref<80x128xf32, #tpu.memory_space<hbm>>
        %dma_start3A_22 = arith.constant 0 : i32
        %dma_start3A_23 = tpu.memref_slice %arg4[%add3A, %dma_start3A_22] : memref<657920x128xf32, #tpu.memory_space<hbm>> -> memref<80x128xf32, #tpu.memory_space<hbm>>
        tpu.enqueue_dma source(%arg7 : memref<80x128xf32, #tpu.memory_space<vmem>>) target(%dma_start3A_23 : memref<80x128xf32, #tpu.memory_space<hbm>>) target_semaphore(%run_scoped3A : memref<!tpu.dma_semaphore, #tpu.memory_space<semaphore_mem>>)
        %dma_wait3A = arith.constant 0 : i32
        %dma_wait3A_24 = tpu.memref_slice %arg4[%add3A, %dma_wait3A] : memref<657920x128xf32, #tpu.memory_space<hbm>> -> memref<80x128xf32, #tpu.memory_space<hbm>>
        %dma_wait3A_25 = arith.constant 0 : i32
        %dma_wait3A_26 = tpu.memref_slice %arg4[%add3A, %dma_wait3A_25] : memref<657920x128xf32, #tpu.memory_space<hbm>> -> memref<80x128xf32, #tpu.memory_space<hbm>>
        tpu.wait_dma2 semaphore(%run_scoped3A : memref<!tpu.dma_semaphore, #tpu.memory_space<semaphore_mem>>) src(%arg7 : memref<80x128xf32, #tpu.memory_space<vmem>>) dst(%dma_wait3A_26 : memref<80x128xf32, #tpu.memory_space<hbm>>)
        tpu.yield
      }) : () -> ()
    }
    %scan3A_10 = arith.constant 514 : i32
    %barrier3A = arith.constant 0 : index
    tpu.barrier barrier_id(%barrier3A)
    %scan3A_11 = arith.constant 0 : i32
    %scan3A_12 = arith.constant 0 : i32
    %scan3A_13 = arith.constant 500 : i32
    %scan3A_14 = arith.addi %scan3A_12, %scan3A_13 : i32
    %scan3A_15 = arith.constant 1 : i32
    scf.for %scan3A_17 = %scan3A_12 to %scan3A_14 step %scan3A_15  : i32 {
      %mul3A = arith.constant 40000 : i32
      %mul3A_18 = arith.muli %arg1, %mul3A : i32
      %mul3A_19 = arith.constant 80 : i32
      %mul3A_20 = arith.muli %scan3A_17, %mul3A_19 : i32
      %add3A = arith.addi %mul3A_18, %mul3A_20 : i32
      "tpu.region"() ({
        %run_scoped3A = tpu.sem_alloc : memref<!tpu.dma_semaphore, #tpu.memory_space<semaphore_mem>>
        %dma_start3A_27 = tpu.memref_slice %arg2[%add3A] : memref<640000xi32, #tpu.memory_space<hbm>> -> memref<80xi32, #tpu.memory_space<hbm>>
        %dma_start3A_28 = tpu.memref_slice %arg2[%add3A] : memref<640000xi32, #tpu.memory_space<hbm>> -> memref<80xi32, #tpu.memory_space<hbm>>
        tpu.enqueue_dma source(%dma_start3A_28 : memref<80xi32, #tpu.memory_space<hbm>>) target(%arg5 : memref<80xi32, #tpu.memory_space<vmem>>) target_semaphore(%run_scoped3A : memref<!tpu.dma_semaphore, #tpu.memory_space<semaphore_mem>>)
        %dma_wait3A_29 = tpu.memref_slice %arg2[%add3A] : memref<640000xi32, #tpu.memory_space<hbm>> -> memref<80xi32, #tpu.memory_space<hbm>>
        %dma_wait3A_30 = tpu.memref_slice %arg2[%add3A] : memref<640000xi32, #tpu.memory_space<hbm>> -> memref<80xi32, #tpu.memory_space<hbm>>
        tpu.wait_dma2 semaphore(%run_scoped3A : memref<!tpu.dma_semaphore, #tpu.memory_space<semaphore_mem>>) src(%dma_wait3A_30 : memref<80xi32, #tpu.memory_space<hbm>>) dst(%arg5 : memref<80xi32, #tpu.memory_space<vmem>>)
        tpu.yield
      }) : () -> ()
      %dma_start3A = arith.constant 0 : i32
      %dma_start3A_21 = tpu.memref_slice %arg3[%add3A, %dma_start3A] : memref<640000x128xf32, #tpu.memory_space<hbm>> -> memref<80x128xf32, #tpu.memory_space<hbm>>
      %dma_start3A_22 = arith.constant 0 : i32
      %dma_start3A_23 = tpu.memref_slice %arg3[%add3A, %dma_start3A_22] : memref<640000x128xf32, #tpu.memory_space<hbm>> -> memref<80x128xf32, #tpu.memory_space<hbm>>
      tpu.enqueue_dma source(%dma_start3A_23 : memref<80x128xf32, #tpu.memory_space<hbm>>) target(%arg6 : memref<80x128xf32, #tpu.memory_space<vmem>>) target_semaphore(%arg8 : memref<!tpu.dma_semaphore, #tpu.memory_space<semaphore_mem>>)
      %dma_wait3A = arith.constant 0 : i32
      %dma_wait3A_24 = tpu.memref_slice %arg3[%add3A, %dma_wait3A] : memref<640000x128xf32, #tpu.memory_space<hbm>> -> memref<80x128xf32, #tpu.memory_space<hbm>>
      %dma_wait3A_25 = arith.constant 0 : i32
      %dma_wait3A_26 = tpu.memref_slice %arg3[%add3A, %dma_wait3A_25] : memref<640000x128xf32, #tpu.memory_space<hbm>> -> memref<80x128xf32, #tpu.memory_space<hbm>>
      tpu.wait_dma2 semaphore(%arg8 : memref<!tpu.dma_semaphore, #tpu.memory_space<semaphore_mem>>) src(%dma_wait3A_26 : memref<80x128xf32, #tpu.memory_space<hbm>>) dst(%arg6 : memref<80x128xf32, #tpu.memory_space<vmem>>)
      "tpu.region"() ({
        %run_scoped3A = tpu.sem_alloc : memref<!tpu.dma_semaphore, #tpu.memory_space<semaphore_mem>>
        %dma_start3A_27 = arith.constant 0 : i32
        %dma_start3A_28 = arith.constant 0 : i32
        %dma_start3A_29 = tpu.memref_slice %arg4[%dma_start3A_27, %dma_start3A_28] : memref<657920x128xf32, #tpu.memory_space<hbm>> -> memref<657920x128xf32, #tpu.memory_space<hbm>>
        tpu.enqueue_indirect_dma source(%arg6 : memref<80x128xf32, #tpu.memory_space<vmem>>) target(%dma_start3A_29 : memref<657920x128xf32, #tpu.memory_space<hbm>>) offsets(%arg5 : memref<80xi32, #tpu.memory_space<vmem>>) semaphore(%run_scoped3A : memref<!tpu.dma_semaphore, #tpu.memory_space<semaphore_mem>>)
        %dma_wait3A_30 = arith.constant 0 : i32
        %dma_wait3A_31 = arith.constant 0 : i32
        %dma_wait3A_32 = tpu.memref_slice %arg4[%dma_wait3A_30, %dma_wait3A_31] : memref<657920x128xf32, #tpu.memory_space<hbm>> -> memref<657920x128xf32, #tpu.memory_space<hbm>>
        tpu.wait_indirect_dma semaphore(%run_scoped3A : memref<!tpu.dma_semaphore, #tpu.memory_space<semaphore_mem>>) src(%arg6 : memref<80x128xf32, #tpu.memory_space<vmem>>) dst(%dma_wait3A_32 : memref<657920x128xf32, #tpu.memory_space<hbm>>)
        tpu.yield
      }) : () -> ()
    }
    %scan3A_16 = arith.constant 500 : i32
    return
  }
}

#map = affine_map<(d0, d1) -> (0)>
#map1 = affine_map<(d0, d1) -> (0, 0)>
module attributes {stable_mosaic.version = 14 : i64} {
  func.func @_sc_gather_body(%arg0: i32, %arg1: i32, %arg2: memref<657920xi32, #tpu.memory_space<hbm>>, %arg3: memref<657920xi32, #tpu.memory_space<hbm>>, %arg4: memref<10000x128xf32, #tpu.memory_space<hbm>>, %arg5: memref<10000x128xf32, #tpu.memory_space<hbm>>, %arg6: memref<657920x128xf32, #tpu.memory_space<hbm>>, %arg7: memref<80xi32, #tpu.memory_space<vmem>>, %arg8: memref<80xi32, #tpu.memory_space<vmem>>, %arg9: memref<80x128xf32, #tpu.memory_space<vmem>>, %arg10: memref<80x128xf32, #tpu.memory_space<vmem>>, %arg11: memref<!tpu.dma_semaphore, #tpu.memory_space<semaphore_mem>>, %arg12: memref<!tpu.dma_semaphore, #tpu.memory_space<semaphore_mem>>) attributes {dimension_semantics = [#tpu.dimension_semantics<core_parallel>, #tpu.dimension_semantics<subcore_parallel>], iteration_bounds = array<i64: 2, 16>, scalar_prefetch = 0 : i64, scratch_operands = 6 : i64, tpu.core_type = #tpu.core_type<sc_vector_subcore>, window_params = [{transform_indices = #map}, {transform_indices = #map}, {transform_indices = #map1}, {transform_indices = #map1}, {transform_indices = #map1}]} {
    %mul3A = arith.constant 2 : i32
    %mul3A_0 = arith.muli %arg1, %mul3A : i32
    %add3A = arith.addi %mul3A_0, %arg0 : i32
    %mul3A_1 = arith.constant 20560 : i32
    %mul3A_2 = arith.muli %add3A, %mul3A_1 : i32
    %scan3A = arith.constant 0 : i32
    %scan3A_3 = arith.constant 0 : i32
    %scan3A_4 = arith.constant 257 : i32
    %scan3A_5 = arith.addi %scan3A_3, %scan3A_4 : i32
    %scan3A_6 = arith.constant 1 : i32
    scf.for %scan3A_8 = %scan3A_3 to %scan3A_5 step %scan3A_6  : i32 {
      %mul3A_9 = arith.constant 80 : i32
      %mul3A_10 = arith.muli %scan3A_8, %mul3A_9 : i32
      %add3A_11 = arith.addi %mul3A_2, %mul3A_10 : i32
      "tpu.region"() ({
        %run_scoped3A = tpu.sem_alloc : memref<!tpu.dma_semaphore, #tpu.memory_space<semaphore_mem>>
        %dma_start3A_28 = tpu.memref_slice %arg2[%add3A_11] : memref<657920xi32, #tpu.memory_space<hbm>> -> memref<80xi32, #tpu.memory_space<hbm>>
        %dma_start3A_29 = tpu.memref_slice %arg2[%add3A_11] : memref<657920xi32, #tpu.memory_space<hbm>> -> memref<80xi32, #tpu.memory_space<hbm>>
        tpu.enqueue_dma source(%dma_start3A_29 : memref<80xi32, #tpu.memory_space<hbm>>) target(%arg7 : memref<80xi32, #tpu.memory_space<vmem>>) target_semaphore(%run_scoped3A : memref<!tpu.dma_semaphore, #tpu.memory_space<semaphore_mem>>)
        %dma_wait3A_30 = tpu.memref_slice %arg2[%add3A_11] : memref<657920xi32, #tpu.memory_space<hbm>> -> memref<80xi32, #tpu.memory_space<hbm>>
        %dma_wait3A_31 = tpu.memref_slice %arg2[%add3A_11] : memref<657920xi32, #tpu.memory_space<hbm>> -> memref<80xi32, #tpu.memory_space<hbm>>
        tpu.wait_dma2 semaphore(%run_scoped3A : memref<!tpu.dma_semaphore, #tpu.memory_space<semaphore_mem>>) src(%dma_wait3A_31 : memref<80xi32, #tpu.memory_space<hbm>>) dst(%arg7 : memref<80xi32, #tpu.memory_space<vmem>>)
        tpu.yield
      }) : () -> ()
      "tpu.region"() ({
        %run_scoped3A = tpu.sem_alloc : memref<!tpu.dma_semaphore, #tpu.memory_space<semaphore_mem>>
        %dma_start3A_28 = tpu.memref_slice %arg3[%add3A_11] : memref<657920xi32, #tpu.memory_space<hbm>> -> memref<80xi32, #tpu.memory_space<hbm>>
        %dma_start3A_29 = tpu.memref_slice %arg3[%add3A_11] : memref<657920xi32, #tpu.memory_space<hbm>> -> memref<80xi32, #tpu.memory_space<hbm>>
        tpu.enqueue_dma source(%dma_start3A_29 : memref<80xi32, #tpu.memory_space<hbm>>) target(%arg8 : memref<80xi32, #tpu.memory_space<vmem>>) target_semaphore(%run_scoped3A : memref<!tpu.dma_semaphore, #tpu.memory_space<semaphore_mem>>)
        %dma_wait3A_30 = tpu.memref_slice %arg3[%add3A_11] : memref<657920xi32, #tpu.memory_space<hbm>> -> memref<80xi32, #tpu.memory_space<hbm>>
        %dma_wait3A_31 = tpu.memref_slice %arg3[%add3A_11] : memref<657920xi32, #tpu.memory_space<hbm>> -> memref<80xi32, #tpu.memory_space<hbm>>
        tpu.wait_dma2 semaphore(%run_scoped3A : memref<!tpu.dma_semaphore, #tpu.memory_space<semaphore_mem>>) src(%dma_wait3A_31 : memref<80xi32, #tpu.memory_space<hbm>>) dst(%arg8 : memref<80xi32, #tpu.memory_space<vmem>>)
        tpu.yield
      }) : () -> ()
      %dma_start3A = arith.constant 0 : i32
      %dma_start3A_12 = arith.constant 0 : i32
      %dma_start3A_13 = tpu.memref_slice %arg4[%dma_start3A, %dma_start3A_12] : memref<10000x128xf32, #tpu.memory_space<hbm>> -> memref<10000x128xf32, #tpu.memory_space<hbm>>
      tpu.enqueue_indirect_dma source(%dma_start3A_13 : memref<10000x128xf32, #tpu.memory_space<hbm>>) target(%arg9 : memref<80x128xf32, #tpu.memory_space<vmem>>) offsets(%arg7 : memref<80xi32, #tpu.memory_space<vmem>>) semaphore(%arg11 : memref<!tpu.dma_semaphore, #tpu.memory_space<semaphore_mem>>)
      %dma_start3A_14 = arith.constant 0 : i32
      %dma_start3A_15 = arith.constant 0 : i32
      %dma_start3A_16 = tpu.memref_slice %arg5[%dma_start3A_14, %dma_start3A_15] : memref<10000x128xf32, #tpu.memory_space<hbm>> -> memref<10000x128xf32, #tpu.memory_space<hbm>>
      tpu.enqueue_indirect_dma source(%dma_start3A_16 : memref<10000x128xf32, #tpu.memory_space<hbm>>) target(%arg10 : memref<80x128xf32, #tpu.memory_space<vmem>>) offsets(%arg8 : memref<80xi32, #tpu.memory_space<vmem>>) semaphore(%arg12 : memref<!tpu.dma_semaphore, #tpu.memory_space<semaphore_mem>>)
      %dma_wait3A = arith.constant 0 : i32
      %dma_wait3A_17 = arith.constant 0 : i32
      %dma_wait3A_18 = tpu.memref_slice %arg4[%dma_wait3A, %dma_wait3A_17] : memref<10000x128xf32, #tpu.memory_space<hbm>> -> memref<10000x128xf32, #tpu.memory_space<hbm>>
      tpu.wait_indirect_dma semaphore(%arg11 : memref<!tpu.dma_semaphore, #tpu.memory_space<semaphore_mem>>) src(%dma_wait3A_18 : memref<10000x128xf32, #tpu.memory_space<hbm>>) dst(%arg9 : memref<80x128xf32, #tpu.memory_space<vmem>>)
      %dma_wait3A_19 = arith.constant 0 : i32
      %dma_wait3A_20 = arith.constant 0 : i32
      %dma_wait3A_21 = tpu.memref_slice %arg5[%dma_wait3A_19, %dma_wait3A_20] : memref<10000x128xf32, #tpu.memory_space<hbm>> -> memref<10000x128xf32, #tpu.memory_space<hbm>>
      tpu.wait_indirect_dma semaphore(%arg12 : memref<!tpu.dma_semaphore, #tpu.memory_space<semaphore_mem>>) src(%dma_wait3A_21 : memref<10000x128xf32, #tpu.memory_space<hbm>>) dst(%arg10 : memref<80x128xf32, #tpu.memory_space<vmem>>)
      %scan3A_22 = arith.constant 0 : i32
      %scan3A_23 = arith.constant 0 : i32
      %scan3A_24 = arith.constant 80 : i32
      %scan3A_25 = arith.addi %scan3A_23, %scan3A_24 : i32
      %scan3A_26 = arith.constant 1 : i32
      scf.for %scan3A_28 = %scan3A_23 to %scan3A_25 step %scan3A_26  : i32 {
        %get3A = arith.index_cast %scan3A_28 : i32 to index
        %get3A_29 = arith.constant 0 : index
        %get3A_30 = tpu.vector_load %arg9[%get3A, %get3A_29] {strides = array<i32>} : memref<80x128xf32, #tpu.memory_space<vmem>>, vector<1x16xf32>,
        %get3A_31 = vector.shape_cast %get3A_30 : vector<1x16xf32> to vector<16xf32>
        %get3A_32 = arith.index_cast %scan3A_28 : i32 to index
        %get3A_33 = arith.constant 0 : index
        %get3A_34 = tpu.vector_load %arg10[%get3A_32, %get3A_33] {strides = array<i32>} : memref<80x128xf32, #tpu.memory_space<vmem>>, vector<1x16xf32>,
        %get3A_35 = vector.shape_cast %get3A_34 : vector<1x16xf32> to vector<16xf32>
        %add3A_36 = arith.addf %get3A_31, %get3A_35 : vector<16xf32>
        %swap3A = arith.index_cast %scan3A_28 : i32 to index
        %swap3A_37 = arith.constant 0 : index
        %swap3A_38 = tpu.vector_load %arg9[%swap3A, %swap3A_37] {strides = array<i32>} : memref<80x128xf32, #tpu.memory_space<vmem>>, vector<1x16xf32>,
        %swap3A_39 = vector.shape_cast %swap3A_38 : vector<1x16xf32> to vector<16xf32>
        %swap3A_40 = vector.shape_cast %add3A_36 : vector<16xf32> to vector<1x16xf32>
        tpu.vector_store %arg9[%swap3A, %swap3A_37], %swap3A_40 {strides = array<i32>} : memref<80x128xf32, #tpu.memory_space<vmem>>, vector<1x16xf32>,
        %get3A_41 = arith.index_cast %scan3A_28 : i32 to index
        %get3A_42 = arith.constant 16 : index
        %get3A_43 = tpu.vector_load %arg9[%get3A_41, %get3A_42] {strides = array<i32>} : memref<80x128xf32, #tpu.memory_space<vmem>>, vector<1x16xf32>,
        %get3A_44 = vector.shape_cast %get3A_43 : vector<1x16xf32> to vector<16xf32>
        %get3A_45 = arith.index_cast %scan3A_28 : i32 to index
        %get3A_46 = arith.constant 16 : index
        %get3A_47 = tpu.vector_load %arg10[%get3A_45, %get3A_46] {strides = array<i32>} : memref<80x128xf32, #tpu.memory_space<vmem>>, vector<1x16xf32>,
        %get3A_48 = vector.shape_cast %get3A_47 : vector<1x16xf32> to vector<16xf32>
        %add3A_49 = arith.addf %get3A_44, %get3A_48 : vector<16xf32>
        %swap3A_50 = arith.index_cast %scan3A_28 : i32 to index
        %swap3A_51 = arith.constant 16 : index
        %swap3A_52 = tpu.vector_load %arg9[%swap3A_50, %swap3A_51] {strides = array<i32>} : memref<80x128xf32, #tpu.memory_space<vmem>>, vector<1x16xf32>,
        %swap3A_53 = vector.shape_cast %swap3A_52 : vector<1x16xf32> to vector<16xf32>
        %swap3A_54 = vector.shape_cast %add3A_49 : vector<16xf32> to vector<1x16xf32>
        tpu.vector_store %arg9[%swap3A_50, %swap3A_51], %swap3A_54 {strides = array<i32>} : memref<80x128xf32, #tpu.memory_space<vmem>>, vector<1x16xf32>,
        %get3A_55 = arith.index_cast %scan3A_28 : i32 to index
        %get3A_56 = arith.constant 32 : index
        %get3A_57 = tpu.vector_load %arg9[%get3A_55, %get3A_56] {strides = array<i32>} : memref<80x128xf32, #tpu.memory_space<vmem>>, vector<1x16xf32>,
        %get3A_58 = vector.shape_cast %get3A_57 : vector<1x16xf32> to vector<16xf32>
        %get3A_59 = arith.index_cast %scan3A_28 : i32 to index
        %get3A_60 = arith.constant 32 : index
        %get3A_61 = tpu.vector_load %arg10[%get3A_59, %get3A_60] {strides = array<i32>} : memref<80x128xf32, #tpu.memory_space<vmem>>, vector<1x16xf32>,
        %get3A_62 = vector.shape_cast %get3A_61 : vector<1x16xf32> to vector<16xf32>
        %add3A_63 = arith.addf %get3A_58, %get3A_62 : vector<16xf32>
        %swap3A_64 = arith.index_cast %scan3A_28 : i32 to index
        %swap3A_65 = arith.constant 32 : index
        %swap3A_66 = tpu.vector_load %arg9[%swap3A_64, %swap3A_65] {strides = array<i32>} : memref<80x128xf32, #tpu.memory_space<vmem>>, vector<1x16xf32>,
        %swap3A_67 = vector.shape_cast %swap3A_66 : vector<1x16xf32> to vector<16xf32>
        %swap3A_68 = vector.shape_cast %add3A_63 : vector<16xf32> to vector<1x16xf32>
        tpu.vector_store %arg9[%swap3A_64, %swap3A_65], %swap3A_68 {strides = array<i32>} : memref<80x128xf32, #tpu.memory_space<vmem>>, vector<1x16xf32>,
        %get3A_69 = arith.index_cast %scan3A_28 : i32 to index
        %get3A_70 = arith.constant 48 : index
        %get3A_71 = tpu.vector_load %arg9[%get3A_69, %get3A_70] {strides = array<i32>} : memref<80x128xf32, #tpu.memory_space<vmem>>, vector<1x16xf32>,
        %get3A_72 = vector.shape_cast %get3A_71 : vector<1x16xf32> to vector<16xf32>
        %get3A_73 = arith.index_cast %scan3A_28 : i32 to index
        %get3A_74 = arith.constant 48 : index
        %get3A_75 = tpu.vector_load %arg10[%get3A_73, %get3A_74] {strides = array<i32>} : memref<80x128xf32, #tpu.memory_space<vmem>>, vector<1x16xf32>,
        %get3A_76 = vector.shape_cast %get3A_75 : vector<1x16xf32> to vector<16xf32>
        %add3A_77 = arith.addf %get3A_72, %get3A_76 : vector<16xf32>
        %swap3A_78 = arith.index_cast %scan3A_28 : i32 to index
        %swap3A_79 = arith.constant 48 : index
        %swap3A_80 = tpu.vector_load %arg9[%swap3A_78, %swap3A_79] {strides = array<i32>} : memref<80x128xf32, #tpu.memory_space<vmem>>, vector<1x16xf32>,
        %swap3A_81 = vector.shape_cast %swap3A_80 : vector<1x16xf32> to vector<16xf32>
        %swap3A_82 = vector.shape_cast %add3A_77 : vector<16xf32> to vector<1x16xf32>
        tpu.vector_store %arg9[%swap3A_78, %swap3A_79], %swap3A_82 {strides = array<i32>} : memref<80x128xf32, #tpu.memory_space<vmem>>, vector<1x16xf32>,
        %get3A_83 = arith.index_cast %scan3A_28 : i32 to index
        %get3A_84 = arith.constant 64 : index
        %get3A_85 = tpu.vector_load %arg9[%get3A_83, %get3A_84] {strides = array<i32>} : memref<80x128xf32, #tpu.memory_space<vmem>>, vector<1x16xf32>,
        %get3A_86 = vector.shape_cast %get3A_85 : vector<1x16xf32> to vector<16xf32>
        %get3A_87 = arith.index_cast %scan3A_28 : i32 to index
        %get3A_88 = arith.constant 64 : index
        %get3A_89 = tpu.vector_load %arg10[%get3A_87, %get3A_88] {strides = array<i32>} : memref<80x128xf32, #tpu.memory_space<vmem>>, vector<1x16xf32>,
        %get3A_90 = vector.shape_cast %get3A_89 : vector<1x16xf32> to vector<16xf32>
        %add3A_91 = arith.addf %get3A_86, %get3A_90 : vector<16xf32>
        %swap3A_92 = arith.index_cast %scan3A_28 : i32 to index
        %swap3A_93 = arith.constant 64 : index
        %swap3A_94 = tpu.vector_load %arg9[%swap3A_92, %swap3A_93] {strides = array<i32>} : memref<80x128xf32, #tpu.memory_space<vmem>>, vector<1x16xf32>,
        %swap3A_95 = vector.shape_cast %swap3A_94 : vector<1x16xf32> to vector<16xf32>
        %swap3A_96 = vector.shape_cast %add3A_91 : vector<16xf32> to vector<1x16xf32>
        tpu.vector_store %arg9[%swap3A_92, %swap3A_93], %swap3A_96 {strides = array<i32>} : memref<80x128xf32, #tpu.memory_space<vmem>>, vector<1x16xf32>,
        %get3A_97 = arith.index_cast %scan3A_28 : i32 to index
        %get3A_98 = arith.constant 80 : index
        %get3A_99 = tpu.vector_load %arg9[%get3A_97, %get3A_98] {strides = array<i32>} : memref<80x128xf32, #tpu.memory_space<vmem>>, vector<1x16xf32>,
        %get3A_100 = vector.shape_cast %get3A_99 : vector<1x16xf32> to vector<16xf32>
        %get3A_101 = arith.index_cast %scan3A_28 : i32 to index
        %get3A_102 = arith.constant 80 : index
        %get3A_103 = tpu.vector_load %arg10[%get3A_101, %get3A_102] {strides = array<i32>} : memref<80x128xf32, #tpu.memory_space<vmem>>, vector<1x16xf32>,
        %get3A_104 = vector.shape_cast %get3A_103 : vector<1x16xf32> to vector<16xf32>
        %add3A_105 = arith.addf %get3A_100, %get3A_104 : vector<16xf32>
        %swap3A_106 = arith.index_cast %scan3A_28 : i32 to index
        %swap3A_107 = arith.constant 80 : index
        %swap3A_108 = tpu.vector_load %arg9[%swap3A_106, %swap3A_107] {strides = array<i32>} : memref<80x128xf32, #tpu.memory_space<vmem>>, vector<1x16xf32>,
        %swap3A_109 = vector.shape_cast %swap3A_108 : vector<1x16xf32> to vector<16xf32>
        %swap3A_110 = vector.shape_cast %add3A_105 : vector<16xf32> to vector<1x16xf32>
        tpu.vector_store %arg9[%swap3A_106, %swap3A_107], %swap3A_110 {strides = array<i32>} : memref<80x128xf32, #tpu.memory_space<vmem>>, vector<1x16xf32>,
        %get3A_111 = arith.index_cast %scan3A_28 : i32 to index
        %get3A_112 = arith.constant 96 : index
        %get3A_113 = tpu.vector_load %arg9[%get3A_111, %get3A_112] {strides = array<i32>} : memref<80x128xf32, #tpu.memory_space<vmem>>, vector<1x16xf32>,
        %get3A_114 = vector.shape_cast %get3A_113 : vector<1x16xf32> to vector<16xf32>
        %get3A_115 = arith.index_cast %scan3A_28 : i32 to index
        %get3A_116 = arith.constant 96 : index
        %get3A_117 = tpu.vector_load %arg10[%get3A_115, %get3A_116] {strides = array<i32>} : memref<80x128xf32, #tpu.memory_space<vmem>>, vector<1x16xf32>,
        %get3A_118 = vector.shape_cast %get3A_117 : vector<1x16xf32> to vector<16xf32>
        %add3A_119 = arith.addf %get3A_114, %get3A_118 : vector<16xf32>
        %swap3A_120 = arith.index_cast %scan3A_28 : i32 to index
        %swap3A_121 = arith.constant 96 : index
        %swap3A_122 = tpu.vector_load %arg9[%swap3A_120, %swap3A_121] {strides = array<i32>} : memref<80x128xf32, #tpu.memory_space<vmem>>, vector<1x16xf32>,
        %swap3A_123 = vector.shape_cast %swap3A_122 : vector<1x16xf32> to vector<16xf32>
        %swap3A_124 = vector.shape_cast %add3A_119 : vector<16xf32> to vector<1x16xf32>
        tpu.vector_store %arg9[%swap3A_120, %swap3A_121], %swap3A_124 {strides = array<i32>} : memref<80x128xf32, #tpu.memory_space<vmem>>, vector<1x16xf32>,
        %get3A_125 = arith.index_cast %scan3A_28 : i32 to index
        %get3A_126 = arith.constant 112 : index
        %get3A_127 = tpu.vector_load %arg9[%get3A_125, %get3A_126] {strides = array<i32>} : memref<80x128xf32, #tpu.memory_space<vmem>>, vector<1x16xf32>,
        %get3A_128 = vector.shape_cast %get3A_127 : vector<1x16xf32> to vector<16xf32>
        %get3A_129 = arith.index_cast %scan3A_28 : i32 to index
        %get3A_130 = arith.constant 112 : index
        %get3A_131 = tpu.vector_load %arg10[%get3A_129, %get3A_130] {strides = array<i32>} : memref<80x128xf32, #tpu.memory_space<vmem>>, vector<1x16xf32>,
        %get3A_132 = vector.shape_cast %get3A_131 : vector<1x16xf32> to vector<16xf32>
        %add3A_133 = arith.addf %get3A_128, %get3A_132 : vector<16xf32>
        %swap3A_134 = arith.index_cast %scan3A_28 : i32 to index
        %swap3A_135 = arith.constant 112 : index
        %swap3A_136 = tpu.vector_load %arg9[%swap3A_134, %swap3A_135] {strides = array<i32>} : memref<80x128xf32, #tpu.memory_space<vmem>>, vector<1x16xf32>,
        %swap3A_137 = vector.shape_cast %swap3A_136 : vector<1x16xf32> to vector<16xf32>
        %swap3A_138 = vector.shape_cast %add3A_133 : vector<16xf32> to vector<1x16xf32>
        tpu.vector_store %arg9[%swap3A_134, %swap3A_135], %swap3A_138 {strides = array<i32>} : memref<80x128xf32, #tpu.memory_space<vmem>>, vector<1x16xf32>,
      }
      %scan3A_27 = arith.constant 80 : i32
      "tpu.region"() ({
        %run_scoped3A = tpu.sem_alloc : memref<!tpu.dma_semaphore, #tpu.memory_space<semaphore_mem>>
        %dma_start3A_28 = arith.constant 0 : i32
        %dma_start3A_29 = tpu.memref_slice %arg6[%add3A_11, %dma_start3A_28] : memref<657920x128xf32, #tpu.memory_space<hbm>> -> memref<80x128xf32, #tpu.memory_space<hbm>>
        %dma_start3A_30 = arith.constant 0 : i32
        %dma_start3A_31 = tpu.memref_slice %arg6[%add3A_11, %dma_start3A_30] : memref<657920x128xf32, #tpu.memory_space<hbm>> -> memref<80x128xf32, #tpu.memory_space<hbm>>
        tpu.enqueue_dma source(%arg9 : memref<80x128xf32, #tpu.memory_space<vmem>>) target(%dma_start3A_31 : memref<80x128xf32, #tpu.memory_space<hbm>>) target_semaphore(%run_scoped3A : memref<!tpu.dma_semaphore, #tpu.memory_space<semaphore_mem>>)
        %dma_wait3A_32 = arith.constant 0 : i32
        %dma_wait3A_33 = tpu.memref_slice %arg6[%add3A_11, %dma_wait3A_32] : memref<657920x128xf32, #tpu.memory_space<hbm>> -> memref<80x128xf32, #tpu.memory_space<hbm>>
        %dma_wait3A_34 = arith.constant 0 : i32
        %dma_wait3A_35 = tpu.memref_slice %arg6[%add3A_11, %dma_wait3A_34] : memref<657920x128xf32, #tpu.memory_space<hbm>> -> memref<80x128xf32, #tpu.memory_space<hbm>>
        tpu.wait_dma2 semaphore(%run_scoped3A : memref<!tpu.dma_semaphore, #tpu.memory_space<semaphore_mem>>) src(%arg9 : memref<80x128xf32, #tpu.memory_space<vmem>>) dst(%dma_wait3A_35 : memref<80x128xf32, #tpu.memory_space<hbm>>)
        tpu.yield
      }) : () -> ()
    }
    %scan3A_7 = arith.constant 257 : i32
    return
  }
}

#map = affine_map<(d0, d1) -> (0)>
#map1 = affine_map<(d0, d1) -> (0, 0)>
module attributes {stable_mosaic.version = 14 : i64} {
  func.func @_sc_gather_body(%arg0: i32, %arg1: i32, %arg2: memref<657920xi32, #tpu.memory_space<hbm>>, %arg3: memref<657920xi32, #tpu.memory_space<hbm>>, %arg4: memref<10000x128xf32, #tpu.memory_space<hbm>>, %arg5: memref<10000x128xf32, #tpu.memory_space<hbm>>, %arg6: memref<657920x128xf32, #tpu.memory_space<hbm>>, %arg7: memref<80xi32, #tpu.memory_space<vmem>>, %arg8: memref<80xi32, #tpu.memory_space<vmem>>, %arg9: memref<80x128xf32, #tpu.memory_space<vmem>>, %arg10: memref<80x128xf32, #tpu.memory_space<vmem>>, %arg11: memref<!tpu.dma_semaphore, #tpu.memory_space<semaphore_mem>>, %arg12: memref<!tpu.dma_semaphore, #tpu.memory_space<semaphore_mem>>) attributes {dimension_semantics = [#tpu.dimension_semantics<core_parallel>, #tpu.dimension_semantics<subcore_parallel>], iteration_bounds = array<i64: 2, 16>, scalar_prefetch = 0 : i64, scratch_operands = 6 : i64, tpu.core_type = #tpu.core_type<sc_vector_subcore>, window_params = [{transform_indices = #map}, {transform_indices = #map}, {transform_indices = #map1}, {transform_indices = #map1}, {transform_indices = #map1}]} {
    %mul3A = arith.constant 2 : i32
    %mul3A_0 = arith.muli %arg1, %mul3A : i32
    %add3A = arith.addi %mul3A_0, %arg0 : i32
    %mul3A_1 = arith.constant 20560 : i32
    %mul3A_2 = arith.muli %add3A, %mul3A_1 : i32
    %scan3A = arith.constant 0 : i32
    %scan3A_3 = arith.constant 0 : i32
    %scan3A_4 = arith.constant 257 : i32
    %scan3A_5 = arith.addi %scan3A_3, %scan3A_4 : i32
    %scan3A_6 = arith.constant 1 : i32
    scf.for %scan3A_8 = %scan3A_3 to %scan3A_5 step %scan3A_6  : i32 {
      %mul3A_9 = arith.constant 80 : i32
      %mul3A_10 = arith.muli %scan3A_8, %mul3A_9 : i32
      %add3A_11 = arith.addi %mul3A_2, %mul3A_10 : i32
      "tpu.region"() ({
        %run_scoped3A = tpu.sem_alloc : memref<!tpu.dma_semaphore, #tpu.memory_space<semaphore_mem>>
        %dma_start3A_28 = tpu.memref_slice %arg2[%add3A_11] : memref<657920xi32, #tpu.memory_space<hbm>> -> memref<80xi32, #tpu.memory_space<hbm>>
        %dma_start3A_29 = tpu.memref_slice %arg2[%add3A_11] : memref<657920xi32, #tpu.memory_space<hbm>> -> memref<80xi32, #tpu.memory_space<hbm>>
        tpu.enqueue_dma source(%dma_start3A_29 : memref<80xi32, #tpu.memory_space<hbm>>) target(%arg7 : memref<80xi32, #tpu.memory_space<vmem>>) target_semaphore(%run_scoped3A : memref<!tpu.dma_semaphore, #tpu.memory_space<semaphore_mem>>)
        %dma_wait3A_30 = tpu.memref_slice %arg2[%add3A_11] : memref<657920xi32, #tpu.memory_space<hbm>> -> memref<80xi32, #tpu.memory_space<hbm>>
        %dma_wait3A_31 = tpu.memref_slice %arg2[%add3A_11] : memref<657920xi32, #tpu.memory_space<hbm>> -> memref<80xi32, #tpu.memory_space<hbm>>
        tpu.wait_dma2 semaphore(%run_scoped3A : memref<!tpu.dma_semaphore, #tpu.memory_space<semaphore_mem>>) src(%dma_wait3A_31 : memref<80xi32, #tpu.memory_space<hbm>>) dst(%arg7 : memref<80xi32, #tpu.memory_space<vmem>>)
        tpu.yield
      }) : () -> ()
      "tpu.region"() ({
        %run_scoped3A = tpu.sem_alloc : memref<!tpu.dma_semaphore, #tpu.memory_space<semaphore_mem>>
        %dma_start3A_28 = tpu.memref_slice %arg3[%add3A_11] : memref<657920xi32, #tpu.memory_space<hbm>> -> memref<80xi32, #tpu.memory_space<hbm>>
        %dma_start3A_29 = tpu.memref_slice %arg3[%add3A_11] : memref<657920xi32, #tpu.memory_space<hbm>> -> memref<80xi32, #tpu.memory_space<hbm>>
        tpu.enqueue_dma source(%dma_start3A_29 : memref<80xi32, #tpu.memory_space<hbm>>) target(%arg8 : memref<80xi32, #tpu.memory_space<vmem>>) target_semaphore(%run_scoped3A : memref<!tpu.dma_semaphore, #tpu.memory_space<semaphore_mem>>)
        %dma_wait3A_30 = tpu.memref_slice %arg3[%add3A_11] : memref<657920xi32, #tpu.memory_space<hbm>> -> memref<80xi32, #tpu.memory_space<hbm>>
        %dma_wait3A_31 = tpu.memref_slice %arg3[%add3A_11] : memref<657920xi32, #tpu.memory_space<hbm>> -> memref<80xi32, #tpu.memory_space<hbm>>
        tpu.wait_dma2 semaphore(%run_scoped3A : memref<!tpu.dma_semaphore, #tpu.memory_space<semaphore_mem>>) src(%dma_wait3A_31 : memref<80xi32, #tpu.memory_space<hbm>>) dst(%arg8 : memref<80xi32, #tpu.memory_space<vmem>>)
        tpu.yield
      }) : () -> ()
      %dma_start3A = arith.constant 0 : i32
      %dma_start3A_12 = arith.constant 0 : i32
      %dma_start3A_13 = tpu.memref_slice %arg4[%dma_start3A, %dma_start3A_12] : memref<10000x128xf32, #tpu.memory_space<hbm>> -> memref<10000x128xf32, #tpu.memory_space<hbm>>
      tpu.enqueue_indirect_dma source(%dma_start3A_13 : memref<10000x128xf32, #tpu.memory_space<hbm>>) target(%arg9 : memref<80x128xf32, #tpu.memory_space<vmem>>) offsets(%arg7 : memref<80xi32, #tpu.memory_space<vmem>>) semaphore(%arg11 : memref<!tpu.dma_semaphore, #tpu.memory_space<semaphore_mem>>)
      %dma_start3A_14 = arith.constant 0 : i32
      %dma_start3A_15 = arith.constant 0 : i32
      %dma_start3A_16 = tpu.memref_slice %arg5[%dma_start3A_14, %dma_start3A_15] : memref<10000x128xf32, #tpu.memory_space<hbm>> -> memref<10000x128xf32, #tpu.memory_space<hbm>>
      tpu.enqueue_indirect_dma source(%dma_start3A_16 : memref<10000x128xf32, #tpu.memory_space<hbm>>) target(%arg10 : memref<80x128xf32, #tpu.memory_space<vmem>>) offsets(%arg8 : memref<80xi32, #tpu.memory_space<vmem>>) semaphore(%arg12 : memref<!tpu.dma_semaphore, #tpu.memory_space<semaphore_mem>>)
      %dma_wait3A = arith.constant 0 : i32
      %dma_wait3A_17 = arith.constant 0 : i32
      %dma_wait3A_18 = tpu.memref_slice %arg4[%dma_wait3A, %dma_wait3A_17] : memref<10000x128xf32, #tpu.memory_space<hbm>> -> memref<10000x128xf32, #tpu.memory_space<hbm>>
      tpu.wait_indirect_dma semaphore(%arg11 : memref<!tpu.dma_semaphore, #tpu.memory_space<semaphore_mem>>) src(%dma_wait3A_18 : memref<10000x128xf32, #tpu.memory_space<hbm>>) dst(%arg9 : memref<80x128xf32, #tpu.memory_space<vmem>>)
      %dma_wait3A_19 = arith.constant 0 : i32
      %dma_wait3A_20 = arith.constant 0 : i32
      %dma_wait3A_21 = tpu.memref_slice %arg5[%dma_wait3A_19, %dma_wait3A_20] : memref<10000x128xf32, #tpu.memory_space<hbm>> -> memref<10000x128xf32, #tpu.memory_space<hbm>>
      tpu.wait_indirect_dma semaphore(%arg12 : memref<!tpu.dma_semaphore, #tpu.memory_space<semaphore_mem>>) src(%dma_wait3A_21 : memref<10000x128xf32, #tpu.memory_space<hbm>>) dst(%arg10 : memref<80x128xf32, #tpu.memory_space<vmem>>)
      %scan3A_22 = arith.constant 0 : i32
      %scan3A_23 = arith.constant 0 : i32
      %scan3A_24 = arith.constant 80 : i32
      %scan3A_25 = arith.addi %scan3A_23, %scan3A_24 : i32
      %scan3A_26 = arith.constant 1 : i32
      scf.for %scan3A_28 = %scan3A_23 to %scan3A_25 step %scan3A_26  : i32 {
        %get3A = arith.index_cast %scan3A_28 : i32 to index
        %get3A_29 = arith.constant 0 : index
        %get3A_30 = tpu.vector_load %arg9[%get3A, %get3A_29] {strides = array<i32>} : memref<80x128xf32, #tpu.memory_space<vmem>>, vector<1x16xf32>,
        %get3A_31 = vector.shape_cast %get3A_30 : vector<1x16xf32> to vector<16xf32>
        %get3A_32 = arith.index_cast %scan3A_28 : i32 to index
        %get3A_33 = arith.constant 0 : index
        %get3A_34 = tpu.vector_load %arg10[%get3A_32, %get3A_33] {strides = array<i32>} : memref<80x128xf32, #tpu.memory_space<vmem>>, vector<1x16xf32>,
        %get3A_35 = vector.shape_cast %get3A_34 : vector<1x16xf32> to vector<16xf32>
        %add3A_36 = arith.addf %get3A_31, %get3A_35 : vector<16xf32>
        %swap3A = arith.index_cast %scan3A_28 : i32 to index
        %swap3A_37 = arith.constant 0 : index
        %swap3A_38 = tpu.vector_load %arg9[%swap3A, %swap3A_37] {strides = array<i32>} : memref<80x128xf32, #tpu.memory_space<vmem>>, vector<1x16xf32>,
        %swap3A_39 = vector.shape_cast %swap3A_38 : vector<1x16xf32> to vector<16xf32>
        %swap3A_40 = vector.shape_cast %add3A_36 : vector<16xf32> to vector<1x16xf32>
        tpu.vector_store %arg9[%swap3A, %swap3A_37], %swap3A_40 {strides = array<i32>} : memref<80x128xf32, #tpu.memory_space<vmem>>, vector<1x16xf32>,
        %get3A_41 = arith.index_cast %scan3A_28 : i32 to index
        %get3A_42 = arith.constant 16 : index
        %get3A_43 = tpu.vector_load %arg9[%get3A_41, %get3A_42] {strides = array<i32>} : memref<80x128xf32, #tpu.memory_space<vmem>>, vector<1x16xf32>,
        %get3A_44 = vector.shape_cast %get3A_43 : vector<1x16xf32> to vector<16xf32>
        %get3A_45 = arith.index_cast %scan3A_28 : i32 to index
        %get3A_46 = arith.constant 16 : index
        %get3A_47 = tpu.vector_load %arg10[%get3A_45, %get3A_46] {strides = array<i32>} : memref<80x128xf32, #tpu.memory_space<vmem>>, vector<1x16xf32>,
        %get3A_48 = vector.shape_cast %get3A_47 : vector<1x16xf32> to vector<16xf32>
        %add3A_49 = arith.addf %get3A_44, %get3A_48 : vector<16xf32>
        %swap3A_50 = arith.index_cast %scan3A_28 : i32 to index
        %swap3A_51 = arith.constant 16 : index
        %swap3A_52 = tpu.vector_load %arg9[%swap3A_50, %swap3A_51] {strides = array<i32>} : memref<80x128xf32, #tpu.memory_space<vmem>>, vector<1x16xf32>,
        %swap3A_53 = vector.shape_cast %swap3A_52 : vector<1x16xf32> to vector<16xf32>
        %swap3A_54 = vector.shape_cast %add3A_49 : vector<16xf32> to vector<1x16xf32>
        tpu.vector_store %arg9[%swap3A_50, %swap3A_51], %swap3A_54 {strides = array<i32>} : memref<80x128xf32, #tpu.memory_space<vmem>>, vector<1x16xf32>,
        %get3A_55 = arith.index_cast %scan3A_28 : i32 to index
        %get3A_56 = arith.constant 32 : index
        %get3A_57 = tpu.vector_load %arg9[%get3A_55, %get3A_56] {strides = array<i32>} : memref<80x128xf32, #tpu.memory_space<vmem>>, vector<1x16xf32>,
        %get3A_58 = vector.shape_cast %get3A_57 : vector<1x16xf32> to vector<16xf32>
        %get3A_59 = arith.index_cast %scan3A_28 : i32 to index
        %get3A_60 = arith.constant 32 : index
        %get3A_61 = tpu.vector_load %arg10[%get3A_59, %get3A_60] {strides = array<i32>} : memref<80x128xf32, #tpu.memory_space<vmem>>, vector<1x16xf32>,
        %get3A_62 = vector.shape_cast %get3A_61 : vector<1x16xf32> to vector<16xf32>
        %add3A_63 = arith.addf %get3A_58, %get3A_62 : vector<16xf32>
        %swap3A_64 = arith.index_cast %scan3A_28 : i32 to index
        %swap3A_65 = arith.constant 32 : index
        %swap3A_66 = tpu.vector_load %arg9[%swap3A_64, %swap3A_65] {strides = array<i32>} : memref<80x128xf32, #tpu.memory_space<vmem>>, vector<1x16xf32>,
        %swap3A_67 = vector.shape_cast %swap3A_66 : vector<1x16xf32> to vector<16xf32>
        %swap3A_68 = vector.shape_cast %add3A_63 : vector<16xf32> to vector<1x16xf32>
        tpu.vector_store %arg9[%swap3A_64, %swap3A_65], %swap3A_68 {strides = array<i32>} : memref<80x128xf32, #tpu.memory_space<vmem>>, vector<1x16xf32>,
        %get3A_69 = arith.index_cast %scan3A_28 : i32 to index
        %get3A_70 = arith.constant 48 : index
        %get3A_71 = tpu.vector_load %arg9[%get3A_69, %get3A_70] {strides = array<i32>} : memref<80x128xf32, #tpu.memory_space<vmem>>, vector<1x16xf32>,
        %get3A_72 = vector.shape_cast %get3A_71 : vector<1x16xf32> to vector<16xf32>
        %get3A_73 = arith.index_cast %scan3A_28 : i32 to index
        %get3A_74 = arith.constant 48 : index
        %get3A_75 = tpu.vector_load %arg10[%get3A_73, %get3A_74] {strides = array<i32>} : memref<80x128xf32, #tpu.memory_space<vmem>>, vector<1x16xf32>,
        %get3A_76 = vector.shape_cast %get3A_75 : vector<1x16xf32> to vector<16xf32>
        %add3A_77 = arith.addf %get3A_72, %get3A_76 : vector<16xf32>
        %swap3A_78 = arith.index_cast %scan3A_28 : i32 to index
        %swap3A_79 = arith.constant 48 : index
        %swap3A_80 = tpu.vector_load %arg9[%swap3A_78, %swap3A_79] {strides = array<i32>} : memref<80x128xf32, #tpu.memory_space<vmem>>, vector<1x16xf32>,
        %swap3A_81 = vector.shape_cast %swap3A_80 : vector<1x16xf32> to vector<16xf32>
        %swap3A_82 = vector.shape_cast %add3A_77 : vector<16xf32> to vector<1x16xf32>
        tpu.vector_store %arg9[%swap3A_78, %swap3A_79], %swap3A_82 {strides = array<i32>} : memref<80x128xf32, #tpu.memory_space<vmem>>, vector<1x16xf32>,
        %get3A_83 = arith.index_cast %scan3A_28 : i32 to index
        %get3A_84 = arith.constant 64 : index
        %get3A_85 = tpu.vector_load %arg9[%get3A_83, %get3A_84] {strides = array<i32>} : memref<80x128xf32, #tpu.memory_space<vmem>>, vector<1x16xf32>,
        %get3A_86 = vector.shape_cast %get3A_85 : vector<1x16xf32> to vector<16xf32>
        %get3A_87 = arith.index_cast %scan3A_28 : i32 to index
        %get3A_88 = arith.constant 64 : index
        %get3A_89 = tpu.vector_load %arg10[%get3A_87, %get3A_88] {strides = array<i32>} : memref<80x128xf32, #tpu.memory_space<vmem>>, vector<1x16xf32>,
        %get3A_90 = vector.shape_cast %get3A_89 : vector<1x16xf32> to vector<16xf32>
        %add3A_91 = arith.addf %get3A_86, %get3A_90 : vector<16xf32>
        %swap3A_92 = arith.index_cast %scan3A_28 : i32 to index
        %swap3A_93 = arith.constant 64 : index
        %swap3A_94 = tpu.vector_load %arg9[%swap3A_92, %swap3A_93] {strides = array<i32>} : memref<80x128xf32, #tpu.memory_space<vmem>>, vector<1x16xf32>,
        %swap3A_95 = vector.shape_cast %swap3A_94 : vector<1x16xf32> to vector<16xf32>
        %swap3A_96 = vector.shape_cast %add3A_91 : vector<16xf32> to vector<1x16xf32>
        tpu.vector_store %arg9[%swap3A_92, %swap3A_93], %swap3A_96 {strides = array<i32>} : memref<80x128xf32, #tpu.memory_space<vmem>>, vector<1x16xf32>,
        %get3A_97 = arith.index_cast %scan3A_28 : i32 to index
        %get3A_98 = arith.constant 80 : index
        %get3A_99 = tpu.vector_load %arg9[%get3A_97, %get3A_98] {strides = array<i32>} : memref<80x128xf32, #tpu.memory_space<vmem>>, vector<1x16xf32>,
        %get3A_100 = vector.shape_cast %get3A_99 : vector<1x16xf32> to vector<16xf32>
        %get3A_101 = arith.index_cast %scan3A_28 : i32 to index
        %get3A_102 = arith.constant 80 : index
        %get3A_103 = tpu.vector_load %arg10[%get3A_101, %get3A_102] {strides = array<i32>} : memref<80x128xf32, #tpu.memory_space<vmem>>, vector<1x16xf32>,
        %get3A_104 = vector.shape_cast %get3A_103 : vector<1x16xf32> to vector<16xf32>
        %add3A_105 = arith.addf %get3A_100, %get3A_104 : vector<16xf32>
        %swap3A_106 = arith.index_cast %scan3A_28 : i32 to index
        %swap3A_107 = arith.constant 80 : index
        %swap3A_108 = tpu.vector_load %arg9[%swap3A_106, %swap3A_107] {strides = array<i32>} : memref<80x128xf32, #tpu.memory_space<vmem>>, vector<1x16xf32>,
        %swap3A_109 = vector.shape_cast %swap3A_108 : vector<1x16xf32> to vector<16xf32>
        %swap3A_110 = vector.shape_cast %add3A_105 : vector<16xf32> to vector<1x16xf32>
        tpu.vector_store %arg9[%swap3A_106, %swap3A_107], %swap3A_110 {strides = array<i32>} : memref<80x128xf32, #tpu.memory_space<vmem>>, vector<1x16xf32>,
        %get3A_111 = arith.index_cast %scan3A_28 : i32 to index
        %get3A_112 = arith.constant 96 : index
        %get3A_113 = tpu.vector_load %arg9[%get3A_111, %get3A_112] {strides = array<i32>} : memref<80x128xf32, #tpu.memory_space<vmem>>, vector<1x16xf32>,
        %get3A_114 = vector.shape_cast %get3A_113 : vector<1x16xf32> to vector<16xf32>
        %get3A_115 = arith.index_cast %scan3A_28 : i32 to index
        %get3A_116 = arith.constant 96 : index
        %get3A_117 = tpu.vector_load %arg10[%get3A_115, %get3A_116] {strides = array<i32>} : memref<80x128xf32, #tpu.memory_space<vmem>>, vector<1x16xf32>,
        %get3A_118 = vector.shape_cast %get3A_117 : vector<1x16xf32> to vector<16xf32>
        %add3A_119 = arith.addf %get3A_114, %get3A_118 : vector<16xf32>
        %swap3A_120 = arith.index_cast %scan3A_28 : i32 to index
        %swap3A_121 = arith.constant 96 : index
        %swap3A_122 = tpu.vector_load %arg9[%swap3A_120, %swap3A_121] {strides = array<i32>} : memref<80x128xf32, #tpu.memory_space<vmem>>, vector<1x16xf32>,
        %swap3A_123 = vector.shape_cast %swap3A_122 : vector<1x16xf32> to vector<16xf32>
        %swap3A_124 = vector.shape_cast %add3A_119 : vector<16xf32> to vector<1x16xf32>
        tpu.vector_store %arg9[%swap3A_120, %swap3A_121], %swap3A_124 {strides = array<i32>} : memref<80x128xf32, #tpu.memory_space<vmem>>, vector<1x16xf32>,
        %get3A_125 = arith.index_cast %scan3A_28 : i32 to index
        %get3A_126 = arith.constant 112 : index
        %get3A_127 = tpu.vector_load %arg9[%get3A_125, %get3A_126] {strides = array<i32>} : memref<80x128xf32, #tpu.memory_space<vmem>>, vector<1x16xf32>,
        %get3A_128 = vector.shape_cast %get3A_127 : vector<1x16xf32> to vector<16xf32>
        %get3A_129 = arith.index_cast %scan3A_28 : i32 to index
        %get3A_130 = arith.constant 112 : index
        %get3A_131 = tpu.vector_load %arg10[%get3A_129, %get3A_130] {strides = array<i32>} : memref<80x128xf32, #tpu.memory_space<vmem>>, vector<1x16xf32>,
        %get3A_132 = vector.shape_cast %get3A_131 : vector<1x16xf32> to vector<16xf32>
        %add3A_133 = arith.addf %get3A_128, %get3A_132 : vector<16xf32>
        %swap3A_134 = arith.index_cast %scan3A_28 : i32 to index
        %swap3A_135 = arith.constant 112 : index
        %swap3A_136 = tpu.vector_load %arg9[%swap3A_134, %swap3A_135] {strides = array<i32>} : memref<80x128xf32, #tpu.memory_space<vmem>>, vector<1x16xf32>,
        %swap3A_137 = vector.shape_cast %swap3A_136 : vector<1x16xf32> to vector<16xf32>
        %swap3A_138 = vector.shape_cast %add3A_133 : vector<16xf32> to vector<1x16xf32>
        tpu.vector_store %arg9[%swap3A_134, %swap3A_135], %swap3A_138 {strides = array<i32>} : memref<80x128xf32, #tpu.memory_space<vmem>>, vector<1x16xf32>,
      }
      %scan3A_27 = arith.constant 80 : i32
      "tpu.region"() ({
        %run_scoped3A = tpu.sem_alloc : memref<!tpu.dma_semaphore, #tpu.memory_space<semaphore_mem>>
        %dma_start3A_28 = arith.constant 0 : i32
        %dma_start3A_29 = tpu.memref_slice %arg6[%add3A_11, %dma_start3A_28] : memref<657920x128xf32, #tpu.memory_space<hbm>> -> memref<80x128xf32, #tpu.memory_space<hbm>>
        %dma_start3A_30 = arith.constant 0 : i32
        %dma_start3A_31 = tpu.memref_slice %arg6[%add3A_11, %dma_start3A_30] : memref<657920x128xf32, #tpu.memory_space<hbm>> -> memref<80x128xf32, #tpu.memory_space<hbm>>
        tpu.enqueue_dma source(%arg9 : memref<80x128xf32, #tpu.memory_space<vmem>>) target(%dma_start3A_31 : memref<80x128xf32, #tpu.memory_space<hbm>>) target_semaphore(%run_scoped3A : memref<!tpu.dma_semaphore, #tpu.memory_space<semaphore_mem>>)
        %dma_wait3A_32 = arith.constant 0 : i32
        %dma_wait3A_33 = tpu.memref_slice %arg6[%add3A_11, %dma_wait3A_32] : memref<657920x128xf32, #tpu.memory_space<hbm>> -> memref<80x128xf32, #tpu.memory_space<hbm>>
        %dma_wait3A_34 = arith.constant 0 : i32
        %dma_wait3A_35 = tpu.memref_slice %arg6[%add3A_11, %dma_wait3A_34] : memref<657920x128xf32, #tpu.memory_space<hbm>> -> memref<80x128xf32, #tpu.memory_space<hbm>>
        tpu.wait_dma2 semaphore(%run_scoped3A : memref<!tpu.dma_semaphore, #tpu.memory_space<semaphore_mem>>) src(%arg9 : memref<80x128xf32, #tpu.memory_space<vmem>>) dst(%dma_wait3A_35 : memref<80x128xf32, #tpu.memory_space<hbm>>)
        tpu.yield
      }) : () -> ()
    }
    %scan3A_7 = arith.constant 257 : i32
    return
  }
}

module attributes {stable_mosaic.version = 14 : i64} {
  func.func @_pos_body(%arg0: i32, %arg1: memref<1x1x2560xi32, #tpu.memory_space<vmem>>, %arg2: memref<1x1x2560xi32, #tpu.memory_space<vmem>>, %arg3: memref<2560x16xf32, #tpu.memory_space<vmem>>, %arg4: memref<1x1x2560xi32, #tpu.memory_space<vmem>>, %arg5: memref<1x1x2560xi32, #tpu.memory_space<vmem>>, %arg6: memref<1x1x2560xi32, #tpu.memory_space<vmem>>, %arg7: memref<2560x128xf32, #tpu.memory_space<vmem>>) attributes {dimension_semantics = [#tpu.dimension_semantics<arbitrary>], iteration_bounds = array<i64: 250>, scalar_prefetch = 0 : i64, scratch_operands = 0 : i64, tpu.core_type = #tpu.core_type<tc>, window_params = [{transform_indices = @transform_0, window_bounds = array<i64: 1, 1, 2560>}, {transform_indices = @transform_1, window_bounds = array<i64: 1, 1, 2560>}, {transform_indices = @transform_2, window_bounds = array<i64: 2560, 16>}, {transform_indices = @transform_3, window_bounds = array<i64: 1, 1, 2560>}, {transform_indices = @transform_4, window_bounds = array<i64: 1, 1, 2560>}, {transform_indices = @transform_5, window_bounds = array<i64: 1, 1, 2560>}, {transform_indices = @transform_6, window_bounds = array<i64: 2560, 128>}]} {
    %get3A = arith.constant 0 : index
    %get3A_0 = arith.constant 0 : index
    %get3A_1 = arith.constant 0 : index
    %get3A_2 = vector.load %arg1[%get3A, %get3A_0, %get3A_1] : memref<1x1x2560xi32, #tpu.memory_space<vmem>>, vector<1x1x2560xi32>
    %get3A_3 = vector.shape_cast %get3A_2 : vector<1x1x2560xi32> to vector<2560xi32>
    %jit3A = arith.constant 320 : i32
    %div3A = vector.broadcast %jit3A : i32 to vector<2560xi32>
    %div3A_4 = arith.divsi %get3A_3, %div3A : vector<2560xi32>
    %sign3A = arith.constant 0 : i32
    %sign3A_5 = vector.broadcast %sign3A : i32 to vector<2560xi32>
    %sign3A_6 = arith.cmpi sgt, %get3A_3, %sign3A_5 : vector<2560xi32>
    %sign3A_7 = arith.extui %sign3A_6 : vector<2560xi1> to vector<2560xi32>
    %sign3A_8 = arith.constant 0 : i32
    %sign3A_9 = vector.broadcast %sign3A_8 : i32 to vector<2560xi32>
    %sign3A_10 = arith.cmpi slt, %get3A_3, %sign3A_9 : vector<2560xi32>
    %sign3A_11 = arith.extui %sign3A_10 : vector<2560xi1> to vector<2560xi32>
    %sign3A_12 = arith.subi %sign3A_7, %sign3A_11 : vector<2560xi32>
    %sign3A_13 = arith.constant 0 : i32
    %sign3A_14 = arith.cmpi sgt, %jit3A, %sign3A_13 : i32
    %sign3A_15 = arith.extui %sign3A_14 : i1 to i32
    %sign3A_16 = arith.constant 0 : i32
    %sign3A_17 = arith.cmpi slt, %jit3A, %sign3A_16 : i32
    %sign3A_18 = arith.extui %sign3A_17 : i1 to i32
    %sign3A_19 = arith.subi %sign3A_15, %sign3A_18 : i32
    %ne3A = vector.broadcast %sign3A_19 : i32 to vector<2560xi32>
    %ne3A_20 = arith.cmpi ne, %sign3A_12, %ne3A : vector<2560xi32>
    %rem3A = vector.broadcast %jit3A : i32 to vector<2560xi32>
    %rem3A_21 = arith.remsi %get3A_3, %rem3A : vector<2560xi32>
    %ne3A_22 = arith.constant 0 : i32
    %ne3A_23 = vector.broadcast %ne3A_22 : i32 to vector<2560xi32>
    %ne3A_24 = arith.cmpi ne, %rem3A_21, %ne3A_23 : vector<2560xi32>
    %and3A = arith.andi %ne3A_20, %ne3A_24 : vector<2560xi1>
    %sub3A = arith.constant 1 : i32
    %sub3A_25 = vector.broadcast %sub3A : i32 to vector<2560xi32>
    %sub3A_26 = arith.subi %div3A_4, %sub3A_25 : vector<2560xi32>
    %select_n3A = arith.select %and3A, %sub3A_26, %div3A_4 : vector<2560xi1>, vector<2560xi32>
    %get3A_27 = arith.constant 0 : index
    %get3A_28 = arith.constant 0 : index
    %get3A_29 = arith.constant 0 : index
    %get3A_30 = vector.load %arg4[%get3A_27, %get3A_28, %get3A_29] : memref<1x1x2560xi32, #tpu.memory_space<vmem>>, vector<1x1x2560xi32>
    %get3A_31 = vector.shape_cast %get3A_30 : vector<1x1x2560xi32> to vector<2560xi32>
    %get3A_32 = arith.constant 0 : index
    %get3A_33 = arith.constant 0 : index
    %get3A_34 = arith.constant 0 : index
    %get3A_35 = vector.load %arg5[%get3A_32, %get3A_33, %get3A_34] : memref<1x1x2560xi32, #tpu.memory_space<vmem>>, vector<1x1x2560xi32>
    %get3A_36 = vector.shape_cast %get3A_35 : vector<1x1x2560xi32> to vector<2560xi32>
    %min3A = arith.constant 2559 : i32
    %min3A_37 = vector.broadcast %min3A : i32 to vector<2560xi32>
    %min3A_38 = arith.minsi %get3A_36, %min3A_37 : vector<2560xi32>
    %lt3A = arith.constant 20480 : i32
    %lt3A_39 = vector.broadcast %lt3A : i32 to vector<2560xi32>
    %lt3A_40 = arith.cmpi slt, %get3A_31, %lt3A_39 : vector<2560xi32>
    %mul3A = arith.constant 20480 : i32
    %mul3A_41 = vector.broadcast %mul3A : i32 to vector<2560xi32>
    %mul3A_42 = arith.muli %select_n3A, %mul3A_41 : vector<2560xi32>
    %add3A = arith.addi %mul3A_42, %get3A_31 : vector<2560xi32>
    %add3A_43 = arith.constant 655360 : i32
    %add3A_44 = vector.broadcast %add3A_43 : i32 to vector<2560xi32>
    %add3A_45 = arith.addi %add3A_44, %min3A_38 : vector<2560xi32>
    %select_n3A_46 = arith.select %lt3A_40, %add3A, %add3A_45 : vector<2560xi1>, vector<2560xi32>
    %swap3A = arith.constant 0 : index
    %swap3A_47 = arith.constant 0 : index
    %swap3A_48 = arith.constant 0 : index
    %swap3A_49 = vector.load %arg6[%swap3A, %swap3A_47, %swap3A_48] : memref<1x1x2560xi32, #tpu.memory_space<vmem>>, vector<1x1x2560xi32>
    %swap3A_50 = vector.shape_cast %swap3A_49 : vector<1x1x2560xi32> to vector<2560xi32>
    %swap3A_51 = vector.shape_cast %select_n3A_46 : vector<2560xi32> to vector<1x1x2560xi32>
    tpu.vector_store %arg6[%swap3A, %swap3A_47, %swap3A_48], %swap3A_51 {strides = array<i32>} : memref<1x1x2560xi32, #tpu.memory_space<vmem>>, vector<1x1x2560xi32>,
    %bitcast_convert_type3A = tpu.bitcast %get3A_3 : vector<2560xi32> -> vector<2560xf32>
    %get3A_52 = arith.constant 0 : index
    %get3A_53 = arith.constant 0 : index
    %get3A_54 = arith.constant 0 : index
    %get3A_55 = vector.load %arg2[%get3A_52, %get3A_53, %get3A_54] : memref<1x1x2560xi32, #tpu.memory_space<vmem>>, vector<1x1x2560xi32>
    %get3A_56 = vector.shape_cast %get3A_55 : vector<1x1x2560xi32> to vector<2560xi32>
    %bitcast_convert_type3A_57 = tpu.bitcast %get3A_56 : vector<2560xi32> -> vector<2560xf32>
    %broadcast_in_dim3A = vector.shape_cast %bitcast_convert_type3A : vector<2560xf32> to vector<2560x1xf32>
    %broadcast_in_dim3A_58 = vector.shape_cast %bitcast_convert_type3A_57 : vector<2560xf32> to vector<2560x1xf32>
    %get3A_59 = arith.constant 0 : index
    %get3A_60 = arith.constant 0 : index
    %get3A_61 = vector.load %arg3[%get3A_59, %get3A_60] : memref<2560x16xf32, #tpu.memory_space<vmem>>, vector<2560x16xf32>
    %broadcast_in_dim3A_62 = arith.constant 0.000000e+00 : f32
    %broadcast_in_dim3A_63 = vector.broadcast %broadcast_in_dim3A_62 : f32 to vector<2560x110xf32>
    %concatenate3A = tpu.concatenate %broadcast_in_dim3A, %broadcast_in_dim3A_58, %get3A_61, %broadcast_in_dim3A_63 in 1 : vector<2560x1xf32>, vector<2560x1xf32>, vector<2560x16xf32>, vector<2560x110xf32> -> vector<2560x128xf32>
    %swap3A_64 = arith.constant 0 : index
    %swap3A_65 = arith.constant 0 : index
    %swap3A_66 = vector.load %arg7[%swap3A_64, %swap3A_65] : memref<2560x128xf32, #tpu.memory_space<vmem>>, vector<2560x128xf32>
    tpu.vector_store %arg7[%swap3A_64, %swap3A_65], %concatenate3A {strides = array<i32>} : memref<2560x128xf32, #tpu.memory_space<vmem>>, vector<2560x128xf32>,
    return
  }
  func.func @transform_0(%arg0: i32) -> (i32, i32, i32) {
    %c0_i32 = arith.constant 0 : i32
    %c0_i32_0 = arith.constant 0 : i32
    %c0_i32_1 = arith.constant 0 : i32
    return %arg0, %c0_i32, %c0_i32_0 : i32, i32, i32
  }
  func.func @transform_1(%arg0: i32) -> (i32, i32, i32) {
    %c0_i32 = arith.constant 0 : i32
    %c0_i32_0 = arith.constant 0 : i32
    %c0_i32_1 = arith.constant 0 : i32
    return %arg0, %c0_i32, %c0_i32_0 : i32, i32, i32
  }
  func.func @transform_2(%arg0: i32) -> (i32, i32) {
    %c0_i32 = arith.constant 0 : i32
    %c0_i32_0 = arith.constant 0 : i32
    return %arg0, %c0_i32 : i32, i32
  }
  func.func @transform_3(%arg0: i32) -> (i32, i32, i32) {
    %c0_i32 = arith.constant 0 : i32
    %c0_i32_0 = arith.constant 0 : i32
    %c0_i32_1 = arith.constant 0 : i32
    return %arg0, %c0_i32, %c0_i32_0 : i32, i32, i32
  }
  func.func @transform_4(%arg0: i32) -> (i32, i32, i32) {
    %c0_i32 = arith.constant 0 : i32
    %c0_i32_0 = arith.constant 0 : i32
    %c0_i32_1 = arith.constant 0 : i32
    return %arg0, %c0_i32, %c0_i32_0 : i32, i32, i32
  }
  func.func @transform_5(%arg0: i32) -> (i32, i32, i32) {
    %c0_i32 = arith.constant 0 : i32
    %c0_i32_0 = arith.constant 0 : i32
    %c0_i32_1 = arith.constant 0 : i32
    return %arg0, %c0_i32, %c0_i32_0 : i32, i32, i32
  }
  func.func @transform_6(%arg0: i32) -> (i32, i32) {
    %c0_i32 = arith.constant 0 : i32
    %c0_i32_0 = arith.constant 0 : i32
    return %arg0, %c0_i32 : i32, i32
  }
}

module attributes {stable_mosaic.version = 14 : i64} {
  func.func @_rank_body(%arg0: i32, %arg1: memref<1x1x2560xi32, #tpu.memory_space<vmem>>, %arg2: memref<1x1x2560xi32, #tpu.memory_space<vmem>>, %arg3: memref<1x1x2560xi32, #tpu.memory_space<vmem>>, %arg4: memref<1x32xf32, #tpu.memory_space<vmem>>, %arg5: memref<1x32xf32, #tpu.memory_space<vmem>>) attributes {dimension_semantics = [#tpu.dimension_semantics<arbitrary>], iteration_bounds = array<i64: 250>, scalar_prefetch = 0 : i64, scratch_operands = 2 : i64, tpu.core_type = #tpu.core_type<tc>, window_params = [{transform_indices = @transform_0, window_bounds = array<i64: 1, 1, 2560>}, {transform_indices = @transform_1, window_bounds = array<i64: 1, 1, 2560>}, {transform_indices = @transform_2, window_bounds = array<i64: 1, 1, 2560>}]} {
    %eq3A = arith.constant 0 : i32
    %eq3A_0 = arith.cmpi eq, %arg0, %eq3A : i32
    %convert_element_type3A = arith.extui %eq3A_0 : i1 to i32
    %cond3A = arith.constant 0 : i32
    %cond3A_1 = arith.cmpi ne, %convert_element_type3A, %cond3A : i32
    scf.if %cond3A_1 {
      %broadcast_in_dim3A_205 = arith.constant 0.000000e+00 : f32
      %broadcast_in_dim3A_206 = vector.broadcast %broadcast_in_dim3A_205 : f32 to vector<1x32xf32>
      %swap3A_207 = arith.constant 0 : index
      %swap3A_208 = arith.constant 0 : index
      %swap3A_209 = vector.load %arg4[%swap3A_207, %swap3A_208] : memref<1x32xf32, #tpu.memory_space<vmem>>, vector<1x32xf32>
      tpu.vector_store %arg4[%swap3A_207, %swap3A_208], %broadcast_in_dim3A_206 {strides = array<i32>} : memref<1x32xf32, #tpu.memory_space<vmem>>, vector<1x32xf32>,
      %broadcast_in_dim3A_210 = arith.constant 0.000000e+00 : f32
      %broadcast_in_dim3A_211 = vector.broadcast %broadcast_in_dim3A_210 : f32 to vector<1x32xf32>
      %swap3A_212 = arith.constant 0 : index
      %swap3A_213 = arith.constant 0 : index
      %swap3A_214 = vector.load %arg5[%swap3A_212, %swap3A_213] : memref<1x32xf32, #tpu.memory_space<vmem>>, vector<1x32xf32>
      tpu.vector_store %arg5[%swap3A_212, %swap3A_213], %broadcast_in_dim3A_211 {strides = array<i32>} : memref<1x32xf32, #tpu.memory_space<vmem>>, vector<1x32xf32>,
    } else {
    }
    %get3A = arith.constant 0 : index
    %get3A_2 = arith.constant 0 : index
    %get3A_3 = arith.constant 0 : index
    %get3A_4 = vector.load %arg1[%get3A, %get3A_2, %get3A_3] : memref<1x1x2560xi32, #tpu.memory_space<vmem>>, vector<1x1x2560xi32>
    %get3A_5 = vector.shape_cast %get3A_4 : vector<1x1x2560xi32> to vector<2560xi32>
    %jit3A = arith.constant 320 : i32
    %div3A = vector.broadcast %jit3A : i32 to vector<2560xi32>
    %div3A_6 = arith.divsi %get3A_5, %div3A : vector<2560xi32>
    %sign3A = arith.constant 0 : i32
    %sign3A_7 = vector.broadcast %sign3A : i32 to vector<2560xi32>
    %sign3A_8 = arith.cmpi sgt, %get3A_5, %sign3A_7 : vector<2560xi32>
    %sign3A_9 = arith.extui %sign3A_8 : vector<2560xi1> to vector<2560xi32>
    %sign3A_10 = arith.constant 0 : i32
    %sign3A_11 = vector.broadcast %sign3A_10 : i32 to vector<2560xi32>
    %sign3A_12 = arith.cmpi slt, %get3A_5, %sign3A_11 : vector<2560xi32>
    %sign3A_13 = arith.extui %sign3A_12 : vector<2560xi1> to vector<2560xi32>
    %sign3A_14 = arith.subi %sign3A_9, %sign3A_13 : vector<2560xi32>
    %sign3A_15 = arith.constant 0 : i32
    %sign3A_16 = arith.cmpi sgt, %jit3A, %sign3A_15 : i32
    %sign3A_17 = arith.extui %sign3A_16 : i1 to i32
    %sign3A_18 = arith.constant 0 : i32
    %sign3A_19 = arith.cmpi slt, %jit3A, %sign3A_18 : i32
    %sign3A_20 = arith.extui %sign3A_19 : i1 to i32
    %sign3A_21 = arith.subi %sign3A_17, %sign3A_20 : i32
    %ne3A = vector.broadcast %sign3A_21 : i32 to vector<2560xi32>
    %ne3A_22 = arith.cmpi ne, %sign3A_14, %ne3A : vector<2560xi32>
    %rem3A = vector.broadcast %jit3A : i32 to vector<2560xi32>
    %rem3A_23 = arith.remsi %get3A_5, %rem3A : vector<2560xi32>
    %ne3A_24 = arith.constant 0 : i32
    %ne3A_25 = vector.broadcast %ne3A_24 : i32 to vector<2560xi32>
    %ne3A_26 = arith.cmpi ne, %rem3A_23, %ne3A_25 : vector<2560xi32>
    %and3A = arith.andi %ne3A_22, %ne3A_26 : vector<2560xi1>
    %sub3A = arith.constant 1 : i32
    %sub3A_27 = vector.broadcast %sub3A : i32 to vector<2560xi32>
    %sub3A_28 = arith.subi %div3A_6, %sub3A_27 : vector<2560xi32>
    %select_n3A = arith.select %and3A, %sub3A_28, %div3A_6 : vector<2560xi1>, vector<2560xi32>
    %broadcast_in_dim3A = vector.shape_cast %select_n3A : vector<2560xi32> to vector<2560x1xi32>
    %iota3A = tpu.iota {dimensions = array<i32: 1>} : vector<2560x32xi32>
    %eq3A_29 = vector.broadcast %broadcast_in_dim3A : vector<2560x1xi32> to vector<2560x32xi32>
    %eq3A_30 = arith.cmpi eq, %eq3A_29, %iota3A : vector<2560x32xi32>
    %convert_element_type3A_31 = arith.extui %eq3A_30 : vector<2560x32xi1> to vector<2560x32xi32>
    %convert_element_type3A_32 = arith.sitofp %convert_element_type3A_31 : vector<2560x32xi32> to vector<2560x32xf32>
    %broadcast_in_dim3A_33 = arith.constant 0.000000e+00 : f32
    %broadcast_in_dim3A_34 = vector.broadcast %broadcast_in_dim3A_33 : f32 to vector<1x32xf32>
    %slice3A = vector.extract_strided_slice %convert_element_type3A_32 {offsets = [0, 0], sizes = [2559, 32], strides = [1, 1]} : vector<2560x32xf32> to vector<2559x32xf32>
    %concatenate3A = tpu.concatenate %broadcast_in_dim3A_34, %slice3A in 0 : vector<1x32xf32>, vector<2559x32xf32> -> vector<2560x32xf32>
    %add3A = arith.addf %convert_element_type3A_32, %concatenate3A : vector<2560x32xf32>
    %broadcast_in_dim3A_35 = arith.constant 0.000000e+00 : f32
    %broadcast_in_dim3A_36 = vector.broadcast %broadcast_in_dim3A_35 : f32 to vector<2x32xf32>
    %slice3A_37 = vector.extract_strided_slice %add3A {offsets = [0, 0], sizes = [2558, 32], strides = [1, 1]} : vector<2560x32xf32> to vector<2558x32xf32>
    %concatenate3A_38 = tpu.concatenate %broadcast_in_dim3A_36, %slice3A_37 in 0 : vector<2x32xf32>, vector<2558x32xf32> -> vector<2560x32xf32>
    %add3A_39 = arith.addf %add3A, %concatenate3A_38 : vector<2560x32xf32>
    %broadcast_in_dim3A_40 = arith.constant 0.000000e+00 : f32
    %broadcast_in_dim3A_41 = vector.broadcast %broadcast_in_dim3A_40 : f32 to vector<4x32xf32>
    %slice3A_42 = vector.extract_strided_slice %add3A_39 {offsets = [0, 0], sizes = [2556, 32], strides = [1, 1]} : vector<2560x32xf32> to vector<2556x32xf32>
    %concatenate3A_43 = tpu.concatenate %broadcast_in_dim3A_41, %slice3A_42 in 0 : vector<4x32xf32>, vector<2556x32xf32> -> vector<2560x32xf32>
    %add3A_44 = arith.addf %add3A_39, %concatenate3A_43 : vector<2560x32xf32>
    %broadcast_in_dim3A_45 = arith.constant 0.000000e+00 : f32
    %broadcast_in_dim3A_46 = vector.broadcast %broadcast_in_dim3A_45 : f32 to vector<8x32xf32>
    %slice3A_47 = vector.extract_strided_slice %add3A_44 {offsets = [0, 0], sizes = [2552, 32], strides = [1, 1]} : vector<2560x32xf32> to vector<2552x32xf32>
    %concatenate3A_48 = tpu.concatenate %broadcast_in_dim3A_46, %slice3A_47 in 0 : vector<8x32xf32>, vector<2552x32xf32> -> vector<2560x32xf32>
    %add3A_49 = arith.addf %add3A_44, %concatenate3A_48 : vector<2560x32xf32>
    %broadcast_in_dim3A_50 = arith.constant 0.000000e+00 : f32
    %broadcast_in_dim3A_51 = vector.broadcast %broadcast_in_dim3A_50 : f32 to vector<16x32xf32>
    %slice3A_52 = vector.extract_strided_slice %add3A_49 {offsets = [0, 0], sizes = [2544, 32], strides = [1, 1]} : vector<2560x32xf32> to vector<2544x32xf32>
    %concatenate3A_53 = tpu.concatenate %broadcast_in_dim3A_51, %slice3A_52 in 0 : vector<16x32xf32>, vector<2544x32xf32> -> vector<2560x32xf32>
    %add3A_54 = arith.addf %add3A_49, %concatenate3A_53 : vector<2560x32xf32>
    %broadcast_in_dim3A_55 = arith.constant 0.000000e+00 : f32
    %broadcast_in_dim3A_56 = vector.broadcast %broadcast_in_dim3A_55 : f32 to vector<32x32xf32>
    %slice3A_57 = vector.extract_strided_slice %add3A_54 {offsets = [0, 0], sizes = [2528, 32], strides = [1, 1]} : vector<2560x32xf32> to vector<2528x32xf32>
    %concatenate3A_58 = tpu.concatenate %broadcast_in_dim3A_56, %slice3A_57 in 0 : vector<32x32xf32>, vector<2528x32xf32> -> vector<2560x32xf32>
    %add3A_59 = arith.addf %add3A_54, %concatenate3A_58 : vector<2560x32xf32>
    %broadcast_in_dim3A_60 = arith.constant 0.000000e+00 : f32
    %broadcast_in_dim3A_61 = vector.broadcast %broadcast_in_dim3A_60 : f32 to vector<64x32xf32>
    %slice3A_62 = vector.extract_strided_slice %add3A_59 {offsets = [0, 0], sizes = [2496, 32], strides = [1, 1]} : vector<2560x32xf32> to vector<2496x32xf32>
    %concatenate3A_63 = tpu.concatenate %broadcast_in_dim3A_61, %slice3A_62 in 0 : vector<64x32xf32>, vector<2496x32xf32> -> vector<2560x32xf32>
    %add3A_64 = arith.addf %add3A_59, %concatenate3A_63 : vector<2560x32xf32>
    %broadcast_in_dim3A_65 = arith.constant 0.000000e+00 : f32
    %broadcast_in_dim3A_66 = vector.broadcast %broadcast_in_dim3A_65 : f32 to vector<128x32xf32>
    %slice3A_67 = vector.extract_strided_slice %add3A_64 {offsets = [0, 0], sizes = [2432, 32], strides = [1, 1]} : vector<2560x32xf32> to vector<2432x32xf32>
    %concatenate3A_68 = tpu.concatenate %broadcast_in_dim3A_66, %slice3A_67 in 0 : vector<128x32xf32>, vector<2432x32xf32> -> vector<2560x32xf32>
    %add3A_69 = arith.addf %add3A_64, %concatenate3A_68 : vector<2560x32xf32>
    %broadcast_in_dim3A_70 = arith.constant 0.000000e+00 : f32
    %broadcast_in_dim3A_71 = vector.broadcast %broadcast_in_dim3A_70 : f32 to vector<256x32xf32>
    %slice3A_72 = vector.extract_strided_slice %add3A_69 {offsets = [0, 0], sizes = [2304, 32], strides = [1, 1]} : vector<2560x32xf32> to vector<2304x32xf32>
    %concatenate3A_73 = tpu.concatenate %broadcast_in_dim3A_71, %slice3A_72 in 0 : vector<256x32xf32>, vector<2304x32xf32> -> vector<2560x32xf32>
    %add3A_74 = arith.addf %add3A_69, %concatenate3A_73 : vector<2560x32xf32>
    %broadcast_in_dim3A_75 = arith.constant 0.000000e+00 : f32
    %broadcast_in_dim3A_76 = vector.broadcast %broadcast_in_dim3A_75 : f32 to vector<512x32xf32>
    %slice3A_77 = vector.extract_strided_slice %add3A_74 {offsets = [0, 0], sizes = [2048, 32], strides = [1, 1]} : vector<2560x32xf32> to vector<2048x32xf32>
    %concatenate3A_78 = tpu.concatenate %broadcast_in_dim3A_76, %slice3A_77 in 0 : vector<512x32xf32>, vector<2048x32xf32> -> vector<2560x32xf32>
    %add3A_79 = arith.addf %add3A_74, %concatenate3A_78 : vector<2560x32xf32>
    %broadcast_in_dim3A_80 = arith.constant 0.000000e+00 : f32
    %broadcast_in_dim3A_81 = vector.broadcast %broadcast_in_dim3A_80 : f32 to vector<1024x32xf32>
    %slice3A_82 = vector.extract_strided_slice %add3A_79 {offsets = [0, 0], sizes = [1536, 32], strides = [1, 1]} : vector<2560x32xf32> to vector<1536x32xf32>
    %concatenate3A_83 = tpu.concatenate %broadcast_in_dim3A_81, %slice3A_82 in 0 : vector<1024x32xf32>, vector<1536x32xf32> -> vector<2560x32xf32>
    %add3A_84 = arith.addf %add3A_79, %concatenate3A_83 : vector<2560x32xf32>
    %broadcast_in_dim3A_85 = arith.constant 0.000000e+00 : f32
    %broadcast_in_dim3A_86 = vector.broadcast %broadcast_in_dim3A_85 : f32 to vector<2048x32xf32>
    %slice3A_87 = vector.extract_strided_slice %add3A_84 {offsets = [0, 0], sizes = [512, 32], strides = [1, 1]} : vector<2560x32xf32> to vector<512x32xf32>
    %concatenate3A_88 = tpu.concatenate %broadcast_in_dim3A_86, %slice3A_87 in 0 : vector<2048x32xf32>, vector<512x32xf32> -> vector<2560x32xf32>
    %add3A_89 = arith.addf %add3A_84, %concatenate3A_88 : vector<2560x32xf32>
    %sub3A_90 = arith.subf %add3A_89, %convert_element_type3A_32 : vector<2560x32xf32>
    %get3A_91 = arith.constant 0 : index
    %get3A_92 = arith.constant 0 : index
    %get3A_93 = vector.load %arg4[%get3A_91, %get3A_92] : memref<1x32xf32, #tpu.memory_space<vmem>>, vector<1x32xf32>
    %add3A_94 = vector.broadcast %get3A_93 : vector<1x32xf32> to vector<2560x32xf32>
    %add3A_95 = arith.addf %sub3A_90, %add3A_94 : vector<2560x32xf32>
    %mul3A = arith.mulf %add3A_95, %convert_element_type3A_32 : vector<2560x32xf32>
    %reduce_sum3A = arith.constant dense<0.000000e+00> : vector<2560xf32>
    %reduce_sum3A_96 = vector.multi_reduction <add>, %mul3A, %reduce_sum3A [1] : vector<2560x32xf32> to vector<2560xf32>
    %ge3A = arith.constant 2.048000e+04 : f32
    %ge3A_97 = vector.broadcast %ge3A : f32 to vector<2560xf32>
    %ge3A_98 = arith.cmpf oge, %reduce_sum3A_96, %ge3A_97 : vector<2560xf32>
    %convert_element_type3A_99 = arith.extui %ge3A_98 : vector<2560xi1> to vector<2560xi32>
    %convert_element_type3A_100 = arith.sitofp %convert_element_type3A_99 : vector<2560xi32> to vector<2560xf32>
    %broadcast_in_dim3A_101 = vector.shape_cast %convert_element_type3A_100 : vector<2560xf32> to vector<2560x1xf32>
    %broadcast_in_dim3A_102 = arith.constant 0.000000e+00 : f32
    %broadcast_in_dim3A_103 = vector.broadcast %broadcast_in_dim3A_102 : f32 to vector<1x1xf32>
    %slice3A_104 = vector.extract_strided_slice %broadcast_in_dim3A_101 {offsets = [0, 0], sizes = [2559, 1], strides = [1, 1]} : vector<2560x1xf32> to vector<2559x1xf32>
    %concatenate3A_105 = tpu.concatenate %broadcast_in_dim3A_103, %slice3A_104 in 0 : vector<1x1xf32>, vector<2559x1xf32> -> vector<2560x1xf32>
    %add3A_106 = arith.addf %broadcast_in_dim3A_101, %concatenate3A_105 : vector<2560x1xf32>
    %broadcast_in_dim3A_107 = arith.constant 0.000000e+00 : f32
    %broadcast_in_dim3A_108 = vector.broadcast %broadcast_in_dim3A_107 : f32 to vector<2x1xf32>
    %slice3A_109 = vector.extract_strided_slice %add3A_106 {offsets = [0, 0], sizes = [2558, 1], strides = [1, 1]} : vector<2560x1xf32> to vector<2558x1xf32>
    %concatenate3A_110 = tpu.concatenate %broadcast_in_dim3A_108, %slice3A_109 in 0 : vector<2x1xf32>, vector<2558x1xf32> -> vector<2560x1xf32>
    %add3A_111 = arith.addf %add3A_106, %concatenate3A_110 : vector<2560x1xf32>
    %broadcast_in_dim3A_112 = arith.constant 0.000000e+00 : f32
    %broadcast_in_dim3A_113 = vector.broadcast %broadcast_in_dim3A_112 : f32 to vector<4x1xf32>
    %slice3A_114 = vector.extract_strided_slice %add3A_111 {offsets = [0, 0], sizes = [2556, 1], strides = [1, 1]} : vector<2560x1xf32> to vector<2556x1xf32>
    %concatenate3A_115 = tpu.concatenate %broadcast_in_dim3A_113, %slice3A_114 in 0 : vector<4x1xf32>, vector<2556x1xf32> -> vector<2560x1xf32>
    %add3A_116 = arith.addf %add3A_111, %concatenate3A_115 : vector<2560x1xf32>
    %broadcast_in_dim3A_117 = arith.constant 0.000000e+00 : f32
    %broadcast_in_dim3A_118 = vector.broadcast %broadcast_in_dim3A_117 : f32 to vector<8x1xf32>
    %slice3A_119 = vector.extract_strided_slice %add3A_116 {offsets = [0, 0], sizes = [2552, 1], strides = [1, 1]} : vector<2560x1xf32> to vector<2552x1xf32>
    %concatenate3A_120 = tpu.concatenate %broadcast_in_dim3A_118, %slice3A_119 in 0 : vector<8x1xf32>, vector<2552x1xf32> -> vector<2560x1xf32>
    %add3A_121 = arith.addf %add3A_116, %concatenate3A_120 : vector<2560x1xf32>
    %broadcast_in_dim3A_122 = arith.constant 0.000000e+00 : f32
    %broadcast_in_dim3A_123 = vector.broadcast %broadcast_in_dim3A_122 : f32 to vector<16x1xf32>
    %slice3A_124 = vector.extract_strided_slice %add3A_121 {offsets = [0, 0], sizes = [2544, 1], strides = [1, 1]} : vector<2560x1xf32> to vector<2544x1xf32>
    %concatenate3A_125 = tpu.concatenate %broadcast_in_dim3A_123, %slice3A_124 in 0 : vector<16x1xf32>, vector<2544x1xf32> -> vector<2560x1xf32>
    %add3A_126 = arith.addf %add3A_121, %concatenate3A_125 : vector<2560x1xf32>
    %broadcast_in_dim3A_127 = arith.constant 0.000000e+00 : f32
    %broadcast_in_dim3A_128 = vector.broadcast %broadcast_in_dim3A_127 : f32 to vector<32x1xf32>
    %slice3A_129 = vector.extract_strided_slice %add3A_126 {offsets = [0, 0], sizes = [2528, 1], strides = [1, 1]} : vector<2560x1xf32> to vector<2528x1xf32>
    %concatenate3A_130 = tpu.concatenate %broadcast_in_dim3A_128, %slice3A_129 in 0 : vector<32x1xf32>, vector<2528x1xf32> -> vector<2560x1xf32>
    %add3A_131 = arith.addf %add3A_126, %concatenate3A_130 : vector<2560x1xf32>
    %broadcast_in_dim3A_132 = arith.constant 0.000000e+00 : f32
    %broadcast_in_dim3A_133 = vector.broadcast %broadcast_in_dim3A_132 : f32 to vector<64x1xf32>
    %slice3A_134 = vector.extract_strided_slice %add3A_131 {offsets = [0, 0], sizes = [2496, 1], strides = [1, 1]} : vector<2560x1xf32> to vector<2496x1xf32>
    %concatenate3A_135 = tpu.concatenate %broadcast_in_dim3A_133, %slice3A_134 in 0 : vector<64x1xf32>, vector<2496x1xf32> -> vector<2560x1xf32>
    %add3A_136 = arith.addf %add3A_131, %concatenate3A_135 : vector<2560x1xf32>
    %broadcast_in_dim3A_137 = arith.constant 0.000000e+00 : f32
    %broadcast_in_dim3A_138 = vector.broadcast %broadcast_in_dim3A_137 : f32 to vector<128x1xf32>
    %slice3A_139 = vector.extract_strided_slice %add3A_136 {offsets = [0, 0], sizes = [2432, 1], strides = [1, 1]} : vector<2560x1xf32> to vector<2432x1xf32>
    %concatenate3A_140 = tpu.concatenate %broadcast_in_dim3A_138, %slice3A_139 in 0 : vector<128x1xf32>, vector<2432x1xf32> -> vector<2560x1xf32>
    %add3A_141 = arith.addf %add3A_136, %concatenate3A_140 : vector<2560x1xf32>
    %broadcast_in_dim3A_142 = arith.constant 0.000000e+00 : f32
    %broadcast_in_dim3A_143 = vector.broadcast %broadcast_in_dim3A_142 : f32 to vector<256x1xf32>
    %slice3A_144 = vector.extract_strided_slice %add3A_141 {offsets = [0, 0], sizes = [2304, 1], strides = [1, 1]} : vector<2560x1xf32> to vector<2304x1xf32>
    %concatenate3A_145 = tpu.concatenate %broadcast_in_dim3A_143, %slice3A_144 in 0 : vector<256x1xf32>, vector<2304x1xf32> -> vector<2560x1xf32>
    %add3A_146 = arith.addf %add3A_141, %concatenate3A_145 : vector<2560x1xf32>
    %broadcast_in_dim3A_147 = arith.constant 0.000000e+00 : f32
    %broadcast_in_dim3A_148 = vector.broadcast %broadcast_in_dim3A_147 : f32 to vector<512x1xf32>
    %slice3A_149 = vector.extract_strided_slice %add3A_146 {offsets = [0, 0], sizes = [2048, 1], strides = [1, 1]} : vector<2560x1xf32> to vector<2048x1xf32>
    %concatenate3A_150 = tpu.concatenate %broadcast_in_dim3A_148, %slice3A_149 in 0 : vector<512x1xf32>, vector<2048x1xf32> -> vector<2560x1xf32>
    %add3A_151 = arith.addf %add3A_146, %concatenate3A_150 : vector<2560x1xf32>
    %broadcast_in_dim3A_152 = arith.constant 0.000000e+00 : f32
    %broadcast_in_dim3A_153 = vector.broadcast %broadcast_in_dim3A_152 : f32 to vector<1024x1xf32>
    %slice3A_154 = vector.extract_strided_slice %add3A_151 {offsets = [0, 0], sizes = [1536, 1], strides = [1, 1]} : vector<2560x1xf32> to vector<1536x1xf32>
    %concatenate3A_155 = tpu.concatenate %broadcast_in_dim3A_153, %slice3A_154 in 0 : vector<1024x1xf32>, vector<1536x1xf32> -> vector<2560x1xf32>
    %add3A_156 = arith.addf %add3A_151, %concatenate3A_155 : vector<2560x1xf32>
    %broadcast_in_dim3A_157 = arith.constant 0.000000e+00 : f32
    %broadcast_in_dim3A_158 = vector.broadcast %broadcast_in_dim3A_157 : f32 to vector<2048x1xf32>
    %slice3A_159 = vector.extract_strided_slice %add3A_156 {offsets = [0, 0], sizes = [512, 1], strides = [1, 1]} : vector<2560x1xf32> to vector<512x1xf32>
    %concatenate3A_160 = tpu.concatenate %broadcast_in_dim3A_158, %slice3A_159 in 0 : vector<2048x1xf32>, vector<512x1xf32> -> vector<2560x1xf32>
    %add3A_161 = arith.addf %add3A_156, %concatenate3A_160 : vector<2560x1xf32>
    %squeeze3A = vector.shape_cast %add3A_161 : vector<2560x1xf32> to vector<2560xf32>
    %sub3A_162 = arith.subf %squeeze3A, %convert_element_type3A_100 : vector<2560xf32>
    %get3A_163 = arith.constant 0 : index
    %get3A_164 = arith.constant 0 : index
    %get3A_165 = vector.load %arg5[%get3A_163, %get3A_164] : memref<1x32xf32, #tpu.memory_space<vmem>>, vector<1x1xf32>
    %get3A_166 = vector.extract %get3A_165[0, 0] : f32 from vector<1x1xf32>
    %add3A_167 = vector.broadcast %get3A_166 : f32 to vector<2560xf32>
    %add3A_168 = arith.addf %sub3A_162, %add3A_167 : vector<2560xf32>
    %convert_element_type3A_169 = arith.fptosi %reduce_sum3A_96 : vector<2560xf32> to vector<2560xi32>
    %swap3A = arith.constant 0 : index
    %swap3A_170 = arith.constant 0 : index
    %swap3A_171 = arith.constant 0 : index
    %swap3A_172 = vector.load %arg2[%swap3A, %swap3A_170, %swap3A_171] : memref<1x1x2560xi32, #tpu.memory_space<vmem>>, vector<1x1x2560xi32>
    %swap3A_173 = vector.shape_cast %swap3A_172 : vector<1x1x2560xi32> to vector<2560xi32>
    %swap3A_174 = vector.shape_cast %convert_element_type3A_169 : vector<2560xi32> to vector<1x1x2560xi32>
    tpu.vector_store %arg2[%swap3A, %swap3A_170, %swap3A_171], %swap3A_174 {strides = array<i32>} : memref<1x1x2560xi32, #tpu.memory_space<vmem>>, vector<1x1x2560xi32>,
    %convert_element_type3A_175 = arith.fptosi %add3A_168 : vector<2560xf32> to vector<2560xi32>
    %swap3A_176 = arith.constant 0 : index
    %swap3A_177 = arith.constant 0 : index
    %swap3A_178 = arith.constant 0 : index
    %swap3A_179 = vector.load %arg3[%swap3A_176, %swap3A_177, %swap3A_178] : memref<1x1x2560xi32, #tpu.memory_space<vmem>>, vector<1x1x2560xi32>
    %swap3A_180 = vector.shape_cast %swap3A_179 : vector<1x1x2560xi32> to vector<2560xi32>
    %swap3A_181 = vector.shape_cast %convert_element_type3A_175 : vector<2560xi32> to vector<1x1x2560xi32>
    tpu.vector_store %arg3[%swap3A_176, %swap3A_177, %swap3A_178], %swap3A_181 {strides = array<i32>} : memref<1x1x2560xi32, #tpu.memory_space<vmem>>, vector<1x1x2560xi32>,
    %get3A_182 = arith.constant 0 : index
    %get3A_183 = arith.constant 0 : index
    %get3A_184 = vector.load %arg4[%get3A_182, %get3A_183] : memref<1x32xf32, #tpu.memory_space<vmem>>, vector<1x32xf32>
    %reduce_sum3A_185 = arith.constant dense<0.000000e+00> : vector<32xf32>
    %reduce_sum3A_186 = vector.multi_reduction <add>, %convert_element_type3A_32, %reduce_sum3A_185 [0] : vector<2560x32xf32> to vector<32xf32>
    %broadcast_in_dim3A_187 = vector.shape_cast %reduce_sum3A_186 : vector<32xf32> to vector<1x32xf32>
    %add3A_188 = arith.addf %get3A_184, %broadcast_in_dim3A_187 : vector<1x32xf32>
    %swap3A_189 = arith.constant 0 : index
    %swap3A_190 = arith.constant 0 : index
    %swap3A_191 = vector.load %arg4[%swap3A_189, %swap3A_190] : memref<1x32xf32, #tpu.memory_space<vmem>>, vector<1x32xf32>
    tpu.vector_store %arg4[%swap3A_189, %swap3A_190], %add3A_188 {strides = array<i32>} : memref<1x32xf32, #tpu.memory_space<vmem>>, vector<1x32xf32>,
    %get3A_192 = arith.constant 0 : index
    %get3A_193 = arith.constant 0 : index
    %get3A_194 = vector.load %arg5[%get3A_192, %get3A_193] : memref<1x32xf32, #tpu.memory_space<vmem>>, vector<1x32xf32>
    %reduce_sum3A_195 = vector.shape_cast %convert_element_type3A_100 : vector<2560xf32> to vector<1x2560xf32>
    %reduce_sum3A_196 = arith.constant dense<0.000000e+00> : vector<1xf32>
    %reduce_sum3A_197 = vector.multi_reduction <add>, %reduce_sum3A_195, %reduce_sum3A_196 [1] : vector<1x2560xf32> to vector<1xf32>
    %reduce_sum3A_198 = vector.shape_cast %reduce_sum3A_197 : vector<1xf32> to vector<1x1xf32>
    %reduce_sum3A_199 = vector.extract %reduce_sum3A_198[0, 0] : f32 from vector<1x1xf32>
    %add3A_200 = vector.broadcast %reduce_sum3A_199 : f32 to vector<1x32xf32>
    %add3A_201 = arith.addf %get3A_194, %add3A_200 : vector<1x32xf32>
    %swap3A_202 = arith.constant 0 : index
    %swap3A_203 = arith.constant 0 : index
    %swap3A_204 = vector.load %arg5[%swap3A_202, %swap3A_203] : memref<1x32xf32, #tpu.memory_space<vmem>>, vector<1x32xf32>
    tpu.vector_store %arg5[%swap3A_202, %swap3A_203], %add3A_201 {strides = array<i32>} : memref<1x32xf32, #tpu.memory_space<vmem>>, vector<1x32xf32>,
    return
  }
  func.func @transform_0(%arg0: i32) -> (i32, i32, i32) {
    %c0_i32 = arith.constant 0 : i32
    %c0_i32_0 = arith.constant 0 : i32
    %c0_i32_1 = arith.constant 0 : i32
    return %arg0, %c0_i32, %c0_i32_0 : i32, i32, i32
  }
  func.func @transform_1(%arg0: i32) -> (i32, i32, i32) {
    %c0_i32 = arith.constant 0 : i32
    %c0_i32_0 = arith.constant 0 : i32
    %c0_i32_1 = arith.constant 0 : i32
    return %arg0, %c0_i32, %c0_i32_0 : i32, i32, i32
  }
  func.func @transform_2(%arg0: i32) -> (i32, i32, i32) {
    %c0_i32 = arith.constant 0 : i32
    %c0_i32_0 = arith.constant 0 : i32
    %c0_i32_1 = arith.constant 0 : i32
    return %arg0, %c0_i32, %c0_i32_0 : i32, i32, i32
  }
}

module attributes {stable_mosaic.version = 14 : i64} {
  func.func @_embed_body(%arg0: memref<10000x128xf32, #tpu.memory_space<vmem>>, %arg1: memref<128x64xf32, #tpu.memory_space<vmem>>, %arg2: memref<1x64xf32, #tpu.memory_space<vmem>>, %arg3: memref<64x128xf32, #tpu.memory_space<vmem>>, %arg4: memref<64x128xf32, #tpu.memory_space<vmem>>, %arg5: memref<10000x64xf32, #tpu.memory_space<vmem>>, %arg6: memref<10000x128xf32, #tpu.memory_space<vmem>>, %arg7: memref<10000x128xf32, #tpu.memory_space<vmem>>) attributes {dimension_semantics = [], scalar_prefetch = 0 : i64, scratch_operands = 0 : i64, tpu.core_type = #tpu.core_type<tc>} {
    %get3A = arith.constant 0 : index
    %get3A_0 = arith.constant 0 : index
    %get3A_1 = vector.load %arg0[%get3A, %get3A_0] : memref<10000x128xf32, #tpu.memory_space<vmem>>, vector<10000x128xf32>
    %get3A_2 = arith.constant 0 : index
    %get3A_3 = arith.constant 0 : index
    %get3A_4 = vector.load %arg1[%get3A_2, %get3A_3] : memref<128x64xf32, #tpu.memory_space<vmem>>, vector<128x64xf32>
    %dot_general3A = arith.constant dense<0.000000e+00> : vector<10000x64xf32>
    %dot_general3A_5 = tpu.matmul %get3A_1, %get3A_4, %dot_general3A {dimension_numbers = #tpu.dot_dimension_numbers<[1], [0], [0], [1], [0, 0, 1, 1], [], []>, transpose_lhs_hint = false} : vector<10000x128xf32>, vector<128x64xf32>, vector<10000x64xf32> -> vector<10000x64xf32>
    %get3A_6 = arith.constant 0 : index
    %get3A_7 = arith.constant 0 : index
    %get3A_8 = vector.load %arg2[%get3A_6, %get3A_7] : memref<1x64xf32, #tpu.memory_space<vmem>>, vector<1x64xf32>
    %add3A = vector.broadcast %get3A_8 : vector<1x64xf32> to vector<10000x64xf32>
    %add3A_9 = arith.addf %dot_general3A_5, %add3A : vector<10000x64xf32>
    %max3A = arith.constant 0.000000e+00 : f32
    %max3A_10 = vector.broadcast %max3A : f32 to vector<10000x64xf32>
    %max3A_11 = arith.maximumf %add3A_9, %max3A_10 : vector<10000x64xf32>
    %swap3A = arith.constant 0 : index
    %swap3A_12 = arith.constant 0 : index
    %swap3A_13 = vector.load %arg5[%swap3A, %swap3A_12] : memref<10000x64xf32, #tpu.memory_space<vmem>>, vector<10000x64xf32>
    tpu.vector_store %arg5[%swap3A, %swap3A_12], %max3A_11 {strides = array<i32>} : memref<10000x64xf32, #tpu.memory_space<vmem>>, vector<10000x64xf32>,
    %get3A_14 = arith.constant 0 : index
    %get3A_15 = arith.constant 0 : index
    %get3A_16 = vector.load %arg3[%get3A_14, %get3A_15] : memref<64x128xf32, #tpu.memory_space<vmem>>, vector<64x128xf32>
    %dot_general3A_17 = arith.constant dense<0.000000e+00> : vector<10000x128xf32>
    %dot_general3A_18 = tpu.matmul %max3A_11, %get3A_16, %dot_general3A_17 {dimension_numbers = #tpu.dot_dimension_numbers<[1], [0], [0], [1], [0, 0, 1, 1], [], []>, transpose_lhs_hint = false} : vector<10000x64xf32>, vector<64x128xf32>, vector<10000x128xf32> -> vector<10000x128xf32>
    %swap3A_19 = arith.constant 0 : index
    %swap3A_20 = arith.constant 0 : index
    %swap3A_21 = vector.load %arg6[%swap3A_19, %swap3A_20] : memref<10000x128xf32, #tpu.memory_space<vmem>>, vector<10000x128xf32>
    tpu.vector_store %arg6[%swap3A_19, %swap3A_20], %dot_general3A_18 {strides = array<i32>} : memref<10000x128xf32, #tpu.memory_space<vmem>>, vector<10000x128xf32>,
    %get3A_22 = arith.constant 0 : index
    %get3A_23 = arith.constant 0 : index
    %get3A_24 = vector.load %arg4[%get3A_22, %get3A_23] : memref<64x128xf32, #tpu.memory_space<vmem>>, vector<64x128xf32>
    %dot_general3A_25 = arith.constant dense<0.000000e+00> : vector<10000x128xf32>
    %dot_general3A_26 = tpu.matmul %max3A_11, %get3A_24, %dot_general3A_25 {dimension_numbers = #tpu.dot_dimension_numbers<[1], [0], [0], [1], [0, 0, 1, 1], [], []>, transpose_lhs_hint = false} : vector<10000x64xf32>, vector<64x128xf32>, vector<10000x128xf32> -> vector<10000x128xf32>
    %swap3A_27 = arith.constant 0 : index
    %swap3A_28 = arith.constant 0 : index
    %swap3A_29 = vector.load %arg7[%swap3A_27, %swap3A_28] : memref<10000x128xf32, #tpu.memory_space<vmem>>, vector<10000x128xf32>
    tpu.vector_store %arg7[%swap3A_27, %swap3A_28], %dot_general3A_26 {strides = array<i32>} : memref<10000x128xf32, #tpu.memory_space<vmem>>, vector<10000x128xf32>,
    return
  }
}

module attributes {stable_mosaic.version = 14 : i64} {
  func.func @_extract_body(%arg0: i32, %arg1: memref<2560x128xf32, #tpu.memory_space<vmem>>, %arg2: memref<1x1x2560xi32, #tpu.memory_space<vmem>>, %arg3: memref<1x1x2560xi32, #tpu.memory_space<vmem>>, %arg4: memref<1x1x2560xi32, #tpu.memory_space<vmem>>, %arg5: memref<1x1x2560xi32, #tpu.memory_space<vmem>>, %arg6: memref<2560x16xf32, #tpu.memory_space<vmem>>) attributes {dimension_semantics = [#tpu.dimension_semantics<arbitrary>], iteration_bounds = array<i64: 257>, scalar_prefetch = 0 : i64, scratch_operands = 0 : i64, tpu.core_type = #tpu.core_type<tc>, window_params = [{transform_indices = @transform_0, window_bounds = array<i64: 2560, 128>}, {transform_indices = @transform_1, window_bounds = array<i64: 1, 1, 2560>}, {transform_indices = @transform_2, window_bounds = array<i64: 1, 1, 2560>}, {transform_indices = @transform_3, window_bounds = array<i64: 1, 1, 2560>}, {transform_indices = @transform_4, window_bounds = array<i64: 1, 1, 2560>}, {transform_indices = @transform_5, window_bounds = array<i64: 2560, 16>}]} {
    %get3A = arith.constant 0 : index
    %get3A_0 = arith.constant 0 : index
    %get3A_1 = vector.load %arg1[%get3A, %get3A_0] : memref<2560x128xf32, #tpu.memory_space<vmem>>, vector<2560x1xf32>
    %get3A_2 = vector.shape_cast %get3A_1 : vector<2560x1xf32> to vector<2560xf32>
    %bitcast_convert_type3A = tpu.bitcast %get3A_2 : vector<2560xf32> -> vector<2560xi32>
    %get3A_3 = arith.constant 0 : index
    %get3A_4 = arith.constant 1 : index
    %get3A_5 = vector.load %arg1[%get3A_3, %get3A_4] : memref<2560x128xf32, #tpu.memory_space<vmem>>, vector<2560x1xf32>
    %get3A_6 = vector.shape_cast %get3A_5 : vector<2560x1xf32> to vector<2560xf32>
    %bitcast_convert_type3A_7 = tpu.bitcast %get3A_6 : vector<2560xf32> -> vector<2560xi32>
    %ge3A = arith.constant 0 : i32
    %ge3A_8 = vector.broadcast %ge3A : i32 to vector<2560xi32>
    %ge3A_9 = arith.cmpi sge, %bitcast_convert_type3A, %ge3A_8 : vector<2560xi32>
    %lt3A = arith.constant 10000 : i32
    %lt3A_10 = vector.broadcast %lt3A : i32 to vector<2560xi32>
    %lt3A_11 = arith.cmpi slt, %bitcast_convert_type3A, %lt3A_10 : vector<2560xi32>
    %and3A = arith.andi %ge3A_9, %lt3A_11 : vector<2560xi1>
    %jit3A = arith.constant 0 : i32
    %jit3A_12 = arith.constant 9999 : i32
    %max3A = vector.broadcast %jit3A : i32 to vector<2560xi32>
    %max3A_13 = arith.maxsi %max3A, %bitcast_convert_type3A : vector<2560xi32>
    %min3A = vector.broadcast %jit3A_12 : i32 to vector<2560xi32>
    %min3A_14 = arith.minsi %min3A, %max3A_13 : vector<2560xi32>
    %swap3A = arith.constant 0 : index
    %swap3A_15 = arith.constant 0 : index
    %swap3A_16 = arith.constant 0 : index
    %swap3A_17 = vector.load %arg2[%swap3A, %swap3A_15, %swap3A_16] : memref<1x1x2560xi32, #tpu.memory_space<vmem>>, vector<1x1x2560xi32>
    %swap3A_18 = vector.shape_cast %swap3A_17 : vector<1x1x2560xi32> to vector<2560xi32>
    %swap3A_19 = vector.shape_cast %min3A_14 : vector<2560xi32> to vector<1x1x2560xi32>
    tpu.vector_store %arg2[%swap3A, %swap3A_15, %swap3A_16], %swap3A_19 {strides = array<i32>} : memref<1x1x2560xi32, #tpu.memory_space<vmem>>, vector<1x1x2560xi32>,
    %jit3A_20 = arith.constant 0 : i32
    %jit3A_21 = arith.constant 9999 : i32
    %max3A_22 = vector.broadcast %jit3A_20 : i32 to vector<2560xi32>
    %max3A_23 = arith.maxsi %max3A_22, %bitcast_convert_type3A_7 : vector<2560xi32>
    %min3A_24 = vector.broadcast %jit3A_21 : i32 to vector<2560xi32>
    %min3A_25 = arith.minsi %min3A_24, %max3A_23 : vector<2560xi32>
    %swap3A_26 = arith.constant 0 : index
    %swap3A_27 = arith.constant 0 : index
    %swap3A_28 = arith.constant 0 : index
    %swap3A_29 = vector.load %arg3[%swap3A_26, %swap3A_27, %swap3A_28] : memref<1x1x2560xi32, #tpu.memory_space<vmem>>, vector<1x1x2560xi32>
    %swap3A_30 = vector.shape_cast %swap3A_29 : vector<1x1x2560xi32> to vector<2560xi32>
    %swap3A_31 = vector.shape_cast %min3A_25 : vector<2560xi32> to vector<1x1x2560xi32>
    tpu.vector_store %arg3[%swap3A_26, %swap3A_27, %swap3A_28], %swap3A_31 {strides = array<i32>} : memref<1x1x2560xi32, #tpu.memory_space<vmem>>, vector<1x1x2560xi32>,
    %jit3A_32 = arith.constant 320 : i32
    %eq3A = arith.constant 0 : i32
    %eq3A_33 = arith.cmpi eq, %jit3A_32, %eq3A : i32
    %jit3A_34 = arith.constant 1 : i32
    %select_n3A = arith.select %eq3A_33, %jit3A_34, %jit3A_32 : i32
    %rem3A = vector.broadcast %select_n3A : i32 to vector<2560xi32>
    %rem3A_35 = arith.remsi %bitcast_convert_type3A, %rem3A : vector<2560xi32>
    %ne3A = arith.constant 0 : i32
    %ne3A_36 = vector.broadcast %ne3A : i32 to vector<2560xi32>
    %ne3A_37 = arith.cmpi ne, %rem3A_35, %ne3A_36 : vector<2560xi32>
    %lt3A_38 = arith.constant 0 : i32
    %lt3A_39 = vector.broadcast %lt3A_38 : i32 to vector<2560xi32>
    %lt3A_40 = arith.cmpi slt, %rem3A_35, %lt3A_39 : vector<2560xi32>
    %lt3A_41 = arith.constant 0 : i32
    %lt3A_42 = arith.cmpi slt, %select_n3A, %lt3A_41 : i32
    %ne3A_43 = vector.broadcast %lt3A_42 : i1 to vector<2560xi1>
    %ne3A_44 = vector.broadcast %ne3A_43 : vector<2560xi1> to vector<2560xi1>
    %ne3A_45 = arith.xori %lt3A_40, %ne3A_44 : vector<2560xi1>
    %and3A_46 = arith.andi %ne3A_45, %ne3A_37 : vector<2560xi1>
    %add3A = vector.broadcast %select_n3A : i32 to vector<2560xi32>
    %add3A_47 = arith.addi %rem3A_35, %add3A : vector<2560xi32>
    %select_n3A_48 = arith.select %and3A_46, %add3A_47, %rem3A_35 : vector<2560xi1>, vector<2560xi32>
    %jit3A_49 = arith.constant 9999 : i32
    %broadcast_in_dim3A = vector.broadcast %jit3A_49 : i32 to vector<2560xi32>
    %select_n3A_50 = arith.select %and3A, %select_n3A_48, %broadcast_in_dim3A : vector<2560xi1>, vector<2560xi32>
    %swap3A_51 = arith.constant 0 : index
    %swap3A_52 = arith.constant 0 : index
    %swap3A_53 = arith.constant 0 : index
    %swap3A_54 = vector.load %arg4[%swap3A_51, %swap3A_52, %swap3A_53] : memref<1x1x2560xi32, #tpu.memory_space<vmem>>, vector<1x1x2560xi32>
    %swap3A_55 = vector.shape_cast %swap3A_54 : vector<1x1x2560xi32> to vector<2560xi32>
    %swap3A_56 = vector.shape_cast %select_n3A_50 : vector<2560xi32> to vector<1x1x2560xi32>
    tpu.vector_store %arg4[%swap3A_51, %swap3A_52, %swap3A_53], %swap3A_56 {strides = array<i32>} : memref<1x1x2560xi32, #tpu.memory_space<vmem>>, vector<1x1x2560xi32>,
    %jit3A_57 = arith.constant 20000 : i32
    %broadcast_in_dim3A_58 = vector.broadcast %jit3A_57 : i32 to vector<2560xi32>
    %select_n3A_59 = arith.select %and3A, %bitcast_convert_type3A, %broadcast_in_dim3A_58 : vector<2560xi1>, vector<2560xi32>
    %swap3A_60 = arith.constant 0 : index
    %swap3A_61 = arith.constant 0 : index
    %swap3A_62 = arith.constant 0 : index
    %swap3A_63 = vector.load %arg5[%swap3A_60, %swap3A_61, %swap3A_62] : memref<1x1x2560xi32, #tpu.memory_space<vmem>>, vector<1x1x2560xi32>
    %swap3A_64 = vector.shape_cast %swap3A_63 : vector<1x1x2560xi32> to vector<2560xi32>
    %swap3A_65 = vector.shape_cast %select_n3A_59 : vector<2560xi32> to vector<1x1x2560xi32>
    tpu.vector_store %arg5[%swap3A_60, %swap3A_61, %swap3A_62], %swap3A_65 {strides = array<i32>} : memref<1x1x2560xi32, #tpu.memory_space<vmem>>, vector<1x1x2560xi32>,
    %get3A_66 = arith.constant 0 : index
    %get3A_67 = arith.constant 2 : index
    %get3A_68 = vector.load %arg1[%get3A_66, %get3A_67] : memref<2560x128xf32, #tpu.memory_space<vmem>>, vector<2560x16xf32>
    %swap3A_69 = arith.constant 0 : index
    %swap3A_70 = arith.constant 0 : index
    %swap3A_71 = vector.load %arg6[%swap3A_69, %swap3A_70] : memref<2560x16xf32, #tpu.memory_space<vmem>>, vector<2560x16xf32>
    tpu.vector_store %arg6[%swap3A_69, %swap3A_70], %get3A_68 {strides = array<i32>} : memref<2560x16xf32, #tpu.memory_space<vmem>>, vector<2560x16xf32>,
    return
  }
  func.func @transform_0(%arg0: i32) -> (i32, i32) {
    %c0_i32 = arith.constant 0 : i32
    %c0_i32_0 = arith.constant 0 : i32
    return %arg0, %c0_i32 : i32, i32
  }
  func.func @transform_1(%arg0: i32) -> (i32, i32, i32) {
    %c0_i32 = arith.constant 0 : i32
    %c0_i32_0 = arith.constant 0 : i32
    %c0_i32_1 = arith.constant 0 : i32
    return %arg0, %c0_i32, %c0_i32_0 : i32, i32, i32
  }
  func.func @transform_2(%arg0: i32) -> (i32, i32, i32) {
    %c0_i32 = arith.constant 0 : i32
    %c0_i32_0 = arith.constant 0 : i32
    %c0_i32_1 = arith.constant 0 : i32
    return %arg0, %c0_i32, %c0_i32_0 : i32, i32, i32
  }
  func.func @transform_3(%arg0: i32) -> (i32, i32, i32) {
    %c0_i32 = arith.constant 0 : i32
    %c0_i32_0 = arith.constant 0 : i32
    %c0_i32_1 = arith.constant 0 : i32
    return %arg0, %c0_i32, %c0_i32_0 : i32, i32, i32
  }
  func.func @transform_4(%arg0: i32) -> (i32, i32, i32) {
    %c0_i32 = arith.constant 0 : i32
    %c0_i32_0 = arith.constant 0 : i32
    %c0_i32_1 = arith.constant 0 : i32
    return %arg0, %c0_i32, %c0_i32_0 : i32, i32, i32
  }
  func.func @transform_5(%arg0: i32) -> (i32, i32) {
    %c0_i32 = arith.constant 0 : i32
    %c0_i32_0 = arith.constant 0 : i32
    return %arg0, %c0_i32 : i32, i32
  }
}

module attributes {stable_mosaic.version = 14 : i64} {
  func.func @_edge_body(%arg0: i32, %arg1: memref<2560x128xf32, #tpu.memory_space<vmem>>, %arg2: memref<2560x16xf32, #tpu.memory_space<vmem>>, %arg3: memref<16x128xf32, #tpu.memory_space<vmem>>, %arg4: memref<1x128xf32, #tpu.memory_space<vmem>>, %arg5: memref<2560x64xf32, #tpu.memory_space<vmem>>) attributes {dimension_semantics = [#tpu.dimension_semantics<arbitrary>], iteration_bounds = array<i64: 257>, scalar_prefetch = 0 : i64, scratch_operands = 0 : i64, tpu.core_type = #tpu.core_type<tc>, window_params = [{transform_indices = @transform_0, window_bounds = array<i64: 2560, 128>}, {transform_indices = @transform_1, window_bounds = array<i64: 2560, 16>}, {pipeline_mode = #tpu.pipeline_mode<synchronous>, transform_indices = @transform_2, window_bounds = array<i64: 16, 128>}, {pipeline_mode = #tpu.pipeline_mode<synchronous>, transform_indices = @transform_3, window_bounds = array<i64: 1, 128>}, {transform_indices = @transform_4, window_bounds = array<i64: 2560, 64>}]} {
    %get3A = arith.constant 0 : index
    %get3A_0 = arith.constant 0 : index
    %get3A_1 = vector.load %arg1[%get3A, %get3A_0] : memref<2560x128xf32, #tpu.memory_space<vmem>>, vector<2560x128xf32>
    %get3A_2 = arith.constant 0 : index
    %get3A_3 = arith.constant 0 : index
    %get3A_4 = vector.load %arg2[%get3A_2, %get3A_3] : memref<2560x16xf32, #tpu.memory_space<vmem>>, vector<2560x16xf32>
    %get3A_5 = arith.constant 0 : index
    %get3A_6 = arith.constant 0 : index
    %get3A_7 = vector.load %arg3[%get3A_5, %get3A_6] : memref<16x128xf32, #tpu.memory_space<vmem>>, vector<16x128xf32>
    %dot_general3A = arith.constant dense<0.000000e+00> : vector<2560x128xf32>
    %dot_general3A_8 = tpu.matmul %get3A_4, %get3A_7, %dot_general3A {dimension_numbers = #tpu.dot_dimension_numbers<[1], [0], [0], [1], [0, 0, 1, 1], [], []>, transpose_lhs_hint = false} : vector<2560x16xf32>, vector<16x128xf32>, vector<2560x128xf32> -> vector<2560x128xf32>
    %add3A = arith.addf %get3A_1, %dot_general3A_8 : vector<2560x128xf32>
    %get3A_9 = arith.constant 0 : index
    %get3A_10 = arith.constant 0 : index
    %get3A_11 = vector.load %arg4[%get3A_9, %get3A_10] : memref<1x128xf32, #tpu.memory_space<vmem>>, vector<1x128xf32>
    %add3A_12 = vector.broadcast %get3A_11 : vector<1x128xf32> to vector<2560x128xf32>
    %add3A_13 = arith.addf %add3A, %add3A_12 : vector<2560x128xf32>
    %slice3A = vector.extract_strided_slice %add3A_13 {offsets = [0, 0], sizes = [2560, 64], strides = [1, 1]} : vector<2560x128xf32> to vector<2560x64xf32>
    %slice3A_14 = vector.extract_strided_slice %add3A_13 {offsets = [0, 64], sizes = [2560, 64], strides = [1, 1]} : vector<2560x128xf32> to vector<2560x64xf32>
    %neg3A = arith.constant 0.000000e+00 : f32
    %neg3A_15 = vector.broadcast %neg3A : f32 to vector<2560x64xf32>
    %neg3A_16 = arith.subf %neg3A_15, %slice3A : vector<2560x64xf32>
    %exp3A = math.exp %neg3A_16 : vector<2560x64xf32>
    %add3A_17 = arith.constant 1.000000e+00 : f32
    %add3A_18 = vector.broadcast %add3A_17 : f32 to vector<2560x64xf32>
    %add3A_19 = arith.addf %add3A_18, %exp3A : vector<2560x64xf32>
    %div3A = arith.constant 1.000000e+00 : f32
    %div3A_20 = vector.broadcast %div3A : f32 to vector<2560x64xf32>
    %div3A_21 = arith.divf %div3A_20, %add3A_19 : vector<2560x64xf32>
    %max3A = arith.constant 0.000000e+00 : f32
    %max3A_22 = vector.broadcast %max3A : f32 to vector<2560x64xf32>
    %max3A_23 = arith.maximumf %slice3A_14, %max3A_22 : vector<2560x64xf32>
    %abs3A = math.absf %slice3A_14 : vector<2560x64xf32>
    %neg3A_24 = arith.constant 0.000000e+00 : f32
    %neg3A_25 = vector.broadcast %neg3A_24 : f32 to vector<2560x64xf32>
    %neg3A_26 = arith.subf %neg3A_25, %abs3A : vector<2560x64xf32>
    %exp3A_27 = math.exp %neg3A_26 : vector<2560x64xf32>
    %add3A_28 = arith.constant 1.000000e+00 : f32
    %add3A_29 = vector.broadcast %add3A_28 : f32 to vector<2560x64xf32>
    %add3A_30 = arith.addf %add3A_29, %exp3A_27 : vector<2560x64xf32>
    %log3A = math.log %add3A_30 : vector<2560x64xf32>
    %add3A_31 = arith.addf %max3A_23, %log3A : vector<2560x64xf32>
    %mul3A = arith.mulf %div3A_21, %add3A_31 : vector<2560x64xf32>
    %swap3A = arith.constant 0 : index
    %swap3A_32 = arith.constant 0 : index
    %swap3A_33 = vector.load %arg5[%swap3A, %swap3A_32] : memref<2560x64xf32, #tpu.memory_space<vmem>>, vector<2560x64xf32>
    tpu.vector_store %arg5[%swap3A, %swap3A_32], %mul3A {strides = array<i32>} : memref<2560x64xf32, #tpu.memory_space<vmem>>, vector<2560x64xf32>,
    return
  }
  func.func @transform_0(%arg0: i32) -> (i32, i32) {
    %c0_i32 = arith.constant 0 : i32
    %c0_i32_0 = arith.constant 0 : i32
    return %arg0, %c0_i32 : i32, i32
  }
  func.func @transform_1(%arg0: i32) -> (i32, i32) {
    %c0_i32 = arith.constant 0 : i32
    %c0_i32_0 = arith.constant 0 : i32
    return %arg0, %c0_i32 : i32, i32
  }
  func.func @transform_2(%arg0: i32) -> (i32, i32) {
    %c0_i32 = arith.constant 0 : i32
    %c0_i32_0 = arith.constant 0 : i32
    %c0_i32_1 = arith.constant 0 : i32
    return %c0_i32, %c0_i32_0 : i32, i32
  }
  func.func @transform_3(%arg0: i32) -> (i32, i32) {
    %c0_i32 = arith.constant 0 : i32
    %c0_i32_0 = arith.constant 0 : i32
    %c0_i32_1 = arith.constant 0 : i32
    return %c0_i32, %c0_i32_0 : i32, i32
  }
  func.func @transform_4(%arg0: i32) -> (i32, i32) {
    %c0_i32 = arith.constant 0 : i32
    %c0_i32_0 = arith.constant 0 : i32
    return %arg0, %c0_i32 : i32, i32
  }
}

module attributes {stable_mosaic.version = 14 : i64} {
  func.func @_segm_body(%arg0: i32, %arg1: i32, %arg2: memref<1x1x2560xi32, #tpu.memory_space<vmem>>, %arg3: memref<2560x64xf32, #tpu.memory_space<vmem>>, %arg4: memref<320x64xf32, #tpu.memory_space<vmem>>) attributes {dimension_semantics = [#tpu.dimension_semantics<arbitrary>, #tpu.dimension_semantics<arbitrary>], iteration_bounds = array<i64: 32, 8>, scalar_prefetch = 0 : i64, scratch_operands = 0 : i64, tpu.core_type = #tpu.core_type<tc>, window_params = [{transform_indices = @transform_0, window_bounds = array<i64: 1, 1, 2560>}, {transform_indices = @transform_1, window_bounds = array<i64: 2560, 64>}, {transform_indices = @transform_2, window_bounds = array<i64: 320, 64>}]} {
    %eq3A = arith.constant 0 : i32
    %eq3A_0 = arith.cmpi eq, %arg1, %eq3A : i32
    %convert_element_type3A = arith.extui %eq3A_0 : i1 to i32
    %cond3A = arith.constant 0 : i32
    %cond3A_1 = arith.cmpi ne, %convert_element_type3A, %cond3A : i32
    scf.if %cond3A_1 {
      %broadcast_in_dim3A_19 = arith.constant 0.000000e+00 : f32
      %broadcast_in_dim3A_20 = vector.broadcast %broadcast_in_dim3A_19 : f32 to vector<320x64xf32>
      %swap3A_21 = arith.constant 0 : index
      %swap3A_22 = arith.constant 0 : index
      %swap3A_23 = vector.load %arg4[%swap3A_21, %swap3A_22] : memref<320x64xf32, #tpu.memory_space<vmem>>, vector<320x64xf32>
      tpu.vector_store %arg4[%swap3A_21, %swap3A_22], %broadcast_in_dim3A_20 {strides = array<i32>} : memref<320x64xf32, #tpu.memory_space<vmem>>, vector<320x64xf32>,
    } else {
    }
    %iota3A = tpu.iota {dimensions = array<i32: 0>} : vector<320x2560xi32>
    %get3A = arith.constant 0 : index
    %get3A_2 = arith.constant 0 : index
    %get3A_3 = arith.constant 0 : index
    %get3A_4 = vector.load %arg2[%get3A, %get3A_2, %get3A_3] : memref<1x1x2560xi32, #tpu.memory_space<vmem>>, vector<1x1x2560xi32>
    %get3A_5 = vector.shape_cast %get3A_4 : vector<1x1x2560xi32> to vector<2560xi32>
    %broadcast_in_dim3A = vector.shape_cast %get3A_5 : vector<2560xi32> to vector<1x2560xi32>
    %eq3A_6 = vector.broadcast %broadcast_in_dim3A : vector<1x2560xi32> to vector<320x2560xi32>
    %eq3A_7 = arith.cmpi eq, %iota3A, %eq3A_6 : vector<320x2560xi32>
    %convert_element_type3A_8 = arith.extui %eq3A_7 : vector<320x2560xi1> to vector<320x2560xi32>
    %convert_element_type3A_9 = arith.sitofp %convert_element_type3A_8 : vector<320x2560xi32> to vector<320x2560xf32>
    %get3A_10 = arith.constant 0 : index
    %get3A_11 = arith.constant 0 : index
    %get3A_12 = vector.load %arg4[%get3A_10, %get3A_11] : memref<320x64xf32, #tpu.memory_space<vmem>>, vector<320x64xf32>
    %get3A_13 = arith.constant 0 : index
    %get3A_14 = arith.constant 0 : index
    %get3A_15 = vector.load %arg3[%get3A_13, %get3A_14] : memref<2560x64xf32, #tpu.memory_space<vmem>>, vector<2560x64xf32>
    %dot_general3A = arith.constant dense<0.000000e+00> : vector<320x64xf32>
    %dot_general3A_16 = tpu.matmul %convert_element_type3A_9, %get3A_15, %dot_general3A {dimension_numbers = #tpu.dot_dimension_numbers<[1], [0], [0], [1], [0, 0, 1, 1], [], []>, transpose_lhs_hint = false} : vector<320x2560xf32>, vector<2560x64xf32>, vector<320x64xf32> -> vector<320x64xf32>
    %add3A = arith.addf %get3A_12, %dot_general3A_16 : vector<320x64xf32>
    %swap3A = arith.constant 0 : index
    %swap3A_17 = arith.constant 0 : index
    %swap3A_18 = vector.load %arg4[%swap3A, %swap3A_17] : memref<320x64xf32, #tpu.memory_space<vmem>>, vector<320x64xf32>
    tpu.vector_store %arg4[%swap3A, %swap3A_17], %add3A {strides = array<i32>} : memref<320x64xf32, #tpu.memory_space<vmem>>, vector<320x64xf32>,
    return
  }
  func.func @transform_0(%arg0: i32, %arg1: i32) -> (i32, i32, i32) {
    %mul3A = arith.constant 8 : i32
    %mul3A_0 = arith.muli %arg0, %mul3A : i32
    %add3A = arith.addi %mul3A_0, %arg1 : i32
    %c0_i32 = arith.constant 0 : i32
    %c0_i32_1 = arith.constant 0 : i32
    %c0_i32_2 = arith.constant 0 : i32
    return %add3A, %c0_i32, %c0_i32_1 : i32, i32, i32
  }
  func.func @transform_1(%arg0: i32, %arg1: i32) -> (i32, i32) {
    %mul3A = arith.constant 8 : i32
    %mul3A_0 = arith.muli %arg0, %mul3A : i32
    %add3A = arith.addi %mul3A_0, %arg1 : i32
    %c0_i32 = arith.constant 0 : i32
    %c0_i32_1 = arith.constant 0 : i32
    return %add3A, %c0_i32 : i32, i32
  }
  func.func @transform_2(%arg0: i32, %arg1: i32) -> (i32, i32) {
    %c0_i32 = arith.constant 0 : i32
    %c0_i32_0 = arith.constant 0 : i32
    return %arg0, %c0_i32 : i32, i32
  }
}

module attributes {stable_mosaic.version = 14 : i64} {
  func.func @_ovf_body(%arg0: i32, %arg1: memref<1x1x2560xi32, #tpu.memory_space<vmem>>, %arg2: memref<2560x64xf32, #tpu.memory_space<vmem>>, %arg3: memref<2560x64xf32, #tpu.memory_space<vmem>>) attributes {dimension_semantics = [#tpu.dimension_semantics<arbitrary>], iteration_bounds = array<i64: 4>, scalar_prefetch = 0 : i64, scratch_operands = 0 : i64, tpu.core_type = #tpu.core_type<tc>, window_params = [{transform_indices = @transform_0, window_bounds = array<i64: 1, 1, 2560>}, {transform_indices = @transform_1, window_bounds = array<i64: 2560, 64>}, {transform_indices = @transform_2, window_bounds = array<i64: 2560, 64>}]} {
    %iota3A = tpu.iota {dimensions = array<i32: 0>} : vector<2560x2560xi32>
    %mul3A = arith.constant 2560 : i32
    %mul3A_0 = arith.muli %arg0, %mul3A : i32
    %add3A = vector.broadcast %mul3A_0 : i32 to vector<2560x2560xi32>
    %add3A_1 = arith.addi %iota3A, %add3A : vector<2560x2560xi32>
    %get3A = arith.constant 0 : index
    %get3A_2 = arith.constant 0 : index
    %get3A_3 = arith.constant 0 : index
    %get3A_4 = vector.load %arg1[%get3A, %get3A_2, %get3A_3] : memref<1x1x2560xi32, #tpu.memory_space<vmem>>, vector<1x1x2560xi32>
    %get3A_5 = vector.shape_cast %get3A_4 : vector<1x1x2560xi32> to vector<2560xi32>
    %broadcast_in_dim3A = vector.shape_cast %get3A_5 : vector<2560xi32> to vector<1x2560xi32>
    %eq3A = vector.broadcast %broadcast_in_dim3A : vector<1x2560xi32> to vector<2560x2560xi32>
    %eq3A_6 = arith.cmpi eq, %add3A_1, %eq3A : vector<2560x2560xi32>
    %convert_element_type3A = arith.extui %eq3A_6 : vector<2560x2560xi1> to vector<2560x2560xi32>
    %convert_element_type3A_7 = arith.sitofp %convert_element_type3A : vector<2560x2560xi32> to vector<2560x2560xf32>
    %get3A_8 = arith.constant 0 : index
    %get3A_9 = arith.constant 0 : index
    %get3A_10 = vector.load %arg2[%get3A_8, %get3A_9] : memref<2560x64xf32, #tpu.memory_space<vmem>>, vector<2560x64xf32>
    %dot_general3A = arith.constant dense<0.000000e+00> : vector<2560x64xf32>
    %dot_general3A_11 = tpu.matmul %convert_element_type3A_7, %get3A_10, %dot_general3A {dimension_numbers = #tpu.dot_dimension_numbers<[1], [0], [0], [1], [0, 0, 1, 1], [], []>, transpose_lhs_hint = false} : vector<2560x2560xf32>, vector<2560x64xf32>, vector<2560x64xf32> -> vector<2560x64xf32>
    %swap3A = arith.constant 0 : index
    %swap3A_12 = arith.constant 0 : index
    %swap3A_13 = vector.load %arg3[%swap3A, %swap3A_12] : memref<2560x64xf32, #tpu.memory_space<vmem>>, vector<2560x64xf32>
    tpu.vector_store %arg3[%swap3A, %swap3A_12], %dot_general3A_11 {strides = array<i32>} : memref<2560x64xf32, #tpu.memory_space<vmem>>, vector<2560x64xf32>,
    return
  }
  func.func @transform_0(%arg0: i32) -> (i32, i32, i32) {
    %c256_i32 = arith.constant 256 : i32
    %c0_i32 = arith.constant 0 : i32
    %c0_i32_0 = arith.constant 0 : i32
    %c0_i32_1 = arith.constant 0 : i32
    return %c256_i32, %c0_i32, %c0_i32_0 : i32, i32, i32
  }
  func.func @transform_1(%arg0: i32) -> (i32, i32) {
    %c256_i32 = arith.constant 256 : i32
    %c0_i32 = arith.constant 0 : i32
    %c0_i32_0 = arith.constant 0 : i32
    return %c256_i32, %c0_i32 : i32, i32
  }
  func.func @transform_2(%arg0: i32) -> (i32, i32) {
    %c0_i32 = arith.constant 0 : i32
    %c0_i32_0 = arith.constant 0 : i32
    return %arg0, %c0_i32 : i32, i32
  }
}

module attributes {stable_mosaic.version = 14 : i64} {
  func.func @_update_body(%arg0: memref<10000x64xf32, #tpu.memory_space<vmem>>, %arg1: memref<10000x64xf32, #tpu.memory_space<vmem>>, %arg2: memref<10000x64xf32, #tpu.memory_space<vmem>>, %arg3: memref<1x64xf32, #tpu.memory_space<vmem>>, %arg4: memref<1x64xf32, #tpu.memory_space<vmem>>, %arg5: memref<64x128xf32, #tpu.memory_space<vmem>>, %arg6: memref<64x128xf32, #tpu.memory_space<vmem>>, %arg7: memref<10000x64xf32, #tpu.memory_space<vmem>>, %arg8: memref<10000x128xf32, #tpu.memory_space<vmem>>, %arg9: memref<10000x128xf32, #tpu.memory_space<vmem>>) attributes {dimension_semantics = [], scalar_prefetch = 0 : i64, scratch_operands = 0 : i64, tpu.core_type = #tpu.core_type<tc>} {
    %get3A = arith.constant 0 : index
    %get3A_0 = arith.constant 0 : index
    %get3A_1 = vector.load %arg0[%get3A, %get3A_0] : memref<10000x64xf32, #tpu.memory_space<vmem>>, vector<10000x64xf32>
    %get3A_2 = arith.constant 0 : index
    %get3A_3 = arith.constant 0 : index
    %get3A_4 = vector.load %arg1[%get3A_2, %get3A_3] : memref<10000x64xf32, #tpu.memory_space<vmem>>, vector<10000x64xf32>
    %add3A = arith.addf %get3A_1, %get3A_4 : vector<10000x64xf32>
    %get3A_5 = arith.constant 0 : index
    %get3A_6 = arith.constant 0 : index
    %get3A_7 = vector.load %arg2[%get3A_5, %get3A_6] : memref<10000x64xf32, #tpu.memory_space<vmem>>, vector<10000x64xf32>
    %add3A_8 = arith.addf %add3A, %get3A_7 : vector<10000x64xf32>
    %reduce_sum3A = arith.constant dense<0.000000e+00> : vector<64xf32>
    %reduce_sum3A_9 = vector.multi_reduction <add>, %add3A_8, %reduce_sum3A [0] : vector<10000x64xf32> to vector<64xf32>
    %broadcast_in_dim3A = vector.shape_cast %reduce_sum3A_9 : vector<64xf32> to vector<1x64xf32>
    %div3A = arith.constant 1.000000e+04 : f32
    %div3A_10 = vector.broadcast %div3A : f32 to vector<1x64xf32>
    %div3A_11 = arith.divf %broadcast_in_dim3A, %div3A_10 : vector<1x64xf32>
    %sub3A = vector.broadcast %div3A_11 : vector<1x64xf32> to vector<10000x64xf32>
    %sub3A_12 = arith.subf %add3A_8, %sub3A : vector<10000x64xf32>
    %mul3A = arith.mulf %sub3A_12, %sub3A_12 : vector<10000x64xf32>
    %reduce_sum3A_13 = arith.constant dense<0.000000e+00> : vector<64xf32>
    %reduce_sum3A_14 = vector.multi_reduction <add>, %mul3A, %reduce_sum3A_13 [0] : vector<10000x64xf32> to vector<64xf32>
    %broadcast_in_dim3A_15 = vector.shape_cast %reduce_sum3A_14 : vector<64xf32> to vector<1x64xf32>
    %div3A_16 = arith.constant 1.000000e+04 : f32
    %div3A_17 = vector.broadcast %div3A_16 : f32 to vector<1x64xf32>
    %div3A_18 = arith.divf %broadcast_in_dim3A_15, %div3A_17 : vector<1x64xf32>
    %add3A_19 = arith.constant 9.99999974E-6 : f32
    %add3A_20 = vector.broadcast %add3A_19 : f32 to vector<1x64xf32>
    %add3A_21 = arith.addf %div3A_18, %add3A_20 : vector<1x64xf32>
    %rsqrt3A = math.rsqrt %add3A_21 : vector<1x64xf32>
    %mul3A_22 = vector.broadcast %rsqrt3A : vector<1x64xf32> to vector<10000x64xf32>
    %mul3A_23 = arith.mulf %sub3A_12, %mul3A_22 : vector<10000x64xf32>
    %get3A_24 = arith.constant 0 : index
    %get3A_25 = arith.constant 0 : index
    %get3A_26 = vector.load %arg3[%get3A_24, %get3A_25] : memref<1x64xf32, #tpu.memory_space<vmem>>, vector<1x64xf32>
    %mul3A_27 = vector.broadcast %get3A_26 : vector<1x64xf32> to vector<10000x64xf32>
    %mul3A_28 = arith.mulf %mul3A_23, %mul3A_27 : vector<10000x64xf32>
    %get3A_29 = arith.constant 0 : index
    %get3A_30 = arith.constant 0 : index
    %get3A_31 = vector.load %arg4[%get3A_29, %get3A_30] : memref<1x64xf32, #tpu.memory_space<vmem>>, vector<1x64xf32>
    %add3A_32 = vector.broadcast %get3A_31 : vector<1x64xf32> to vector<10000x64xf32>
    %add3A_33 = arith.addf %mul3A_28, %add3A_32 : vector<10000x64xf32>
    %max3A = arith.constant 0.000000e+00 : f32
    %max3A_34 = vector.broadcast %max3A : f32 to vector<10000x64xf32>
    %max3A_35 = arith.maximumf %add3A_33, %max3A_34 : vector<10000x64xf32>
    %add3A_36 = arith.addf %get3A_1, %max3A_35 : vector<10000x64xf32>
    %swap3A = arith.constant 0 : index
    %swap3A_37 = arith.constant 0 : index
    %swap3A_38 = vector.load %arg7[%swap3A, %swap3A_37] : memref<10000x64xf32, #tpu.memory_space<vmem>>, vector<10000x64xf32>
    tpu.vector_store %arg7[%swap3A, %swap3A_37], %add3A_36 {strides = array<i32>} : memref<10000x64xf32, #tpu.memory_space<vmem>>, vector<10000x64xf32>,
    %get3A_39 = arith.constant 0 : index
    %get3A_40 = arith.constant 0 : index
    %get3A_41 = vector.load %arg5[%get3A_39, %get3A_40] : memref<64x128xf32, #tpu.memory_space<vmem>>, vector<64x128xf32>
    %dot_general3A = arith.constant dense<0.000000e+00> : vector<10000x128xf32>
    %dot_general3A_42 = tpu.matmul %add3A_36, %get3A_41, %dot_general3A {dimension_numbers = #tpu.dot_dimension_numbers<[1], [0], [0], [1], [0, 0, 1, 1], [], []>, transpose_lhs_hint = false} : vector<10000x64xf32>, vector<64x128xf32>, vector<10000x128xf32> -> vector<10000x128xf32>
    %swap3A_43 = arith.constant 0 : index
    %swap3A_44 = arith.constant 0 : index
    %swap3A_45 = vector.load %arg8[%swap3A_43, %swap3A_44] : memref<10000x128xf32, #tpu.memory_space<vmem>>, vector<10000x128xf32>
    tpu.vector_store %arg8[%swap3A_43, %swap3A_44], %dot_general3A_42 {strides = array<i32>} : memref<10000x128xf32, #tpu.memory_space<vmem>>, vector<10000x128xf32>,
    %get3A_46 = arith.constant 0 : index
    %get3A_47 = arith.constant 0 : index
    %get3A_48 = vector.load %arg6[%get3A_46, %get3A_47] : memref<64x128xf32, #tpu.memory_space<vmem>>, vector<64x128xf32>
    %dot_general3A_49 = arith.constant dense<0.000000e+00> : vector<10000x128xf32>
    %dot_general3A_50 = tpu.matmul %add3A_36, %get3A_48, %dot_general3A_49 {dimension_numbers = #tpu.dot_dimension_numbers<[1], [0], [0], [1], [0, 0, 1, 1], [], []>, transpose_lhs_hint = false} : vector<10000x64xf32>, vector<64x128xf32>, vector<10000x128xf32> -> vector<10000x128xf32>
    %swap3A_51 = arith.constant 0 : index
    %swap3A_52 = arith.constant 0 : index
    %swap3A_53 = vector.load %arg9[%swap3A_51, %swap3A_52] : memref<10000x128xf32, #tpu.memory_space<vmem>>, vector<10000x128xf32>
    tpu.vector_store %arg9[%swap3A_51, %swap3A_52], %dot_general3A_50 {strides = array<i32>} : memref<10000x128xf32, #tpu.memory_space<vmem>>, vector<10000x128xf32>,
    return
  }
}

module attributes {stable_mosaic.version = 14 : i64} {
  func.func @_final_body(%arg0: memref<10000x64xf32, #tpu.memory_space<vmem>>, %arg1: memref<10000x64xf32, #tpu.memory_space<vmem>>, %arg2: memref<10000x64xf32, #tpu.memory_space<vmem>>, %arg3: memref<1x64xf32, #tpu.memory_space<vmem>>, %arg4: memref<1x64xf32, #tpu.memory_space<vmem>>, %arg5: memref<1x10000xi32, #tpu.memory_space<vmem>>, %arg6: memref<64x64xf32, #tpu.memory_space<vmem>>, %arg7: memref<1x64xf32, #tpu.memory_space<vmem>>, %arg8: memref<64x32xf32, #tpu.memory_space<vmem>>, %arg9: memref<1x32xf32, #tpu.memory_space<vmem>>, %arg10: memref<32x128xf32, #tpu.memory_space<vmem>>, %arg11: memref<1x128xf32, #tpu.memory_space<vmem>>, %arg12: memref<64x128xf32, #tpu.memory_space<vmem>>) attributes {dimension_semantics = [], scalar_prefetch = 0 : i64, scratch_operands = 0 : i64, tpu.core_type = #tpu.core_type<tc>} {
    %get3A = arith.constant 0 : index
    %get3A_0 = arith.constant 0 : index
    %get3A_1 = vector.load %arg0[%get3A, %get3A_0] : memref<10000x64xf32, #tpu.memory_space<vmem>>, vector<10000x64xf32>
    %get3A_2 = arith.constant 0 : index
    %get3A_3 = arith.constant 0 : index
    %get3A_4 = vector.load %arg1[%get3A_2, %get3A_3] : memref<10000x64xf32, #tpu.memory_space<vmem>>, vector<10000x64xf32>
    %add3A = arith.addf %get3A_1, %get3A_4 : vector<10000x64xf32>
    %get3A_5 = arith.constant 0 : index
    %get3A_6 = arith.constant 0 : index
    %get3A_7 = vector.load %arg2[%get3A_5, %get3A_6] : memref<10000x64xf32, #tpu.memory_space<vmem>>, vector<10000x64xf32>
    %add3A_8 = arith.addf %add3A, %get3A_7 : vector<10000x64xf32>
    %reduce_sum3A = arith.constant dense<0.000000e+00> : vector<64xf32>
    %reduce_sum3A_9 = vector.multi_reduction <add>, %add3A_8, %reduce_sum3A [0] : vector<10000x64xf32> to vector<64xf32>
    %broadcast_in_dim3A = vector.shape_cast %reduce_sum3A_9 : vector<64xf32> to vector<1x64xf32>
    %div3A = arith.constant 1.000000e+04 : f32
    %div3A_10 = vector.broadcast %div3A : f32 to vector<1x64xf32>
    %div3A_11 = arith.divf %broadcast_in_dim3A, %div3A_10 : vector<1x64xf32>
    %sub3A = vector.broadcast %div3A_11 : vector<1x64xf32> to vector<10000x64xf32>
    %sub3A_12 = arith.subf %add3A_8, %sub3A : vector<10000x64xf32>
    %mul3A = arith.mulf %sub3A_12, %sub3A_12 : vector<10000x64xf32>
    %reduce_sum3A_13 = arith.constant dense<0.000000e+00> : vector<64xf32>
    %reduce_sum3A_14 = vector.multi_reduction <add>, %mul3A, %reduce_sum3A_13 [0] : vector<10000x64xf32> to vector<64xf32>
    %broadcast_in_dim3A_15 = vector.shape_cast %reduce_sum3A_14 : vector<64xf32> to vector<1x64xf32>
    %div3A_16 = arith.constant 1.000000e+04 : f32
    %div3A_17 = vector.broadcast %div3A_16 : f32 to vector<1x64xf32>
    %div3A_18 = arith.divf %broadcast_in_dim3A_15, %div3A_17 : vector<1x64xf32>
    %add3A_19 = arith.constant 9.99999974E-6 : f32
    %add3A_20 = vector.broadcast %add3A_19 : f32 to vector<1x64xf32>
    %add3A_21 = arith.addf %div3A_18, %add3A_20 : vector<1x64xf32>
    %rsqrt3A = math.rsqrt %add3A_21 : vector<1x64xf32>
    %mul3A_22 = vector.broadcast %rsqrt3A : vector<1x64xf32> to vector<10000x64xf32>
    %mul3A_23 = arith.mulf %sub3A_12, %mul3A_22 : vector<10000x64xf32>
    %get3A_24 = arith.constant 0 : index
    %get3A_25 = arith.constant 0 : index
    %get3A_26 = vector.load %arg3[%get3A_24, %get3A_25] : memref<1x64xf32, #tpu.memory_space<vmem>>, vector<1x64xf32>
    %mul3A_27 = vector.broadcast %get3A_26 : vector<1x64xf32> to vector<10000x64xf32>
    %mul3A_28 = arith.mulf %mul3A_23, %mul3A_27 : vector<10000x64xf32>
    %get3A_29 = arith.constant 0 : index
    %get3A_30 = arith.constant 0 : index
    %get3A_31 = vector.load %arg4[%get3A_29, %get3A_30] : memref<1x64xf32, #tpu.memory_space<vmem>>, vector<1x64xf32>
    %add3A_32 = vector.broadcast %get3A_31 : vector<1x64xf32> to vector<10000x64xf32>
    %add3A_33 = arith.addf %mul3A_28, %add3A_32 : vector<10000x64xf32>
    %max3A = arith.constant 0.000000e+00 : f32
    %max3A_34 = vector.broadcast %max3A : f32 to vector<10000x64xf32>
    %max3A_35 = arith.maximumf %add3A_33, %max3A_34 : vector<10000x64xf32>
    %add3A_36 = arith.addf %get3A_1, %max3A_35 : vector<10000x64xf32>
    %iota3A = tpu.iota {dimensions = array<i32: 0>} : vector<64x10000xi32>
    %get3A_37 = arith.constant 0 : index
    %get3A_38 = arith.constant 0 : index
    %get3A_39 = vector.load %arg5[%get3A_37, %get3A_38] : memref<1x10000xi32, #tpu.memory_space<vmem>>, vector<1x10000xi32>
    %eq3A = vector.broadcast %get3A_39 : vector<1x10000xi32> to vector<64x10000xi32>
    %eq3A_40 = arith.cmpi eq, %eq3A, %iota3A : vector<64x10000xi32>
    %convert_element_type3A = arith.extui %eq3A_40 : vector<64x10000xi1> to vector<64x10000xi32>
    %convert_element_type3A_41 = arith.sitofp %convert_element_type3A : vector<64x10000xi32> to vector<64x10000xf32>
    %dot_general3A = arith.constant dense<0.000000e+00> : vector<64x64xf32>
    %dot_general3A_42 = tpu.matmul %convert_element_type3A_41, %add3A_36, %dot_general3A {dimension_numbers = #tpu.dot_dimension_numbers<[1], [0], [0], [1], [0, 0, 1, 1], [], []>, transpose_lhs_hint = false} : vector<64x10000xf32>, vector<10000x64xf32>, vector<64x64xf32> -> vector<64x64xf32>
    %reduce_sum3A_43 = arith.constant dense<0.000000e+00> : vector<64xf32>
    %reduce_sum3A_44 = vector.multi_reduction <add>, %convert_element_type3A_41, %reduce_sum3A_43 [1] : vector<64x10000xf32> to vector<64xf32>
    %broadcast_in_dim3A_45 = vector.shape_cast %reduce_sum3A_44 : vector<64xf32> to vector<64x1xf32>
    %max3A_46 = arith.constant 1.000000e+00 : f32
    %max3A_47 = vector.broadcast %max3A_46 : f32 to vector<64x1xf32>
    %max3A_48 = arith.maximumf %broadcast_in_dim3A_45, %max3A_47 : vector<64x1xf32>
    %div3A_49 = vector.broadcast %max3A_48 : vector<64x1xf32> to vector<64x64xf32>
    %div3A_50 = arith.divf %dot_general3A_42, %div3A_49 : vector<64x64xf32>
    %get3A_51 = arith.constant 0 : index
    %get3A_52 = arith.constant 0 : index
    %get3A_53 = vector.load %arg6[%get3A_51, %get3A_52] : memref<64x64xf32, #tpu.memory_space<vmem>>, vector<64x64xf32>
    %dot_general3A_54 = arith.constant dense<0.000000e+00> : vector<64x64xf32>
    %dot_general3A_55 = tpu.matmul %div3A_50, %get3A_53, %dot_general3A_54 {dimension_numbers = #tpu.dot_dimension_numbers<[1], [0], [0], [1], [0, 0, 1, 1], [], []>, transpose_lhs_hint = false} : vector<64x64xf32>, vector<64x64xf32>, vector<64x64xf32> -> vector<64x64xf32>
    %get3A_56 = arith.constant 0 : index
    %get3A_57 = arith.constant 0 : index
    %get3A_58 = vector.load %arg7[%get3A_56, %get3A_57] : memref<1x64xf32, #tpu.memory_space<vmem>>, vector<1x64xf32>
    %add3A_59 = vector.broadcast %get3A_58 : vector<1x64xf32> to vector<64x64xf32>
    %add3A_60 = arith.addf %dot_general3A_55, %add3A_59 : vector<64x64xf32>
    %max3A_61 = arith.constant 0.000000e+00 : f32
    %max3A_62 = vector.broadcast %max3A_61 : f32 to vector<64x64xf32>
    %max3A_63 = arith.maximumf %add3A_60, %max3A_62 : vector<64x64xf32>
    %get3A_64 = arith.constant 0 : index
    %get3A_65 = arith.constant 0 : index
    %get3A_66 = vector.load %arg8[%get3A_64, %get3A_65] : memref<64x32xf32, #tpu.memory_space<vmem>>, vector<64x32xf32>
    %dot_general3A_67 = arith.constant dense<0.000000e+00> : vector<64x32xf32>
    %dot_general3A_68 = tpu.matmul %max3A_63, %get3A_66, %dot_general3A_67 {dimension_numbers = #tpu.dot_dimension_numbers<[1], [0], [0], [1], [0, 0, 1, 1], [], []>, transpose_lhs_hint = false} : vector<64x64xf32>, vector<64x32xf32>, vector<64x32xf32> -> vector<64x32xf32>
    %get3A_69 = arith.constant 0 : index
    %get3A_70 = arith.constant 0 : index
    %get3A_71 = vector.load %arg9[%get3A_69, %get3A_70] : memref<1x32xf32, #tpu.memory_space<vmem>>, vector<1x32xf32>
    %add3A_72 = vector.broadcast %get3A_71 : vector<1x32xf32> to vector<64x32xf32>
    %add3A_73 = arith.addf %dot_general3A_68, %add3A_72 : vector<64x32xf32>
    %max3A_74 = arith.constant 0.000000e+00 : f32
    %max3A_75 = vector.broadcast %max3A_74 : f32 to vector<64x32xf32>
    %max3A_76 = arith.maximumf %add3A_73, %max3A_75 : vector<64x32xf32>
    %get3A_77 = arith.constant 0 : index
    %get3A_78 = arith.constant 0 : index
    %get3A_79 = vector.load %arg10[%get3A_77, %get3A_78] : memref<32x128xf32, #tpu.memory_space<vmem>>, vector<32x128xf32>
    %dot_general3A_80 = arith.constant dense<0.000000e+00> : vector<64x128xf32>
    %dot_general3A_81 = tpu.matmul %max3A_76, %get3A_79, %dot_general3A_80 {dimension_numbers = #tpu.dot_dimension_numbers<[1], [0], [0], [1], [0, 0, 1, 1], [], []>, transpose_lhs_hint = false} : vector<64x32xf32>, vector<32x128xf32>, vector<64x128xf32> -> vector<64x128xf32>
    %get3A_82 = arith.constant 0 : index
    %get3A_83 = arith.constant 0 : index
    %get3A_84 = vector.load %arg11[%get3A_82, %get3A_83] : memref<1x128xf32, #tpu.memory_space<vmem>>, vector<1x128xf32>
    %add3A_85 = vector.broadcast %get3A_84 : vector<1x128xf32> to vector<64x128xf32>
    %add3A_86 = arith.addf %dot_general3A_81, %add3A_85 : vector<64x128xf32>
    %swap3A = arith.constant 0 : index
    %swap3A_87 = arith.constant 0 : index
    %swap3A_88 = vector.load %arg12[%swap3A, %swap3A_87] : memref<64x128xf32, #tpu.memory_space<vmem>>, vector<64x128xf32>
    tpu.vector_store %arg12[%swap3A, %swap3A_87], %add3A_86 {strides = array<i32>} : memref<64x128xf32, #tpu.memory_space<vmem>>, vector<64x128xf32>,
    return
  }
}

</mosaic_0001>

<sc_bundles>
// kernel: kernel.27.cloned.1.call-start
scs
__scs_entry_jumppad:
0x0: {  	(pc) =	sbr.rel $0x88, $3  }
0x1: {  	(tag) =	ssettag $0x0;
	lr =	simm.s32 $0x1  }
0x2: {  	[smem:$0x3F8F] =	sst lr;
	_ =	strace $0xD0000000  }
0x3: {  	_ = 	snop  }
0x4: {  	_ = 	snop  }
0x5: {  	_ = 	snop  }
0x6: {  	_ = 	snop  }
0x7: {  	_ = 	snop  }
__scs_overlays_trampoline_lowered:
0x8: {  	[smem:$0x3F9E] =	sst s0  }
0x9: {  	[smem:$0x3F9F] =	sst s1  }
0xa: {  	[smem:$0x3FA0] =	sst s2  }
0xb: {  	[smem:$0x3FA1] =	sst s3  }
0xc: {  	[smem:$0x3FA2] =	sst s4  }
0xd: {  	[smem:$0x3FA3] =	sst s5  }
0xe: {  	[smem:$0x3FA4] =	sst s6  }
0xf: {  	[smem:$0x3FA5] =	sst s7  }
0x10: {  	[smem:$0x3FA6] =	sst s8  }
0x11: {  	[smem:$0x3FA7] =	sst s9;
	s0 =	simm.s32 @!p0 $0x0  }
0x12: {  	s1 =	sld [smem:$0x3F8D];
	s0 =	simm.s32 @p0 $0x1  }
0x13: {  	[smem:$0x3FA8] =	sst s0;
	s0 =	simm.s32 @!p1 $0x0  }
0x14: {  	s2 =	sld [smem:$0x3F8C];
	s0 =	simm.s32 @p1 $0x1  }
0x15: {  	[smem:$0x3FA9] =	sst s0;
	s0 =	simm.s32 @!p2 $0x0  }
0x16: {  	s3 =	sld [smem:$0x3FDB];
	s0 =	simm.s32 @p2 $0x1  }
0x17: {  	s4 =	simm.s32 $0x1BF5;
	[smem:$0x3FAB] =	sst s0  }
0x18: {  	s0 =	sld [smem:$0x3F8E];
	_ =	swait.ge [sflag:s4], $0x0  }
0x19: {  	s7 =	sld [smem:$0x3F8F]  }
0x1a: {  	s8 =	sadd.s32 $0xFFFFE003, lr  }
0x1b: {  	s9 =	sadd.s32 $0xFFFFFEF7, lr;
	s5 =	simm.s32 $0xFFFFFFFF;
	p2 =	slt.u32 s8, $0xFFFFF086  }
0x1c: {  	p1 =	slt.u32 s9, $0xF7A;
	s5 =	simm.s32 @!p2 $0x0  }
0x1d: {  	s5 =	simm.s32 @p1 $0x1;
	p0 =	seq.s32 s7, s2  }
0x1e: {  	s7 =	smul.u32 @!p0 $0xF7A, s2;
	p2 =	seq.s32 @!p0 s5, $0x0  }
0x1f: {  	s9 =	smul.u32 $0xF7A, s1;
	s8 =	simm.s32 @!p0 $0x1BF5;
	p2 =	por !p2, p0  }
0x20: {  	[sflag:s8] =	ssyncset.s32 @!p0 $0xFFFFF086;
	s6 =	sadd.s32 @!p0 s3, s7;
	s7 =	simm.s32 @!p0 $0x108  }
0x21: {  	s3 =	sadd.s32 s3, s9;
	s6 =	sadd.s32 @!p0 $0x88, s6;
	s7 =	simm.s32 @p2 $0x1082  }
0x22: {  	[simem:s7], [sflag:s8] =	dma.local @!p0 [hbm:s6], $0xF7A  }
0x23: {  	s9 =	sor.u32 $0xD0000000, s2;
	s6 =	simm.s32 $0x108;
	_ =	swait.ge @!p0 [sflag:s8], $0x0  }
0x24: {  	s3 =	sadd.s32 $0x88, s3;
	s6 =	simm.s32 @!p1 $0x1082;
	[sflag:s4] =	ssyncset.s32 $0xFFFFF086  }
0x25: {  	[simem:s6], [sflag:s4] =	dma.local [hbm:s3], $0xF7A  }
0x26: {  	[smem:$0x3F8F] =	sst s1;
	(tag) =	ssettag s2;
	_ =	strace s9  }
0x27: {  	s1 =	sld [smem:$0x3F9F]  }
0x28: {  	s2 =	sld [smem:$0x3FA0]  }
0x29: {  	s4 =	sld [smem:$0x3FA2]  }
0x2a: {  	p0 =	seq.s32 s5, $0x0;
	s5 =	sld [smem:$0x3FA3]  }
0x2b: {  	s6 =	sld [smem:$0x3FA4]  }
0x2c: {  	s7 =	sld [smem:$0x3FA5]  }
0x2d: {  	s3 =	simm.s32 $0x108;
	s8 =	sld [smem:$0x3FA6]  }
0x2e: {  	s3 =	simm.s32 @!p0 $0x1082;
	s9 =	sld [smem:$0x3FA7]  }
0x2f: {  	lr =	sadd.s32 s0, s3;
	s0 =	sld [smem:$0x3F9E]  }
0x30: {  	s3 =	sld [smem:$0x3FA1]  }
0x31: {  	[smem:$0x3FAA] =	sst s10  }
0x32: {  	s10 =	sld [smem:$0x3FA8];
	_ =	sdelay $0x3  }
0x33: {  	p0 =	seq.s32 s10, $0x1;
	s10 =	sld [smem:$0x3FAA];
	_ =	sdelay $0x3  }
0x34: {  	[smem:$0x3FAA] =	sst s10  }
0x35: {  	s10 =	sld [smem:$0x3FA9];
	_ =	sdelay $0x3  }
0x36: {  	p1 =	seq.s32 s10, $0x1;
	s10 =	sld [smem:$0x3FAA];
	_ =	sdelay $0x3  }
0x37: {  	[smem:$0x3FAA] =	sst s10  }
0x38: {  	s10 =	sld [smem:$0x3FAB]  }
0x39: {  	_ = 	snop;
	(pc) =	sbr.ind lr, $3  }
0x3a: {  	_ = 	snop  }
0x3b: {  	_ = 	snop  }
0x3c: {  	p2 =	seq.s32 s10, $0x1;
	s10 =	sld [smem:$0x3FAA]  }
0x3d: {  	_ =	shalt  }
0x3e: {  	_ =	shalt  }
0x3f: {  	_ =	shalt  }
0x40: {  	_ =	shalt  }
0x41: {  	_ =	shalt  }
0x42: {  	_ =	shalt  }
0x43: {  	_ =	shalt  }
0x44: {  	_ =	shalt  }
0x45: {  	_ =	shalt  }
0x46: {  	_ =	shalt  }
0x47: {  	_ =	shalt  }
0x48: {  	_ =	shalt  }
0x49: {  	_ =	shalt  }
0x4a: {  	_ =	shalt  }
0x4b: {  	_ =	shalt  }
0x4c: {  	_ =	shalt  }
0x4d: {  	_ =	shalt  }
0x4e: {  	_ =	shalt  }
0x4f: {  	_ =	shalt  }
0x50: {  	_ =	shalt  }
0x51: {  	_ =	shalt  }
0x52: {  	_ =	shalt  }
0x53: {  	_ =	shalt  }
0x54: {  	_ =	shalt  }
0x55: {  	_ =	shalt  }
0x56: {  	_ =	shalt  }
0x57: {  	_ =	shalt  }
0x58: {  	_ =	shalt  }
0x59: {  	_ =	shalt  }
0x5a: {  	_ =	shalt  }
0x5b: {  	_ =	shalt  }
0x5c: {  	_ =	shalt  }
0x5d: {  	_ =	shalt  }
0x5e: {  	_ =	shalt  }
0x5f: {  	_ =	shalt  }
0x60: {  	_ =	shalt  }
0x61: {  	_ =	shalt  }
0x62: {  	_ =	shalt  }
0x63: {  	_ =	shalt  }
0x64: {  	_ =	shalt  }
0x65: {  	_ =	shalt  }
0x66: {  	_ =	shalt  }
0x67: {  	_ =	shalt  }
0x68: {  	_ =	shalt  }
0x69: {  	_ =	shalt  }
0x6a: {  	_ =	shalt  }
0x6b: {  	_ =	shalt  }
0x6c: {  	_ =	shalt  }
0x6d: {  	_ =	shalt  }
0x6e: {  	_ =	shalt  }
0x6f: {  	_ =	shalt  }
0x70: {  	_ =	shalt  }
0x71: {  	_ =	shalt  }
0x72: {  	_ =	shalt  }
0x73: {  	_ =	shalt  }
0x74: {  	_ =	shalt  }
0x75: {  	_ =	shalt  }
0x76: {  	_ =	shalt  }
0x77: {  	_ =	shalt  }
0x78: {  	_ =	shalt  }
0x79: {  	_ =	shalt  }
0x7a: {  	_ =	shalt  }
0x7b: {  	_ =	shalt  }
0x7c: {  	_ =	shalt  }
0x7d: {  	_ =	shalt  }
0x7e: {  	_ =	shalt  }
0x7f: {  	_ =	shalt  }
0x80: {  	_ =	shalt  }
0x81: {  	_ =	shalt  }
0x82: {  	_ =	shalt  }
0x83: {  	_ =	shalt  }
0x84: {  	_ =	shalt  }
0x85: {  	_ =	shalt  }
0x86: {  	_ =	shalt  }
0x87: {  	_ =	shalt  }
.Lfunc_end0:
.L_simem_size_0:
called_computation_lowered:
.L_overlay_start_0:
0x88: {  	s0 =	sld [smem:$0x3FD9]  }
0x89: {  	s1 =	sld [smem:$0x3FFE];
	_ =	sdelay $0x3  }
0x8a: {  	s0 =	sadd.s32 s1, s0  }
0x8b: {  	[smem:$0x3FB6] =	sst s0  }
0x8c: {  	_ = 	snop  }
0x8d: {  	(tm) =	ssettm $0x1  }
0x8e: {  	s15 =	sld [smem:$0x3FFB];
	_ =	sdelay $0x3  }
0x8f: {  	_ =	strace s15  }
0x90: {  	s0 =	sld [smem:$0x3FFC];
	_ =	sdelay $0x3  }
0x91: {  	_ =	strace s0  }
0x92: {  	s0 =	sld [smem:$0x3FFD];
	_ =	sdelay $0x3  }
0x93: {  	_ =	strace s0  }
0x94: {  	_ =	strace $0x8FFFFFFF  }
0x95: {  	s16 =	sld [smem:$0x3FDB];
	_ =	sdelay $0x1  }
0x96: {  	s17 =	simm.s32 $_scs_section_size  }
0x97: {  	s2 =	simm.s32 $_size__tile_overlayer_lowered;
	s3 =	simm.s32 $_tile_overlayer_lowered  }
0x98: {  	s20 =	simm.s32 $0x1BFF;
	s19 =	sshll.u32 s3, $0x1;
	s0 =	sadd.s32 s17, s16  }
0x99: {  	s4 =	simm.s32 $0x0;
	s18 =	sshll.u32 s2, $0x1;
	s2 =	sadd.s32 s19, s0  }
0x9a: {  	[timem:s4], [sflag:s20] =	dma.local [hbm:s2], s18  }
0x9b: {  	_ =	swait.ge [sflag:s20], s18  }
0x9c: {  	s1 =	ssub.s32 $0x0, s18;
	[sflag:s20] =	ssyncset.done $0x0  }
0x9d: {  	[sflag:s20] =	ssyncadd.s32 s1;
	_ =	sdelay $0x1  }
0x9e: {  	s21 =	simm.s32 $0x1B8B  }
0x9f: {  	_ =	swait.ge [sflag:s21], $0x1  }
0xa0: {  	[sflag:s21] =	ssyncset.done $0x0  }
0xa1: {  	s23 =	simm.s32 $0x1B8E;
	s22 =	sld [smem:$0x3FFE];
	[sflag:s21] =	ssyncadd.s32 $0xFFFFFFFF  }
0xa2: {  	s24 =	simm.s32 $execute0_lowered;
	[smem:$0x3FD2] =	sst s23  }
0xa3: {  	s2 =	sshll.u32 s24, $0x1;
	_ =	strace $0x80000046;
	[dreg:$0x1] =	wrdreg $0xFFFFFFFF  }
0xa4: {  	s25 =	simm.s32 $_size_execute0_lowered;
	s0 =	sadd.s32 s0, s2;
	[dreg:$0x0] =	wrdreg $0x0  }
0xa5: {  	s2 =	sshll.u32 s25, $0x1;
	[dreg:$0x2] =	wrdreg s0  }
0xa6: {  	[dreg:$0x3] =	wrdreg s2  }
0xa7: {  	[dreg:$0x4] =	wrdreg $0xC0  }
0xa8: {  	_ =	task [dreg:s4], $0x5FFFF  }
0xa9: {  	[dreg:$0x1] =	wrdreg $0xFFFFFFFF  }
0xaa: {  	[dreg:$0x0] =	wrdreg $0x60  }
0xab: {  	[dreg:$0x2] =	wrdreg s22  }
0xac: {  	[dreg:$0x3] =	wrdreg $0x9  }
0xad: {  	_ =	task.clear_ibuf [dreg:s4], $0x4FFFF;
	_ =	strace $0x90000046  }
0xae: {  	s26 =	simm.s32 $0x9;
	_ =	strace $0x80000048  }
0xaf: {  	_ =	swait.ge [sflag:s26], $0x1  }
0xb0: {  	[sflag:s26] =	ssyncadd.s32 $0xFFFFFFFF  }
0xb1: {  	_ =	strace $0x90000048  }
0xb2: {  	_ =	sfence  }
0xb3: {  	s28 =	sld [smem:$0x0];
	_ =	sdelay $0x1  }
0xb4: {  	s29 =	srdreg.scid  }
0xb5: {  	s30 =	sshll.u32 s29, $0xD;
	s31 =	sshrl.u32 s29, $0x2  }
0xb6: {  	s1 =	sand.u32 $0x1, s29;
	s2 =	sand.u32 $0x4000, s30;
	s0 =	sadd.s32 s31, s28  }
0xb7: {  	s1 =	sor.u32 s2, s1;
	s0 =	sshll.u32 s0, $0x11  }
0xb8: {  	s0 =	sor.u32 s0, s1  }
0xb9: {  	s0 =	sadd.s32 $0x8F2B, s0  }
0xba: {  	[sflag:s0] =	ssyncadd.remote.s32 $0x1  }
0xbb: {  	_ =	sfence.sel $0xFFFF  }
0xbc: {  	[dreg:$0x0] =	wrdreg $0xFFFFFFFF;
	(pc) =	sbr.abs _section_cstart, $3  }
0xbd: {  	[dreg:$0x1] =	wrdreg $0xFFFFFFFF  }
0xbe: {  	_ =	task.clear_ibuf [dreg:s4], $0x2FFFF;
	_ =	strace $0x9FFFFFFF  }
0xbf: {  	(tm) =	ssettm $0x7FFFFFFF  }
tec
execute0_lowered:
.L_overlay_start_1:
0x0: {  	(tag) =	ssettag $0x1  }
0x1: {  	s1 =	rddreg [dreg:$0x0]  }
0x2: {  	s0 =	rddreg [dreg:$0x1]  }
0x3: {  	s2 =	simm.s32 $0x0;
	s5 =	simm.s32 $0x0;
	s6 =	simm.s32 $0x200  }
0x4: {  	[smem:$0x7FF] =	sst s2;
	s4 =	sadd.s32 $0xBE00, s1;
	s3 =	sadd.s32 $0x9CFE00, s1  }
0x5: {  	v0 =	vimm.f32 $-1.000000000e+00;
	s2 =	sadd.s32 $0x1393E00, s1;
	s1 =	stileid.u32;
	_ =	strace $0x80000047  }
.LBB2_1:
0x6: {  	p0 =	sne.s32 s6, $0x9E00;
	[tilespmem:s5+$0x28F0] =	vst v0  }
0x7: {  	[tilespmem:s5+$0x2880] =	vst v0  }
0x8: {  	[tilespmem:s5+$0x2890] =	vst v0  }
.Ltmp0:
0x9: {  	[tilespmem:s5+$0x28A0] =	vst v0;
	(pc) =	sbr.rel @p0 .LBB2_1-.Ltmp0, $4  }
0xa: {  	[tilespmem:s5+$0x28B0] =	vst v0  }
0xb: {  	[tilespmem:s5+$0x28C0] =	vst v0  }
0xc: {  	[tilespmem:s5+$0x28D0] =	vst v0  }
0xd: {  	[tilespmem:s5+$0x28E0] =	vst v0;
	s5 =	sshra.s32 s6, $0x2;
	s6 =	sadd.s32 $0x200, s6  }
0xe: {  	[tilespmem:s5+$0x28F0] =	vst v0  }
0xf: {  	[tilespmem:s5+$0x2880] =	vst v0  }
0x10: {  	[tilespmem:s5+$0x2890] =	vst v0  }
0x11: {  	[tilespmem:s5+$0x28A0] =	vst v0  }
0x12: {  	[tilespmem:s5+$0x28B0] =	vst v0;
	s6 =	smul.u32 $0xA0A00, s1  }
0x13: {  	[tilespmem:s5+$0x28C0] =	vst v0  }
0x14: {  	[tilespmem:s5+$0x28D0] =	vst v0;
	s7 =	simm.s32 $0x0;
	s6 =	sadd.s32 s6, s2  }
0x15: {  	[tilespmem:s5+$0x28E0] =	vst v0;
	s8 =	simm.s32 $0x2880;
	s5 =	simm.s32 $0x2;
	s9 =	sadd.s32 $0x0, s6  }
0x16: {  	[hbm4b:s9+s7] =	stream.linear.scatter [tilespmem:s8], [sflag:$0x2], $0x2800, $0x38;
	[tilespmem:$0x5080] =	vst v63  }
0x17: {  	_ =	swait.ge [sflag:s5], $0x2800  }
0x18: {  	s9 =	simm.s32 $0x500;
	[sflag:s5] =	ssyncset.done $0x0  }
.LBB2_3:
0x19: {  	s10 =	sadd.s32 s9, s6;
	[sflag:s5] =	ssyncadd.s32 $0xFFFFD800;
	p0 =	sne.s32 s9, $0xA0500  }
0x1a: {  	[hbm4b:s10+s7] =	stream.linear.scatter [tilespmem:s8], [sflag:$0x2], $0x2800, $0x38;
	[tilespmem:$0x5080] =	vst v63  }
.Ltmp1:
0x1b: {  	_ = 	snop;
	(pc) =	sbr.rel @p0 .LBB2_3-.Ltmp1, $4  }
0x1c: {  	_ = 	snop  }
0x1d: {  	s9 =	sadd.s32 $0x500, s9  }
0x1e: {  	_ =	swait.ge [sflag:s5], $0x2800  }
0x1f: {  	[sflag:s5] =	ssyncset.done $0x0  }
0x20: {  	s6 =	smul.u32 $0x1388, s1  }
0x21: {  	[sflag:s5] =	ssyncadd.s32 $0xFFFFD800  }
0x22: {  	s7 =	smul.u32 $0x9C400, s1;
	s5 =	simm.s32 $0x0;
	s6 =	sadd.s32 s6, s4  }
0x23: {  	[bflag:$0x0] =	sbarrier.arrive $0xFFFF;
	s4 =	simm.s32 $0x2;
	s8 =	sadd.s32 $0x0, s6  }
0x24: {  	[tilespmem:s5], [sflag:$0x2] =	stream.linear.gather [hbm4b:s8+s5], $0x50, $0x38;
	[tilespmem:$0x5080] =	vst v63  }
0x25: {  	_ =	swait.ge [sflag:s4], $0x50  }
0x26: {  	s9 =	sadd.s32 s7, s3;
	[sflag:s4] =	ssyncset.done $0x0  }
0x27: {  	s3 =	simm.s32 $0x80;
	s7 =	simm.s32 $0x1;
	[sflag:s4] =	ssyncadd.s32 $0xFFFFFFB0  }
0x28: {  	[tilespmem:s3], [sflag:$0x1] =	stream.linear.gather [hbm4b:s9+s5], $0x2800, $0x38;
	[tilespmem:$0x5080] =	vst v63  }
0x29: {  	_ =	swait.ge [sflag:s7], $0x2800  }
0x2a: {  	[sflag:s7] =	ssyncset.done $0x0  }
0x2b: {  	s8 =	simm.s32 $0x50;
	[sflag:s7] =	ssyncadd.s32 $0xFFFFD800  }
0x2c: {  	[hbm4b:s2+s8] =	stream.indirect.scatter [tilespmem:s3], [sflag:$0x2], $0x80, s5, s8, $0xb8;
	[tilespmem:$0x5080] =	vst v63  }
0x2d: {  	s10 =	simm.s32 $0xA;
	_ =	swait.ge [sflag:s4], $0x2800  }
0x2e: {  	s11 =	simm.s32 $0x14;
	s9 =	sadd.s32 $0x500, s9;
	[sflag:s4] =	ssyncset.done $0x0  }
.LBB2_5:
0x2f: {  	s12 =	sadd.s32 s10, s6  }
0x30: {  	[sflag:s4] =	ssyncadd.s32 $0xFFFFD800;
	s10 =	smov.u32 s11;
	s13 =	sadd.s32 $0xA, s11  }
0x31: {  	[tilespmem:s5], [sflag:$0x2] =	stream.linear.gather [hbm4b:s12+s5], $0x50, $0x38;
	[tilespmem:$0x5080] =	vst v63  }
0x32: {  	p0 =	sne.s32 s11, $0x137E;
	_ =	swait.ge [sflag:s4], $0x50  }
0x33: {  	[sflag:s4] =	ssyncset.done $0x0  }
0x34: {  	[sflag:s4] =	ssyncadd.s32 $0xFFFFFFB0  }
0x35: {  	[tilespmem:s3], [sflag:$0x1] =	stream.linear.gather [hbm4b:s9+s5], $0x2800, $0x38;
	[tilespmem:$0x5080] =	vst v63  }
0x36: {  	_ =	swait.ge [sflag:s7], $0x2800  }
.Ltmp2:
0x37: {  	[sflag:s7] =	ssyncset.done $0x0;
	(pc) =	sbr.rel @p0 .LBB2_5-.Ltmp2, $4  }
0x38: {  	[sflag:s7] =	ssyncadd.s32 $0xFFFFD800  }
0x39: {  	[hbm4b:s2+s8] =	stream.indirect.scatter [tilespmem:s3], [sflag:$0x2], $0x80, s5, s8, $0xb8;
	[tilespmem:$0x5080] =	vst v63  }
0x3a: {  	_ =	swait.ge [sflag:s4], $0x2800  }
0x3b: {  	s11 =	smov.u32 s13;
	s9 =	sadd.s32 $0x500, s9;
	[sflag:s4] =	ssyncset.done $0x0  }
0x3c: {  	s6 =	sadd.s32 s10, s6;
	[sflag:s4] =	ssyncadd.s32 $0xFFFFD800  }
0x3d: {  	[tilespmem:s5], [sflag:$0x2] =	stream.linear.gather [hbm4b:s6+s5], $0x50, $0x38;
	[tilespmem:$0x5080] =	vst v63  }
0x3e: {  	_ =	swait.ge [sflag:s4], $0x50  }
0x3f: {  	[sflag:s4] =	ssyncset.done $0x0  }
0x40: {  	[sflag:s4] =	ssyncadd.s32 $0xFFFFFFB0  }
0x41: {  	[tilespmem:s3], [sflag:$0x1] =	stream.linear.gather [hbm4b:s9+s5], $0x2800, $0x38;
	[tilespmem:$0x5080] =	vst v63  }
0x42: {  	_ =	swait.ge [sflag:s7], $0x2800  }
0x43: {  	[sflag:s7] =	ssyncset.done $0x0  }
0x44: {  	[sflag:s7] =	ssyncadd.s32 $0xFFFFD800  }
0x45: {  	[hbm4b:s2+s8] =	stream.indirect.scatter [tilespmem:s3], [sflag:$0x2], $0x80, s5, s8, $0xb8;
	[tilespmem:$0x5080] =	vst v63  }
0x46: {  	_ =	swait.ge [sflag:s4], $0x2800  }
0x47: {  	[sflag:s4] =	ssyncset.done $0x0  }
0x48: {  	[sflag:s4] =	ssyncadd.s32 $0xFFFFD800  }
0x49: {  	_ =	sfence.sel $0x180000  }
0x4a: {  	[bflag:$0x0] =	sbarrier.arrive $0xFFFF  }
0x4b: {  	p0 =	sne.s32 s1, $0x0;
	_ =	strace $0x90000047  }
0x4c: {  	s0 =	sadd.s32 @!p0 $0x100000, s0;
	[bflag:$0x2] =	sbarrier.arrive $0xFFFF  }
0x4d: {  	[sflag:s0] =	ssyncadd.tile.s32 @!p0 $0x1;
	_ =	shalt  }
.Lfunc_end2:
_tile_overlayer_lowered:
.L_overlay_start_2:
0x4e: {  	(tag) =	ssettag $0x2  }
0x4f: {  	s0 =	rddreg [dreg:$0x0];
	s2 =	stileid.u32  }
0x50: {  	s1 =	rddreg [dreg:$0x1];
	p0 =	sne.s32 s2, $0x0  }
0x51: {  	s3 =	rddreg [dreg:$0x2];
	[bflag:$0x3] =	sbarrier.arrive $0xFFFF;
	s2 =	simm.s32 @!p0 $0x1C02  }
0x52: {  	[timem:s3], [sflag:s2] =	dma.local @!p0 [hbm:s0], s1  }
0x53: {  	s0 =	simm.s32 @!p0 $0x2  }
0x54: {  	_ =	swait.ge @!p0 [sflag:s0], s1  }
0x55: {  	s1 =	ssub.s32 @!p0 $0x0, s1;
	[sflag:s0] =	ssyncset.done @!p0 $0x0  }
0x56: {  	[sflag:s0] =	ssyncadd.s32 @!p0 s1  }
0x57: {  	[bflag:$0x3] =	sbarrier.arrive $0xFFFF  }
0x58: {  	_ =	shalt  }

// kernel: kernel.30.cloned.1.call-start
scs
__scs_entry_jumppad:
0x0: {  	(pc) =	sbr.rel $0x88, $3  }
0x1: {  	(tag) =	ssettag $0x0;
	lr =	simm.s32 $0x1  }
0x2: {  	[smem:$0x3F8F] =	sst lr;
	_ =	strace $0xD0000000  }
0x3: {  	_ = 	snop  }
0x4: {  	_ = 	snop  }
0x5: {  	_ = 	snop  }
0x6: {  	_ = 	snop  }
0x7: {  	_ = 	snop  }
__scs_overlays_trampoline_lowered:
0x8: {  	[smem:$0x3F9E] =	sst s0  }
0x9: {  	[smem:$0x3F9F] =	sst s1  }
0xa: {  	[smem:$0x3FA0] =	sst s2  }
0xb: {  	[smem:$0x3FA1] =	sst s3  }
0xc: {  	[smem:$0x3FA2] =	sst s4  }
0xd: {  	[smem:$0x3FA3] =	sst s5  }
0xe: {  	[smem:$0x3FA4] =	sst s6  }
0xf: {  	[smem:$0x3FA5] =	sst s7  }
0x10: {  	[smem:$0x3FA6] =	sst s8  }
0x11: {  	[smem:$0x3FA7] =	sst s9;
	s0 =	simm.s32 @!p0 $0x0  }
0x12: {  	s1 =	sld [smem:$0x3F8D];
	s0 =	simm.s32 @p0 $0x1  }
0x13: {  	[smem:$0x3FA8] =	sst s0;
	s0 =	simm.s32 @!p1 $0x0  }
0x14: {  	s2 =	sld [smem:$0x3F8C];
	s0 =	simm.s32 @p1 $0x1  }
0x15: {  	[smem:$0x3FA9] =	sst s0;
	s0 =	simm.s32 @!p2 $0x0  }
0x16: {  	s3 =	sld [smem:$0x3FDB];
	s0 =	simm.s32 @p2 $0x1  }
0x17: {  	s4 =	simm.s32 $0x1BF5;
	[smem:$0x3FAB] =	sst s0  }
0x18: {  	s0 =	sld [smem:$0x3F8E];
	_ =	swait.ge [sflag:s4], $0x0  }
0x19: {  	s7 =	sld [smem:$0x3F8F]  }
0x1a: {  	s8 =	sadd.s32 $0xFFFFE003, lr  }
0x1b: {  	s9 =	sadd.s32 $0xFFFFFEF7, lr;
	s5 =	simm.s32 $0xFFFFFFFF;
	p2 =	slt.u32 s8, $0xFFFFF086  }
0x1c: {  	p1 =	slt.u32 s9, $0xF7A;
	s5 =	simm.s32 @!p2 $0x0  }
0x1d: {  	s5 =	simm.s32 @p1 $0x1;
	p0 =	seq.s32 s7, s2  }
0x1e: {  	s7 =	smul.u32 @!p0 $0xF7A, s2;
	p2 =	seq.s32 @!p0 s5, $0x0  }
0x1f: {  	s9 =	smul.u32 $0xF7A, s1;
	s8 =	simm.s32 @!p0 $0x1BF5;
	p2 =	por !p2, p0  }
0x20: {  	[sflag:s8] =	ssyncset.s32 @!p0 $0xFFFFF086;
	s6 =	sadd.s32 @!p0 s3, s7;
	s7 =	simm.s32 @!p0 $0x108  }
0x21: {  	s3 =	sadd.s32 s3, s9;
	s6 =	sadd.s32 @!p0 $0x88, s6;
	s7 =	simm.s32 @p2 $0x1082  }
0x22: {  	[simem:s7], [sflag:s8] =	dma.local @!p0 [hbm:s6], $0xF7A  }
0x23: {  	s9 =	sor.u32 $0xD0000000, s2;
	s6 =	simm.s32 $0x108;
	_ =	swait.ge @!p0 [sflag:s8], $0x0  }
0x24: {  	s3 =	sadd.s32 $0x88, s3;
	s6 =	simm.s32 @!p1 $0x1082;
	[sflag:s4] =	ssyncset.s32 $0xFFFFF086  }
0x25: {  	[simem:s6], [sflag:s4] =	dma.local [hbm:s3], $0xF7A  }
0x26: {  	[smem:$0x3F8F] =	sst s1;
	(tag) =	ssettag s2;
	_ =	strace s9  }
0x27: {  	s1 =	sld [smem:$0x3F9F]  }
0x28: {  	s2 =	sld [smem:$0x3FA0]  }
0x29: {  	s4 =	sld [smem:$0x3FA2]  }
0x2a: {  	p0 =	seq.s32 s5, $0x0;
	s5 =	sld [smem:$0x3FA3]  }
0x2b: {  	s6 =	sld [smem:$0x3FA4]  }
0x2c: {  	s7 =	sld [smem:$0x3FA5]  }
0x2d: {  	s3 =	simm.s32 $0x108;
	s8 =	sld [smem:$0x3FA6]  }
0x2e: {  	s3 =	simm.s32 @!p0 $0x1082;
	s9 =	sld [smem:$0x3FA7]  }
0x2f: {  	lr =	sadd.s32 s0, s3;
	s0 =	sld [smem:$0x3F9E]  }
0x30: {  	s3 =	sld [smem:$0x3FA1]  }
0x31: {  	[smem:$0x3FAA] =	sst s10  }
0x32: {  	s10 =	sld [smem:$0x3FA8];
	_ =	sdelay $0x3  }
0x33: {  	p0 =	seq.s32 s10, $0x1;
	s10 =	sld [smem:$0x3FAA];
	_ =	sdelay $0x3  }
0x34: {  	[smem:$0x3FAA] =	sst s10  }
0x35: {  	s10 =	sld [smem:$0x3FA9];
	_ =	sdelay $0x3  }
0x36: {  	p1 =	seq.s32 s10, $0x1;
	s10 =	sld [smem:$0x3FAA];
	_ =	sdelay $0x3  }
0x37: {  	[smem:$0x3FAA] =	sst s10  }
0x38: {  	s10 =	sld [smem:$0x3FAB]  }
0x39: {  	_ = 	snop;
	(pc) =	sbr.ind lr, $3  }
0x3a: {  	_ = 	snop  }
0x3b: {  	_ = 	snop  }
0x3c: {  	p2 =	seq.s32 s10, $0x1;
	s10 =	sld [smem:$0x3FAA]  }
0x3d: {  	_ =	shalt  }
0x3e: {  	_ =	shalt  }
0x3f: {  	_ =	shalt  }
0x40: {  	_ =	shalt  }
0x41: {  	_ =	shalt  }
0x42: {  	_ =	shalt  }
0x43: {  	_ =	shalt  }
0x44: {  	_ =	shalt  }
0x45: {  	_ =	shalt  }
0x46: {  	_ =	shalt  }
0x47: {  	_ =	shalt  }
0x48: {  	_ =	shalt  }
0x49: {  	_ =	shalt  }
0x4a: {  	_ =	shalt  }
0x4b: {  	_ =	shalt  }
0x4c: {  	_ =	shalt  }
0x4d: {  	_ =	shalt  }
0x4e: {  	_ =	shalt  }
0x4f: {  	_ =	shalt  }
0x50: {  	_ =	shalt  }
0x51: {  	_ =	shalt  }
0x52: {  	_ =	shalt  }
0x53: {  	_ =	shalt  }
0x54: {  	_ =	shalt  }
0x55: {  	_ =	shalt  }
0x56: {  	_ =	shalt  }
0x57: {  	_ =	shalt  }
0x58: {  	_ =	shalt  }
0x59: {  	_ =	shalt  }
0x5a: {  	_ =	shalt  }
0x5b: {  	_ =	shalt  }
0x5c: {  	_ =	shalt  }
0x5d: {  	_ =	shalt  }
0x5e: {  	_ =	shalt  }
0x5f: {  	_ =	shalt  }
0x60: {  	_ =	shalt  }
0x61: {  	_ =	shalt  }
0x62: {  	_ =	shalt  }
0x63: {  	_ =	shalt  }
0x64: {  	_ =	shalt  }
0x65: {  	_ =	shalt  }
0x66: {  	_ =	shalt  }
0x67: {  	_ =	shalt  }
0x68: {  	_ =	shalt  }
0x69: {  	_ =	shalt  }
0x6a: {  	_ =	shalt  }
0x6b: {  	_ =	shalt  }
0x6c: {  	_ =	shalt  }
0x6d: {  	_ =	shalt  }
0x6e: {  	_ =	shalt  }
0x6f: {  	_ =	shalt  }
0x70: {  	_ =	shalt  }
0x71: {  	_ =	shalt  }
0x72: {  	_ =	shalt  }
0x73: {  	_ =	shalt  }
0x74: {  	_ =	shalt  }
0x75: {  	_ =	shalt  }
0x76: {  	_ =	shalt  }
0x77: {  	_ =	shalt  }
0x78: {  	_ =	shalt  }
0x79: {  	_ =	shalt  }
0x7a: {  	_ =	shalt  }
0x7b: {  	_ =	shalt  }
0x7c: {  	_ =	shalt  }
0x7d: {  	_ =	shalt  }
0x7e: {  	_ =	shalt  }
0x7f: {  	_ =	shalt  }
0x80: {  	_ =	shalt  }
0x81: {  	_ =	shalt  }
0x82: {  	_ =	shalt  }
0x83: {  	_ =	shalt  }
0x84: {  	_ =	shalt  }
0x85: {  	_ =	shalt  }
0x86: {  	_ =	shalt  }
0x87: {  	_ =	shalt  }
.Lfunc_end0:
.L_simem_size_0:
called_computation.1_lowered:
.L_overlay_start_0:
0x88: {  	s2 =	sld [smem:$0x3FD9]  }
0x89: {  	s3 =	sld [smem:$0x3FFE];
	_ =	sdelay $0x1  }
0x8a: {  	s1 =	srdreg.scid  }
0x8b: {  	s0 =	sand.u32 $0x1, s1  }
0x8c: {  	s16 =	sshll.u32 s0, $0xA;
	s2 =	sadd.s32 s3, s2  }
0x8d: {  	s2 =	sadd.s32 s2, s16  }
0x8e: {  	[smem:$0x3FB6] =	sst s2  }
0x8f: {  	_ = 	snop  }
0x90: {  	(tm) =	ssettm $0x1  }
0x91: {  	s17 =	sld [smem:$0x3FFB];
	_ =	sdelay $0x3  }
0x92: {  	_ =	strace s17  }
0x93: {  	s2 =	sld [smem:$0x3FFC];
	_ =	sdelay $0x3  }
0x94: {  	_ =	strace s2  }
0x95: {  	s2 =	sld [smem:$0x3FFD];
	_ =	sdelay $0x3  }
0x96: {  	_ =	strace s2  }
0x97: {  	_ =	strace $0x8FFFFFFF  }
0x98: {  	s18 =	sld [smem:$0x3FDB];
	_ =	sdelay $0x1  }
0x99: {  	s19 =	simm.s32 $_scs_section_size  }
0x9a: {  	s4 =	simm.s32 $_size__tile_overlayer_lowered;
	s5 =	simm.s32 $_tile_overlayer_lowered  }
0x9b: {  	s22 =	simm.s32 $0x1BFF;
	s21 =	sshll.u32 s5, $0x1;
	s2 =	sadd.s32 s19, s18  }
0x9c: {  	s6 =	simm.s32 $0x0;
	s20 =	sshll.u32 s4, $0x1;
	s4 =	sadd.s32 s21, s2  }
0x9d: {  	[timem:s6], [sflag:s22] =	dma.local [hbm:s4], s20  }
0x9e: {  	_ =	swait.ge [sflag:s22], s20  }
0x9f: {  	s3 =	ssub.s32 $0x0, s20;
	[sflag:s22] =	ssyncset.done $0x0  }
0xa0: {  	[sflag:s22] =	ssyncadd.s32 s3;
	_ =	sdelay $0x1  }
0xa1: {  	s23 =	simm.s32 $0x1B8B  }
0xa2: {  	_ =	swait.ge [sflag:s23], $0x1  }
0xa3: {  	[sflag:s23] =	ssyncset.done $0x0  }
0xa4: {  	s25 =	simm.s32 $0x1B8E;
	s24 =	sld [smem:$0x3FFE];
	[sflag:s23] =	ssyncadd.s32 $0xFFFFFFFF  }
0xa5: {  	s26 =	simm.s32 $execute0_lowered;
	[smem:$0x3FD2] =	sst s25  }
0xa6: {  	s4 =	sshll.u32 s26, $0x1;
	_ =	strace $0x80000049;
	[dreg:$0x1] =	wrdreg $0xFFFFFFFF  }
0xa7: {  	s28 =	simm.s32 $_size_execute0_lowered;
	s2 =	sadd.s32 s2, s4;
	[dreg:$0x0] =	wrdreg $0x0  }
0xa8: {  	s4 =	sshll.u32 s28, $0x1;
	[dreg:$0x2] =	wrdreg s2  }
0xa9: {  	[dreg:$0x3] =	wrdreg s4  }
0xaa: {  	[dreg:$0x4] =	wrdreg $0xC0  }
0xab: {  	_ =	task [dreg:s6], $0x5FFFF  }
0xac: {  	[dreg:$0x1] =	wrdreg $0xFFFFFFFF  }
0xad: {  	[dreg:$0x0] =	wrdreg $0x60  }
0xae: {  	[dreg:$0x2] =	wrdreg s24  }
0xaf: {  	[dreg:$0x3] =	wrdreg $0x9  }
0xb0: {  	_ =	task.clear_ibuf [dreg:s6], $0x4FFFF;
	_ =	strace $0x90000049  }
0xb1: {  	s29 =	simm.s32 $0x9;
	_ =	strace $0x8000004B  }
0xb2: {  	_ =	swait.ge [sflag:s29], $0x1  }
0xb3: {  	[sflag:s29] =	ssyncadd.s32 $0xFFFFFFFF  }
0xb4: {  	_ =	strace $0x9000004B  }
0xb5: {  	_ =	sfence  }
0xb6: {  	s30 =	sld [smem:$0x0];
	_ =	sdelay $0x2  }
0xb7: {  	s31 =	sshll.u32 s1, $0xD;
	s1 =	sshrl.u32 s1, $0x2  }
0xb8: {  	s3 =	sand.u32 $0x4000, s31;
	s1 =	sadd.s32 s1, s30  }
0xb9: {  	s0 =	sor.u32 s3, s0;
	s1 =	sshll.u32 s1, $0x11  }
0xba: {  	s0 =	sor.u32 s1, s0  }
0xbb: {  	s0 =	sadd.s32 $0x8F2B, s0  }
0xbc: {  	[sflag:s0] =	ssyncadd.remote.s32 $0x1  }
0xbd: {  	_ =	sfence.sel $0xFFFF  }
0xbe: {  	[dreg:$0x0] =	wrdreg $0xFFFFFFFF;
	(pc) =	sbr.abs _section_cstart, $3  }
0xbf: {  	[dreg:$0x1] =	wrdreg $0xFFFFFFFF  }
0xc0: {  	_ =	task.clear_ibuf [dreg:s6], $0x2FFFF;
	_ =	strace $0x9FFFFFFF  }
0xc1: {  	(tm) =	ssettm $0x7FFFFFFF  }
tec
execute0_lowered:
.L_overlay_start_1:
0x0: {  	(tag) =	ssettag $0x1  }
0x1: {  	s7 =	rddreg [dreg:$0x0]  }
0x2: {  	s0 =	rddreg [dreg:$0x1];
	s1 =	simm.s32 $0x0;
	s5 =	srdreg.scid  }
0x3: {  	s2 =	stileid.u32;
	s12 =	simm.s32 $0x50;
	s13 =	simm.s32 $0x100  }
0x4: {  	s14 =	simm.s32 $0x2900;
	s15 =	simm.s32 $0x1;
	s16 =	simm.s32 $0x2  }
0x5: {  	s17 =	simm.s32 $0x0;
	[smem:$0x7FF] =	sst s1;
	s3 =	sadd.s32 $0xAC8A00, s7  }
0x6: {  	s4 =	sadd.s32 $0xADCC00, s7;
	s8 =	sand.u32 $0x1, s5;
	s5 =	sadd.s32 $0x21000, s7  }
0x7: {  	s10 =	sshll.u32 s2, $0x1;
	s6 =	sadd.s32 $0x48200, s7;
	s9 =	ssub.s32 $0x2, s8  }
0x8: {  	s7 =	sadd.s32 $0xAF0E00, s7;
	_ =	strace $0x8000004A;
	s11 =	sshrl.u32 s9, $0x1  }
0x9: {  	s8 =	sor.u32 s8, s10;
	s10 =	simm.s32 $0x3;
	s9 =	ssub.s32 s9, s11  }
0xa: {  	s8 =	smul.u32 $0x5050, s8;
	s11 =	simm.s32 $0x80;
	s9 =	smax.u32 s9, $0x1  }
.LBB2_1:
0xb: {  	s18 =	simm.s32 $0x0  }
.LBB2_2:
0xc: {  	s19 =	smul.u32 $0x50, s18;
	_ =	sdelay $0x1  }
0xd: {  	s19 =	sadd.s32 s8, s19  }
0xe: {  	s20 =	sshrl.u32 s19, $0x3  }
0xf: {  	s22 =	simm.s32 $0x0;
	s21 =	sadd.s32 s3, s20  }
0x10: {  	[tilespmem:s22], [sflag:$0x3] =	stream.linear.gather [hbm4b:s21+s22], $0x50, $0x38;
	[tilespmem:$0x5100] =	vst v63  }
0x11: {  	_ =	swait.ge [sflag:s10], $0x50  }
0x12: {  	[sflag:s10] =	ssyncset.done $0x0  }
0x13: {  	s20 =	sadd.s32 s4, s20;
	[sflag:s10] =	ssyncadd.s32 $0xFFFFFFB0  }
0x14: {  	[tilespmem:s11], [sflag:$0x3] =	stream.linear.gather [hbm4b:s20+s22], $0x50, $0x38;
	[tilespmem:$0x5100] =	vst v63  }
0x15: {  	_ =	swait.ge [sflag:s10], $0x50  }
0x16: {  	[sflag:s10] =	ssyncset.done $0x0  }
0x17: {  	[sflag:s10] =	ssyncadd.s32 $0xFFFFFFB0  }
0x18: {  	[tilespmem:s13], [sflag:$0x1] =	stream.indirect.gather [hbm4b:s5+s12], $0x80, s22, s12, $0xb8;
	[tilespmem:$0x5100] =	vst v63  }
0x19: {  	_ = 	snop  }
0x1a: {  	[tilespmem:s14], [sflag:$0x2] =	stream.indirect.gather [hbm4b:s6+s12], $0x80, s11, s12, $0xb8;
	[tilespmem:$0x5100] =	vst v63  }
0x1b: {  	_ =	swait.ge [sflag:s15], $0x2800  }
0x1c: {  	[sflag:s15] =	ssyncset.done $0x0  }
0x1d: {  	[sflag:s15] =	ssyncadd.s32 $0xFFFFD800  }
0x1e: {  	_ =	swait.ge [sflag:s16], $0x2800  }
0x1f: {  	[sflag:s16] =	ssyncset.done $0x0  }
0x20: {  	s20 =	simm.s32 $0x0;
	[sflag:s16] =	ssyncadd.s32 $0xFFFFD800  }
0x21: {  	v7 =	vld [tilespmem:s20+$0x2900]  }
0x22: {  	v11 =	vld [tilespmem:s20+$0x2910]  }
0x23: {  	v5 =	vld [tilespmem:s20+$0x2920]  }
0x24: {  	v4 =	vld [tilespmem:s20+$0x2930]  }
0x25: {  	v3 =	vld [tilespmem:s20+$0x2940]  }
0x26: {  	v2 =	vld [tilespmem:s20+$0x2950]  }
0x27: {  	v1 =	vld [tilespmem:s20+$0x2960]  }
0x28: {  	v0 =	vld [tilespmem:s20+$0x2970]  }
0x29: {  	v12 =	vld [tilespmem:s20+$0x100]  }
0x2a: {  	v13 =	vld [tilespmem:s20+$0x110]  }
0x2b: {  	v10 =	vld [tilespmem:s20+$0x120]  }
0x2c: {  	v9 =	vld [tilespmem:s20+$0x130]  }
0x2d: {  	v8 =	vld [tilespmem:s20+$0x140]  }
0x2e: {  	v6 =	vld [tilespmem:s20+$0x150];
	v12 =	vadd.f32 v7, v12  }
0x2f: {  	s21 =	simm.s32 $0x200;
	v11 =	vadd.f32 v11, v13;
	v7 =	vld [tilespmem:s20+$0x160]  }
.LBB2_3:
0x30: {  	s22 =	sshra.s32 s21, $0x2;
	p0 =	sne.s32 s21, $0x9E00;
	[tilespmem:s20+$0x100] =	vst v12;
	v5 =	vadd.f32 v5, v10;
	v10 =	vld [tilespmem:s20+$0x170]  }
0x31: {  	v12 =	vld [tilespmem:s22+$0x2900];
	[tilespmem:s20+$0x110] =	vst v11;
	v4 =	vadd.f32 v4, v9  }
0x32: {  	v11 =	vld [tilespmem:s22+$0x2910];
	[tilespmem:s20+$0x120] =	vst v5;
	v3 =	vadd.f32 v3, v8  }
0x33: {  	v5 =	vld [tilespmem:s22+$0x2920];
	[tilespmem:s20+$0x130] =	vst v4;
	v2 =	vadd.f32 v2, v6  }
0x34: {  	v4 =	vld [tilespmem:s22+$0x2930];
	[tilespmem:s20+$0x140] =	vst v3;
	v1 =	vadd.f32 v1, v7  }
0x35: {  	v3 =	vld [tilespmem:s22+$0x2940];
	[tilespmem:s20+$0x150] =	vst v2;
	v0 =	vadd.f32 v0, v10  }
0x36: {  	v2 =	vld [tilespmem:s22+$0x2950];
	[tilespmem:s20+$0x160] =	vst v1  }
0x37: {  	v1 =	vld [tilespmem:s22+$0x2960];
	[tilespmem:s20+$0x170] =	vst v0;
	s20 =	smov.u32 s22  }
0x38: {  	v0 =	vld [tilespmem:s20+$0x2970]  }
0x39: {  	v6 =	vld [tilespmem:s20+$0x100]  }
0x3a: {  	v7 =	vld [tilespmem:s20+$0x110]  }
.Ltmp0:
0x3b: {  	v10 =	vld [tilespmem:s20+$0x120];
	(pc) =	sbr.rel @p0 .LBB2_3-.Ltmp0, $4  }
0x3c: {  	v9 =	vld [tilespmem:s20+$0x130]  }
0x3d: {  	v8 =	vld [tilespmem:s20+$0x140]  }
0x3e: {  	v12 =	vadd.f32 v12, v6;
	v6 =	vld [tilespmem:s20+$0x150]  }
0x3f: {  	s21 =	sadd.s32 $0x200, s21;
	v11 =	vadd.f32 v11, v7;
	v7 =	vld [tilespmem:s20+$0x160]  }
0x40: {  	[tilespmem:s20+$0x100] =	vst v12;
	v5 =	vadd.f32 v5, v10;
	v63 =	vld [tilespmem:s20+$0x170]  }
0x41: {  	[tilespmem:s20+$0x110] =	vst v11;
	v4 =	vadd.f32 v4, v9  }
0x42: {  	[tilespmem:s20+$0x120] =	vst v5;
	v3 =	vadd.f32 v3, v8  }
0x43: {  	[tilespmem:s20+$0x130] =	vst v4;
	v2 =	vadd.f32 v2, v6  }
0x44: {  	[tilespmem:s20+$0x140] =	vst v3;
	v1 =	vadd.f32 v1, v7  }
0x45: {  	s18 =	sadd.s32 $0x1, s18;
	[tilespmem:s20+$0x150] =	vst v2;
	v0 =	vadd.f32 v0, v63  }
0x46: {  	s19 =	sshll.u32 s19, $0x4;
	p0 =	sne.s32 s18, $0x101;
	[tilespmem:s20+$0x160] =	vst v1  }
.Ltmp1:
0x47: {  	s19 =	sadd.s32 s7, s19;
	[tilespmem:s20+$0x170] =	vst v0;
	(pc) =	sbr.rel @p0 .LBB2_2-.Ltmp1, $4  }
0x48: {  	[hbm4b:s19+s1] =	stream.linear.scatter [tilespmem:s13], [sflag:$0x3], $0x2800, $0x38;
	[tilespmem:$0x5100] =	vst v63  }
0x49: {  	_ =	swait.ge [sflag:s10], $0x2800  }
0x4a: {  	[sflag:s10] =	ssyncset.done $0x0  }
0x4b: {  	[sflag:s10] =	ssyncadd.s32 $0xFFFFD800  }
0x4c: {  	s17 =	sadd.s32 $0x1, s17  }
0x4d: {  	p0 =	sne.s32 s17, s9  }
.Ltmp2:
0x4e: {  	_ = 	snop;
	(pc) =	sbr.rel @p0 .LBB2_1-.Ltmp2, $1  }
0x4f: {  	_ =	sdelay $0x3  }
0x50: {  	_ =	sfence.sel $0x180000  }
0x51: {  	[bflag:$0x0] =	sbarrier.arrive $0xFFFF  }
0x52: {  	p0 =	sne.s32 s2, $0x0;
	_ =	strace $0x9000004A  }
0x53: {  	s0 =	sadd.s32 @!p0 $0x100000, s0;
	[bflag:$0x2] =	sbarrier.arrive $0xFFFF  }
0x54: {  	[sflag:s0] =	ssyncadd.tile.s32 @!p0 $0x1;
	_ =	shalt  }
.Lfunc_end2:
_tile_overlayer_lowered:
.L_overlay_start_2:
0x55: {  	(tag) =	ssettag $0x2  }
0x56: {  	s0 =	rddreg [dreg:$0x0];
	s2 =	stileid.u32  }
0x57: {  	s1 =	rddreg [dreg:$0x1];
	p0 =	sne.s32 s2, $0x0  }
0x58: {  	s3 =	rddreg [dreg:$0x2];
	[bflag:$0x3] =	sbarrier.arrive $0xFFFF;
	s2 =	simm.s32 @!p0 $0x1C03  }
0x59: {  	[timem:s3], [sflag:s2] =	dma.local @!p0 [hbm:s0], s1  }
0x5a: {  	s0 =	simm.s32 @!p0 $0x3  }
0x5b: {  	_ =	swait.ge @!p0 [sflag:s0], s1  }
0x5c: {  	s1 =	ssub.s32 @!p0 $0x0, s1;
	[sflag:s0] =	ssyncset.done @!p0 $0x0  }
0x5d: {  	[sflag:s0] =	ssyncadd.s32 @!p0 s1  }
0x5e: {  	[bflag:$0x3] =	sbarrier.arrive $0xFFFF  }
0x5f: {  	_ =	shalt  }

// kernel: kernel.33.cloned.1.call-start
scs
__scs_entry_jumppad:
0x0: {  	(pc) =	sbr.rel $0x88, $3  }
0x1: {  	(tag) =	ssettag $0x0;
	lr =	simm.s32 $0x1  }
0x2: {  	[smem:$0x3F8F] =	sst lr;
	_ =	strace $0xD0000000  }
0x3: {  	_ = 	snop  }
0x4: {  	_ = 	snop  }
0x5: {  	_ = 	snop  }
0x6: {  	_ = 	snop  }
0x7: {  	_ = 	snop  }
__scs_overlays_trampoline_lowered:
0x8: {  	[smem:$0x3F9E] =	sst s0  }
0x9: {  	[smem:$0x3F9F] =	sst s1  }
0xa: {  	[smem:$0x3FA0] =	sst s2  }
0xb: {  	[smem:$0x3FA1] =	sst s3  }
0xc: {  	[smem:$0x3FA2] =	sst s4  }
0xd: {  	[smem:$0x3FA3] =	sst s5  }
0xe: {  	[smem:$0x3FA4] =	sst s6  }
0xf: {  	[smem:$0x3FA5] =	sst s7  }
0x10: {  	[smem:$0x3FA6] =	sst s8  }
0x11: {  	[smem:$0x3FA7] =	sst s9;
	s0 =	simm.s32 @!p0 $0x0  }
0x12: {  	s1 =	sld [smem:$0x3F8D];
	s0 =	simm.s32 @p0 $0x1  }
0x13: {  	[smem:$0x3FA8] =	sst s0;
	s0 =	simm.s32 @!p1 $0x0  }
0x14: {  	s2 =	sld [smem:$0x3F8C];
	s0 =	simm.s32 @p1 $0x1  }
0x15: {  	[smem:$0x3FA9] =	sst s0;
	s0 =	simm.s32 @!p2 $0x0  }
0x16: {  	s3 =	sld [smem:$0x3FDB];
	s0 =	simm.s32 @p2 $0x1  }
0x17: {  	s4 =	simm.s32 $0x1BF5;
	[smem:$0x3FAB] =	sst s0  }
0x18: {  	s0 =	sld [smem:$0x3F8E];
	_ =	swait.ge [sflag:s4], $0x0  }
0x19: {  	s7 =	sld [smem:$0x3F8F]  }
0x1a: {  	s8 =	sadd.s32 $0xFFFFE003, lr  }
0x1b: {  	s9 =	sadd.s32 $0xFFFFFEF7, lr;
	s5 =	simm.s32 $0xFFFFFFFF;
	p2 =	slt.u32 s8, $0xFFFFF086  }
0x1c: {  	p1 =	slt.u32 s9, $0xF7A;
	s5 =	simm.s32 @!p2 $0x0  }
0x1d: {  	s5 =	simm.s32 @p1 $0x1;
	p0 =	seq.s32 s7, s2  }
0x1e: {  	s7 =	smul.u32 @!p0 $0xF7A, s2;
	p2 =	seq.s32 @!p0 s5, $0x0  }
0x1f: {  	s9 =	smul.u32 $0xF7A, s1;
	s8 =	simm.s32 @!p0 $0x1BF5;
	p2 =	por !p2, p0  }
0x20: {  	[sflag:s8] =	ssyncset.s32 @!p0 $0xFFFFF086;
	s6 =	sadd.s32 @!p0 s3, s7;
	s7 =	simm.s32 @!p0 $0x108  }
0x21: {  	s3 =	sadd.s32 s3, s9;
	s6 =	sadd.s32 @!p0 $0x88, s6;
	s7 =	simm.s32 @p2 $0x1082  }
0x22: {  	[simem:s7], [sflag:s8] =	dma.local @!p0 [hbm:s6], $0xF7A  }
0x23: {  	s9 =	sor.u32 $0xD0000000, s2;
	s6 =	simm.s32 $0x108;
	_ =	swait.ge @!p0 [sflag:s8], $0x0  }
0x24: {  	s3 =	sadd.s32 $0x88, s3;
	s6 =	simm.s32 @!p1 $0x1082;
	[sflag:s4] =	ssyncset.s32 $0xFFFFF086  }
0x25: {  	[simem:s6], [sflag:s4] =	dma.local [hbm:s3], $0xF7A  }
0x26: {  	[smem:$0x3F8F] =	sst s1;
	(tag) =	ssettag s2;
	_ =	strace s9  }
0x27: {  	s1 =	sld [smem:$0x3F9F]  }
0x28: {  	s2 =	sld [smem:$0x3FA0]  }
0x29: {  	s4 =	sld [smem:$0x3FA2]  }
0x2a: {  	p0 =	seq.s32 s5, $0x0;
	s5 =	sld [smem:$0x3FA3]  }
0x2b: {  	s6 =	sld [smem:$0x3FA4]  }
0x2c: {  	s7 =	sld [smem:$0x3FA5]  }
0x2d: {  	s3 =	simm.s32 $0x108;
	s8 =	sld [smem:$0x3FA6]  }
0x2e: {  	s3 =	simm.s32 @!p0 $0x1082;
	s9 =	sld [smem:$0x3FA7]  }
0x2f: {  	lr =	sadd.s32 s0, s3;
	s0 =	sld [smem:$0x3F9E]  }
0x30: {  	s3 =	sld [smem:$0x3FA1]  }
0x31: {  	[smem:$0x3FAA] =	sst s10  }
0x32: {  	s10 =	sld [smem:$0x3FA8];
	_ =	sdelay $0x3  }
0x33: {  	p0 =	seq.s32 s10, $0x1;
	s10 =	sld [smem:$0x3FAA];
	_ =	sdelay $0x3  }
0x34: {  	[smem:$0x3FAA] =	sst s10  }
0x35: {  	s10 =	sld [smem:$0x3FA9];
	_ =	sdelay $0x3  }
0x36: {  	p1 =	seq.s32 s10, $0x1;
	s10 =	sld [smem:$0x3FAA];
	_ =	sdelay $0x3  }
0x37: {  	[smem:$0x3FAA] =	sst s10  }
0x38: {  	s10 =	sld [smem:$0x3FAB]  }
0x39: {  	_ = 	snop;
	(pc) =	sbr.ind lr, $3  }
0x3a: {  	_ = 	snop  }
0x3b: {  	_ = 	snop  }
0x3c: {  	p2 =	seq.s32 s10, $0x1;
	s10 =	sld [smem:$0x3FAA]  }
0x3d: {  	_ =	shalt  }
0x3e: {  	_ =	shalt  }
0x3f: {  	_ =	shalt  }
0x40: {  	_ =	shalt  }
0x41: {  	_ =	shalt  }
0x42: {  	_ =	shalt  }
0x43: {  	_ =	shalt  }
0x44: {  	_ =	shalt  }
0x45: {  	_ =	shalt  }
0x46: {  	_ =	shalt  }
0x47: {  	_ =	shalt  }
0x48: {  	_ =	shalt  }
0x49: {  	_ =	shalt  }
0x4a: {  	_ =	shalt  }
0x4b: {  	_ =	shalt  }
0x4c: {  	_ =	shalt  }
0x4d: {  	_ =	shalt  }
0x4e: {  	_ =	shalt  }
0x4f: {  	_ =	shalt  }
0x50: {  	_ =	shalt  }
0x51: {  	_ =	shalt  }
0x52: {  	_ =	shalt  }
0x53: {  	_ =	shalt  }
0x54: {  	_ =	shalt  }
0x55: {  	_ =	shalt  }
0x56: {  	_ =	shalt  }
0x57: {  	_ =	shalt  }
0x58: {  	_ =	shalt  }
0x59: {  	_ =	shalt  }
0x5a: {  	_ =	shalt  }
0x5b: {  	_ =	shalt  }
0x5c: {  	_ =	shalt  }
0x5d: {  	_ =	shalt  }
0x5e: {  	_ =	shalt  }
0x5f: {  	_ =	shalt  }
0x60: {  	_ =	shalt  }
0x61: {  	_ =	shalt  }
0x62: {  	_ =	shalt  }
0x63: {  	_ =	shalt  }
0x64: {  	_ =	shalt  }
0x65: {  	_ =	shalt  }
0x66: {  	_ =	shalt  }
0x67: {  	_ =	shalt  }
0x68: {  	_ =	shalt  }
0x69: {  	_ =	shalt  }
0x6a: {  	_ =	shalt  }
0x6b: {  	_ =	shalt  }
0x6c: {  	_ =	shalt  }
0x6d: {  	_ =	shalt  }
0x6e: {  	_ =	shalt  }
0x6f: {  	_ =	shalt  }
0x70: {  	_ =	shalt  }
0x71: {  	_ =	shalt  }
0x72: {  	_ =	shalt  }
0x73: {  	_ =	shalt  }
0x74: {  	_ =	shalt  }
0x75: {  	_ =	shalt  }
0x76: {  	_ =	shalt  }
0x77: {  	_ =	shalt  }
0x78: {  	_ =	shalt  }
0x79: {  	_ =	shalt  }
0x7a: {  	_ =	shalt  }
0x7b: {  	_ =	shalt  }
0x7c: {  	_ =	shalt  }
0x7d: {  	_ =	shalt  }
0x7e: {  	_ =	shalt  }
0x7f: {  	_ =	shalt  }
0x80: {  	_ =	shalt  }
0x81: {  	_ =	shalt  }
0x82: {  	_ =	shalt  }
0x83: {  	_ =	shalt  }
0x84: {  	_ =	shalt  }
0x85: {  	_ =	shalt  }
0x86: {  	_ =	shalt  }
0x87: {  	_ =	shalt  }
.Lfunc_end0:
.L_simem_size_0:
called_computation.2_lowered:
.L_overlay_start_0:
0x88: {  	s2 =	sld [smem:$0x3FD9]  }
0x89: {  	s3 =	sld [smem:$0x3FFE];
	_ =	sdelay $0x1  }
0x8a: {  	s1 =	srdreg.scid  }
0x8b: {  	s0 =	sand.u32 $0x1, s1  }
0x8c: {  	s16 =	sshll.u32 s0, $0xA;
	s2 =	sadd.s32 s3, s2  }
0x8d: {  	s2 =	sadd.s32 s2, s16  }
0x8e: {  	[smem:$0x3FB6] =	sst s2  }
0x8f: {  	_ = 	snop  }
0x90: {  	(tm) =	ssettm $0x1  }
0x91: {  	s17 =	sld [smem:$0x3FFB];
	_ =	sdelay $0x3  }
0x92: {  	_ =	strace s17  }
0x93: {  	s2 =	sld [smem:$0x3FFC];
	_ =	sdelay $0x3  }
0x94: {  	_ =	strace s2  }
0x95: {  	s2 =	sld [smem:$0x3FFD];
	_ =	sdelay $0x3  }
0x96: {  	_ =	strace s2  }
0x97: {  	_ =	strace $0x8FFFFFFF  }
0x98: {  	s18 =	sld [smem:$0x3FDB];
	_ =	sdelay $0x1  }
0x99: {  	s19 =	simm.s32 $_scs_section_size  }
0x9a: {  	s4 =	simm.s32 $_size__tile_overlayer_lowered;
	s5 =	simm.s32 $_tile_overlayer_lowered  }
0x9b: {  	s22 =	simm.s32 $0x1BFF;
	s21 =	sshll.u32 s5, $0x1;
	s2 =	sadd.s32 s19, s18  }
0x9c: {  	s6 =	simm.s32 $0x0;
	s20 =	sshll.u32 s4, $0x1;
	s4 =	sadd.s32 s21, s2  }
0x9d: {  	[timem:s6], [sflag:s22] =	dma.local [hbm:s4], s20  }
0x9e: {  	_ =	swait.ge [sflag:s22], s20  }
0x9f: {  	s3 =	ssub.s32 $0x0, s20;
	[sflag:s22] =	ssyncset.done $0x0  }
0xa0: {  	[sflag:s22] =	ssyncadd.s32 s3;
	_ =	sdelay $0x1  }
0xa1: {  	s23 =	simm.s32 $0x1B8B  }
0xa2: {  	_ =	swait.ge [sflag:s23], $0x1  }
0xa3: {  	[sflag:s23] =	ssyncset.done $0x0  }
0xa4: {  	s25 =	simm.s32 $0x1B8E;
	s24 =	sld [smem:$0x3FFE];
	[sflag:s23] =	ssyncadd.s32 $0xFFFFFFFF  }
0xa5: {  	s26 =	simm.s32 $execute0_lowered;
	[smem:$0x3FD2] =	sst s25  }
0xa6: {  	s4 =	sshll.u32 s26, $0x1;
	_ =	strace $0x8000004C;
	[dreg:$0x1] =	wrdreg $0xFFFFFFFF  }
0xa7: {  	s28 =	simm.s32 $_size_execute0_lowered;
	s2 =	sadd.s32 s2, s4;
	[dreg:$0x0] =	wrdreg $0x0  }
0xa8: {  	s4 =	sshll.u32 s28, $0x1;
	[dreg:$0x2] =	wrdreg s2  }
0xa9: {  	[dreg:$0x3] =	wrdreg s4  }
0xaa: {  	[dreg:$0x4] =	wrdreg $0xC0  }
0xab: {  	_ =	task [dreg:s6], $0x5FFFF  }
0xac: {  	[dreg:$0x1] =	wrdreg $0xFFFFFFFF  }
0xad: {  	[dreg:$0x0] =	wrdreg $0x60  }
0xae: {  	[dreg:$0x2] =	wrdreg s24  }
0xaf: {  	[dreg:$0x3] =	wrdreg $0x9  }
0xb0: {  	_ =	task.clear_ibuf [dreg:s6], $0x4FFFF;
	_ =	strace $0x9000004C  }
0xb1: {  	s29 =	simm.s32 $0x9;
	_ =	strace $0x8000004E  }
0xb2: {  	_ =	swait.ge [sflag:s29], $0x1  }
0xb3: {  	[sflag:s29] =	ssyncadd.s32 $0xFFFFFFFF  }
0xb4: {  	_ =	strace $0x9000004E  }
0xb5: {  	_ =	sfence  }
0xb6: {  	s30 =	sld [smem:$0x0];
	_ =	sdelay $0x2  }
0xb7: {  	s31 =	sshll.u32 s1, $0xD;
	s1 =	sshrl.u32 s1, $0x2  }
0xb8: {  	s3 =	sand.u32 $0x4000, s31;
	s1 =	sadd.s32 s1, s30  }
0xb9: {  	s0 =	sor.u32 s3, s0;
	s1 =	sshll.u32 s1, $0x11  }
0xba: {  	s0 =	sor.u32 s1, s0  }
0xbb: {  	s0 =	sadd.s32 $0x8F2B, s0  }
0xbc: {  	[sflag:s0] =	ssyncadd.remote.s32 $0x1  }
0xbd: {  	_ =	sfence.sel $0xFFFF  }
0xbe: {  	[dreg:$0x0] =	wrdreg $0xFFFFFFFF;
	(pc) =	sbr.abs _section_cstart, $3  }
0xbf: {  	[dreg:$0x1] =	wrdreg $0xFFFFFFFF  }
0xc0: {  	_ =	task.clear_ibuf [dreg:s6], $0x2FFFF;
	_ =	strace $0x9FFFFFFF  }
0xc1: {  	(tm) =	ssettm $0x7FFFFFFF  }
tec
execute0_lowered:
.L_overlay_start_1:
0x0: {  	(tag) =	ssettag $0x1  }
0x1: {  	s7 =	rddreg [dreg:$0x0]  }
0x2: {  	s0 =	rddreg [dreg:$0x1];
	s1 =	simm.s32 $0x0;
	s5 =	srdreg.scid  }
0x3: {  	s2 =	stileid.u32;
	s12 =	simm.s32 $0x50;
	s13 =	simm.s32 $0x100  }
0x4: {  	s14 =	simm.s32 $0x2900;
	s15 =	simm.s32 $0x1;
	s16 =	simm.s32 $0x2  }
0x5: {  	s17 =	simm.s32 $0x0;
	[smem:$0x7FF] =	sst s1;
	s3 =	sadd.s32 $0xAC8A00, s7  }
0x6: {  	s4 =	sadd.s32 $0xADCC00, s7;
	s8 =	sand.u32 $0x1, s5;
	s5 =	sadd.s32 $0x21000, s7  }
0x7: {  	s10 =	sshll.u32 s2, $0x1;
	s6 =	sadd.s32 $0x48200, s7;
	s9 =	ssub.s32 $0x2, s8  }
0x8: {  	s7 =	sadd.s32 $0xAF0E00, s7;
	_ =	strace $0x8000004D;
	s11 =	sshrl.u32 s9, $0x1  }
0x9: {  	s8 =	sor.u32 s8, s10;
	s10 =	simm.s32 $0x3;
	s9 =	ssub.s32 s9, s11  }
0xa: {  	s8 =	smul.u32 $0x5050, s8;
	s11 =	simm.s32 $0x80;
	s9 =	smax.u32 s9, $0x1  }
.LBB2_1:
0xb: {  	s18 =	simm.s32 $0x0  }
.LBB2_2:
0xc: {  	s19 =	smul.u32 $0x50, s18;
	_ =	sdelay $0x1  }
0xd: {  	s19 =	sadd.s32 s8, s19  }
0xe: {  	s20 =	sshrl.u32 s19, $0x3  }
0xf: {  	s22 =	simm.s32 $0x0;
	s21 =	sadd.s32 s3, s20  }
0x10: {  	[tilespmem:s22], [sflag:$0x3] =	stream.linear.gather [hbm4b:s21+s22], $0x50, $0x38;
	[tilespmem:$0x5100] =	vst v63  }
0x11: {  	_ =	swait.ge [sflag:s10], $0x50  }
0x12: {  	[sflag:s10] =	ssyncset.done $0x0  }
0x13: {  	s20 =	sadd.s32 s4, s20;
	[sflag:s10] =	ssyncadd.s32 $0xFFFFFFB0  }
0x14: {  	[tilespmem:s11], [sflag:$0x3] =	stream.linear.gather [hbm4b:s20+s22], $0x50, $0x38;
	[tilespmem:$0x5100] =	vst v63  }
0x15: {  	_ =	swait.ge [sflag:s10], $0x50  }
0x16: {  	[sflag:s10] =	ssyncset.done $0x0  }
0x17: {  	[sflag:s10] =	ssyncadd.s32 $0xFFFFFFB0  }
0x18: {  	[tilespmem:s13], [sflag:$0x1] =	stream.indirect.gather [hbm4b:s5+s12], $0x80, s22, s12, $0xb8;
	[tilespmem:$0x5100] =	vst v63  }
0x19: {  	_ = 	snop  }
0x1a: {  	[tilespmem:s14], [sflag:$0x2] =	stream.indirect.gather [hbm4b:s6+s12], $0x80, s11, s12, $0xb8;
	[tilespmem:$0x5100] =	vst v63  }
0x1b: {  	_ =	swait.ge [sflag:s15], $0x2800  }
0x1c: {  	[sflag:s15] =	ssyncset.done $0x0  }
0x1d: {  	[sflag:s15] =	ssyncadd.s32 $0xFFFFD800  }
0x1e: {  	_ =	swait.ge [sflag:s16], $0x2800  }
0x1f: {  	[sflag:s16] =	ssyncset.done $0x0  }
0x20: {  	s20 =	simm.s32 $0x0;
	[sflag:s16] =	ssyncadd.s32 $0xFFFFD800  }
0x21: {  	v7 =	vld [tilespmem:s20+$0x2900]  }
0x22: {  	v11 =	vld [tilespmem:s20+$0x2910]  }
0x23: {  	v5 =	vld [tilespmem:s20+$0x2920]  }
0x24: {  	v4 =	vld [tilespmem:s20+$0x2930]  }
0x25: {  	v3 =	vld [tilespmem:s20+$0x2940]  }
0x26: {  	v2 =	vld [tilespmem:s20+$0x2950]  }
0x27: {  	v1 =	vld [tilespmem:s20+$0x2960]  }
0x28: {  	v0 =	vld [tilespmem:s20+$0x2970]  }
0x29: {  	v12 =	vld [tilespmem:s20+$0x100]  }
0x2a: {  	v13 =	vld [tilespmem:s20+$0x110]  }
0x2b: {  	v10 =	vld [tilespmem:s20+$0x120]  }
0x2c: {  	v9 =	vld [tilespmem:s20+$0x130]  }
0x2d: {  	v8 =	vld [tilespmem:s20+$0x140]  }
0x2e: {  	v6 =	vld [tilespmem:s20+$0x150];
	v12 =	vadd.f32 v7, v12  }
0x2f: {  	s21 =	simm.s32 $0x200;
	v11 =	vadd.f32 v11, v13;
	v7 =	vld [tilespmem:s20+$0x160]  }
.LBB2_3:
0x30: {  	s22 =	sshra.s32 s21, $0x2;
	p0 =	sne.s32 s21, $0x9E00;
	[tilespmem:s20+$0x100] =	vst v12;
	v5 =	vadd.f32 v5, v10;
	v10 =	vld [tilespmem:s20+$0x170]  }
0x31: {  	v12 =	vld [tilespmem:s22+$0x2900];
	[tilespmem:s20+$0x110] =	vst v11;
	v4 =	vadd.f32 v4, v9  }
0x32: {  	v11 =	vld [tilespmem:s22+$0x2910];
	[tilespmem:s20+$0x120] =	vst v5;
	v3 =	vadd.f32 v3, v8  }
0x33: {  	v5 =	vld [tilespmem:s22+$0x2920];
	[tilespmem:s20+$0x130] =	vst v4;
	v2 =	vadd.f32 v2, v6  }
0x34: {  	v4 =	vld [tilespmem:s22+$0x2930];
	[tilespmem:s20+$0x140] =	vst v3;
	v1 =	vadd.f32 v1, v7  }
0x35: {  	v3 =	vld [tilespmem:s22+$0x2940];
	[tilespmem:s20+$0x150] =	vst v2;
	v0 =	vadd.f32 v0, v10  }
0x36: {  	v2 =	vld [tilespmem:s22+$0x2950];
	[tilespmem:s20+$0x160] =	vst v1  }
0x37: {  	v1 =	vld [tilespmem:s22+$0x2960];
	[tilespmem:s20+$0x170] =	vst v0;
	s20 =	smov.u32 s22  }
0x38: {  	v0 =	vld [tilespmem:s20+$0x2970]  }
0x39: {  	v6 =	vld [tilespmem:s20+$0x100]  }
0x3a: {  	v7 =	vld [tilespmem:s20+$0x110]  }
.Ltmp0:
0x3b: {  	v10 =	vld [tilespmem:s20+$0x120];
	(pc) =	sbr.rel @p0 .LBB2_3-.Ltmp0, $4  }
0x3c: {  	v9 =	vld [tilespmem:s20+$0x130]  }
0x3d: {  	v8 =	vld [tilespmem:s20+$0x140]  }
0x3e: {  	v12 =	vadd.f32 v12, v6;
	v6 =	vld [tilespmem:s20+$0x150]  }
0x3f: {  	s21 =	sadd.s32 $0x200, s21;
	v11 =	vadd.f32 v11, v7;
	v7 =	vld [tilespmem:s20+$0x160]  }
0x40: {  	[tilespmem:s20+$0x100] =	vst v12;
	v5 =	vadd.f32 v5, v10;
	v63 =	vld [tilespmem:s20+$0x170]  }
0x41: {  	[tilespmem:s20+$0x110] =	vst v11;
	v4 =	vadd.f32 v4, v9  }
0x42: {  	[tilespmem:s20+$0x120] =	vst v5;
	v3 =	vadd.f32 v3, v8  }
0x43: {  	[tilespmem:s20+$0x130] =	vst v4;
	v2 =	vadd.f32 v2, v6  }
0x44: {  	[tilespmem:s20+$0x140] =	vst v3;
	v1 =	vadd.f32 v1, v7  }
0x45: {  	s18 =	sadd.s32 $0x1, s18;
	[tilespmem:s20+$0x150] =	vst v2;
	v0 =	vadd.f32 v0, v63  }
0x46: {  	s19 =	sshll.u32 s19, $0x4;
	p0 =	sne.s32 s18, $0x101;
	[tilespmem:s20+$0x160] =	vst v1  }
.Ltmp1:
0x47: {  	s19 =	sadd.s32 s7, s19;
	[tilespmem:s20+$0x170] =	vst v0;
	(pc) =	sbr.rel @p0 .LBB2_2-.Ltmp1, $4  }
0x48: {  	[hbm4b:s19+s1] =	stream.linear.scatter [tilespmem:s13], [sflag:$0x3], $0x2800, $0x38;
	[tilespmem:$0x5100] =	vst v63  }
0x49: {  	_ =	swait.ge [sflag:s10], $0x2800  }
0x4a: {  	[sflag:s10] =	ssyncset.done $0x0  }
0x4b: {  	[sflag:s10] =	ssyncadd.s32 $0xFFFFD800  }
0x4c: {  	s17 =	sadd.s32 $0x1, s17  }
0x4d: {  	p0 =	sne.s32 s17, s9  }
.Ltmp2:
0x4e: {  	_ = 	snop;
	(pc) =	sbr.rel @p0 .LBB2_1-.Ltmp2, $1  }
0x4f: {  	_ =	sdelay $0x3  }
0x50: {  	_ =	sfence.sel $0x180000  }
0x51: {  	[bflag:$0x0] =	sbarrier.arrive $0xFFFF  }
0x52: {  	p0 =	sne.s32 s2, $0x0;
	_ =	strace $0x9000004D  }
0x53: {  	s0 =	sadd.s32 @!p0 $0x100000, s0;
	[bflag:$0x2] =	sbarrier.arrive $0xFFFF  }
0x54: {  	[sflag:s0] =	ssyncadd.tile.s32 @!p0 $0x1;
	_ =	shalt  }
.Lfunc_end2:
_tile_overlayer_lowered:
.L_overlay_start_2:
0x55: {  	(tag) =	ssettag $0x2  }
0x56: {  	s0 =	rddreg [dreg:$0x0];
	s2 =	stileid.u32  }
0x57: {  	s1 =	rddreg [dreg:$0x1];
	p0 =	sne.s32 s2, $0x0  }
0x58: {  	s3 =	rddreg [dreg:$0x2];
	[bflag:$0x3] =	sbarrier.arrive $0xFFFF;
	s2 =	simm.s32 @!p0 $0x1C03  }
0x59: {  	[timem:s3], [sflag:s2] =	dma.local @!p0 [hbm:s0], s1  }
0x5a: {  	s0 =	simm.s32 @!p0 $0x3  }
0x5b: {  	_ =	swait.ge @!p0 [sflag:s0], s1  }
0x5c: {  	s1 =	ssub.s32 @!p0 $0x0, s1;
	[sflag:s0] =	ssyncset.done @!p0 $0x0  }
0x5d: {  	[sflag:s0] =	ssyncadd.s32 @!p0 s1  }
0x5e: {  	[bflag:$0x3] =	sbarrier.arrive $0xFFFF  }
0x5f: {  	_ =	shalt  }

// kernel: kernel.36.cloned.1.call-start
scs
__scs_entry_jumppad:
0x0: {  	(pc) =	sbr.rel $0x88, $3  }
0x1: {  	(tag) =	ssettag $0x0;
	lr =	simm.s32 $0x1  }
0x2: {  	[smem:$0x3F8F] =	sst lr;
	_ =	strace $0xD0000000  }
0x3: {  	_ = 	snop  }
0x4: {  	_ = 	snop  }
0x5: {  	_ = 	snop  }
0x6: {  	_ = 	snop  }
0x7: {  	_ = 	snop  }
__scs_overlays_trampoline_lowered:
0x8: {  	[smem:$0x3F9E] =	sst s0  }
0x9: {  	[smem:$0x3F9F] =	sst s1  }
0xa: {  	[smem:$0x3FA0] =	sst s2  }
0xb: {  	[smem:$0x3FA1] =	sst s3  }
0xc: {  	[smem:$0x3FA2] =	sst s4  }
0xd: {  	[smem:$0x3FA3] =	sst s5  }
0xe: {  	[smem:$0x3FA4] =	sst s6  }
0xf: {  	[smem:$0x3FA5] =	sst s7  }
0x10: {  	[smem:$0x3FA6] =	sst s8  }
0x11: {  	[smem:$0x3FA7] =	sst s9;
	s0 =	simm.s32 @!p0 $0x0  }
0x12: {  	s1 =	sld [smem:$0x3F8D];
	s0 =	simm.s32 @p0 $0x1  }
0x13: {  	[smem:$0x3FA8] =	sst s0;
	s0 =	simm.s32 @!p1 $0x0  }
0x14: {  	s2 =	sld [smem:$0x3F8C];
	s0 =	simm.s32 @p1 $0x1  }
0x15: {  	[smem:$0x3FA9] =	sst s0;
	s0 =	simm.s32 @!p2 $0x0  }
0x16: {  	s3 =	sld [smem:$0x3FDB];
	s0 =	simm.s32 @p2 $0x1  }
0x17: {  	s4 =	simm.s32 $0x1BF5;
	[smem:$0x3FAB] =	sst s0  }
0x18: {  	s0 =	sld [smem:$0x3F8E];
	_ =	swait.ge [sflag:s4], $0x0  }
0x19: {  	s7 =	sld [smem:$0x3F8F]  }
0x1a: {  	s8 =	sadd.s32 $0xFFFFE003, lr  }
0x1b: {  	s9 =	sadd.s32 $0xFFFFFEF7, lr;
	s5 =	simm.s32 $0xFFFFFFFF;
	p2 =	slt.u32 s8, $0xFFFFF086  }
0x1c: {  	p1 =	slt.u32 s9, $0xF7A;
	s5 =	simm.s32 @!p2 $0x0  }
0x1d: {  	s5 =	simm.s32 @p1 $0x1;
	p0 =	seq.s32 s7, s2  }
0x1e: {  	s7 =	smul.u32 @!p0 $0xF7A, s2;
	p2 =	seq.s32 @!p0 s5, $0x0  }
0x1f: {  	s9 =	smul.u32 $0xF7A, s1;
	s8 =	simm.s32 @!p0 $0x1BF5;
	p2 =	por !p2, p0  }
0x20: {  	[sflag:s8] =	ssyncset.s32 @!p0 $0xFFFFF086;
	s6 =	sadd.s32 @!p0 s3, s7;
	s7 =	simm.s32 @!p0 $0x108  }
0x21: {  	s3 =	sadd.s32 s3, s9;
	s6 =	sadd.s32 @!p0 $0x88, s6;
	s7 =	simm.s32 @p2 $0x1082  }
0x22: {  	[simem:s7], [sflag:s8] =	dma.local @!p0 [hbm:s6], $0xF7A  }
0x23: {  	s9 =	sor.u32 $0xD0000000, s2;
	s6 =	simm.s32 $0x108;
	_ =	swait.ge @!p0 [sflag:s8], $0x0  }
0x24: {  	s3 =	sadd.s32 $0x88, s3;
	s6 =	simm.s32 @!p1 $0x1082;
	[sflag:s4] =	ssyncset.s32 $0xFFFFF086  }
0x25: {  	[simem:s6], [sflag:s4] =	dma.local [hbm:s3], $0xF7A  }
0x26: {  	[smem:$0x3F8F] =	sst s1;
	(tag) =	ssettag s2;
	_ =	strace s9  }
0x27: {  	s1 =	sld [smem:$0x3F9F]  }
0x28: {  	s2 =	sld [smem:$0x3FA0]  }
0x29: {  	s4 =	sld [smem:$0x3FA2]  }
0x2a: {  	p0 =	seq.s32 s5, $0x0;
	s5 =	sld [smem:$0x3FA3]  }
0x2b: {  	s6 =	sld [smem:$0x3FA4]  }
0x2c: {  	s7 =	sld [smem:$0x3FA5]  }
0x2d: {  	s3 =	simm.s32 $0x108;
	s8 =	sld [smem:$0x3FA6]  }
0x2e: {  	s3 =	simm.s32 @!p0 $0x1082;
	s9 =	sld [smem:$0x3FA7]  }
0x2f: {  	lr =	sadd.s32 s0, s3;
	s0 =	sld [smem:$0x3F9E]  }
0x30: {  	s3 =	sld [smem:$0x3FA1]  }
0x31: {  	[smem:$0x3FAA] =	sst s10  }
0x32: {  	s10 =	sld [smem:$0x3FA8];
	_ =	sdelay $0x3  }
0x33: {  	p0 =	seq.s32 s10, $0x1;
	s10 =	sld [smem:$0x3FAA];
	_ =	sdelay $0x3  }
0x34: {  	[smem:$0x3FAA] =	sst s10  }
0x35: {  	s10 =	sld [smem:$0x3FA9];
	_ =	sdelay $0x3  }
0x36: {  	p1 =	seq.s32 s10, $0x1;
	s10 =	sld [smem:$0x3FAA];
	_ =	sdelay $0x3  }
0x37: {  	[smem:$0x3FAA] =	sst s10  }
0x38: {  	s10 =	sld [smem:$0x3FAB]  }
0x39: {  	_ = 	snop;
	(pc) =	sbr.ind lr, $3  }
0x3a: {  	_ = 	snop  }
0x3b: {  	_ = 	snop  }
0x3c: {  	p2 =	seq.s32 s10, $0x1;
	s10 =	sld [smem:$0x3FAA]  }
0x3d: {  	_ =	shalt  }
0x3e: {  	_ =	shalt  }
0x3f: {  	_ =	shalt  }
0x40: {  	_ =	shalt  }
0x41: {  	_ =	shalt  }
0x42: {  	_ =	shalt  }
0x43: {  	_ =	shalt  }
0x44: {  	_ =	shalt  }
0x45: {  	_ =	shalt  }
0x46: {  	_ =	shalt  }
0x47: {  	_ =	shalt  }
0x48: {  	_ =	shalt  }
0x49: {  	_ =	shalt  }
0x4a: {  	_ =	shalt  }
0x4b: {  	_ =	shalt  }
0x4c: {  	_ =	shalt  }
0x4d: {  	_ =	shalt  }
0x4e: {  	_ =	shalt  }
0x4f: {  	_ =	shalt  }
0x50: {  	_ =	shalt  }
0x51: {  	_ =	shalt  }
0x52: {  	_ =	shalt  }
0x53: {  	_ =	shalt  }
0x54: {  	_ =	shalt  }
0x55: {  	_ =	shalt  }
0x56: {  	_ =	shalt  }
0x57: {  	_ =	shalt  }
0x58: {  	_ =	shalt  }
0x59: {  	_ =	shalt  }
0x5a: {  	_ =	shalt  }
0x5b: {  	_ =	shalt  }
0x5c: {  	_ =	shalt  }
0x5d: {  	_ =	shalt  }
0x5e: {  	_ =	shalt  }
0x5f: {  	_ =	shalt  }
0x60: {  	_ =	shalt  }
0x61: {  	_ =	shalt  }
0x62: {  	_ =	shalt  }
0x63: {  	_ =	shalt  }
0x64: {  	_ =	shalt  }
0x65: {  	_ =	shalt  }
0x66: {  	_ =	shalt  }
0x67: {  	_ =	shalt  }
0x68: {  	_ =	shalt  }
0x69: {  	_ =	shalt  }
0x6a: {  	_ =	shalt  }
0x6b: {  	_ =	shalt  }
0x6c: {  	_ =	shalt  }
0x6d: {  	_ =	shalt  }
0x6e: {  	_ =	shalt  }
0x6f: {  	_ =	shalt  }
0x70: {  	_ =	shalt  }
0x71: {  	_ =	shalt  }
0x72: {  	_ =	shalt  }
0x73: {  	_ =	shalt  }
0x74: {  	_ =	shalt  }
0x75: {  	_ =	shalt  }
0x76: {  	_ =	shalt  }
0x77: {  	_ =	shalt  }
0x78: {  	_ =	shalt  }
0x79: {  	_ =	shalt  }
0x7a: {  	_ =	shalt  }
0x7b: {  	_ =	shalt  }
0x7c: {  	_ =	shalt  }
0x7d: {  	_ =	shalt  }
0x7e: {  	_ =	shalt  }
0x7f: {  	_ =	shalt  }
0x80: {  	_ =	shalt  }
0x81: {  	_ =	shalt  }
0x82: {  	_ =	shalt  }
0x83: {  	_ =	shalt  }
0x84: {  	_ =	shalt  }
0x85: {  	_ =	shalt  }
0x86: {  	_ =	shalt  }
0x87: {  	_ =	shalt  }
.Lfunc_end0:
.L_simem_size_0:
called_computation.3_lowered:
.L_overlay_start_0:
0x88: {  	s2 =	sld [smem:$0x3FD9]  }
0x89: {  	s3 =	sld [smem:$0x3FFE];
	_ =	sdelay $0x1  }
0x8a: {  	s1 =	srdreg.scid  }
0x8b: {  	s0 =	sand.u32 $0x1, s1  }
0x8c: {  	s16 =	sshll.u32 s0, $0xA;
	s2 =	sadd.s32 s3, s2  }
0x8d: {  	s2 =	sadd.s32 s2, s16  }
0x8e: {  	[smem:$0x3FB6] =	sst s2  }
0x8f: {  	_ = 	snop  }
0x90: {  	(tm) =	ssettm $0x1  }
0x91: {  	s17 =	sld [smem:$0x3FFB];
	_ =	sdelay $0x3  }
0x92: {  	_ =	strace s17  }
0x93: {  	s2 =	sld [smem:$0x3FFC];
	_ =	sdelay $0x3  }
0x94: {  	_ =	strace s2  }
0x95: {  	s2 =	sld [smem:$0x3FFD];
	_ =	sdelay $0x3  }
0x96: {  	_ =	strace s2  }
0x97: {  	_ =	strace $0x8FFFFFFF  }
0x98: {  	s18 =	sld [smem:$0x3FDB];
	_ =	sdelay $0x1  }
0x99: {  	s19 =	simm.s32 $_scs_section_size  }
0x9a: {  	s4 =	simm.s32 $_size__tile_overlayer_lowered;
	s5 =	simm.s32 $_tile_overlayer_lowered  }
0x9b: {  	s22 =	simm.s32 $0x1BFF;
	s21 =	sshll.u32 s5, $0x1;
	s2 =	sadd.s32 s19, s18  }
0x9c: {  	s6 =	simm.s32 $0x0;
	s20 =	sshll.u32 s4, $0x1;
	s4 =	sadd.s32 s21, s2  }
0x9d: {  	[timem:s6], [sflag:s22] =	dma.local [hbm:s4], s20  }
0x9e: {  	_ =	swait.ge [sflag:s22], s20  }
0x9f: {  	s3 =	ssub.s32 $0x0, s20;
	[sflag:s22] =	ssyncset.done $0x0  }
0xa0: {  	[sflag:s22] =	ssyncadd.s32 s3;
	_ =	sdelay $0x1  }
0xa1: {  	s23 =	simm.s32 $0x1B8B  }
0xa2: {  	_ =	swait.ge [sflag:s23], $0x1  }
0xa3: {  	[sflag:s23] =	ssyncset.done $0x0  }
0xa4: {  	s25 =	simm.s32 $0x1B8E;
	s24 =	sld [smem:$0x3FFE];
	[sflag:s23] =	ssyncadd.s32 $0xFFFFFFFF  }
0xa5: {  	s26 =	simm.s32 $execute0_lowered;
	[smem:$0x3FD2] =	sst s25  }
0xa6: {  	s4 =	sshll.u32 s26, $0x1;
	_ =	strace $0x8000004F;
	[dreg:$0x1] =	wrdreg $0xFFFFFFFF  }
0xa7: {  	s28 =	simm.s32 $_size_execute0_lowered;
	s2 =	sadd.s32 s2, s4;
	[dreg:$0x0] =	wrdreg $0x0  }
0xa8: {  	s4 =	sshll.u32 s28, $0x1;
	[dreg:$0x2] =	wrdreg s2  }
0xa9: {  	[dreg:$0x3] =	wrdreg s4  }
0xaa: {  	[dreg:$0x4] =	wrdreg $0xC0  }
0xab: {  	_ =	task [dreg:s6], $0x5FFFF  }
0xac: {  	[dreg:$0x1] =	wrdreg $0xFFFFFFFF  }
0xad: {  	[dreg:$0x0] =	wrdreg $0x60  }
0xae: {  	[dreg:$0x2] =	wrdreg s24  }
0xaf: {  	[dreg:$0x3] =	wrdreg $0x9  }
0xb0: {  	_ =	task.clear_ibuf [dreg:s6], $0x4FFFF;
	_ =	strace $0x9000004F  }
0xb1: {  	s29 =	simm.s32 $0x9;
	_ =	strace $0x80000051  }
0xb2: {  	_ =	swait.ge [sflag:s29], $0x1  }
0xb3: {  	[sflag:s29] =	ssyncadd.s32 $0xFFFFFFFF  }
0xb4: {  	_ =	strace $0x90000051  }
0xb5: {  	_ =	sfence  }
0xb6: {  	s30 =	sld [smem:$0x0];
	_ =	sdelay $0x2  }
0xb7: {  	s31 =	sshll.u32 s1, $0xD;
	s1 =	sshrl.u32 s1, $0x2  }
0xb8: {  	s3 =	sand.u32 $0x4000, s31;
	s1 =	sadd.s32 s1, s30  }
0xb9: {  	s0 =	sor.u32 s3, s0;
	s1 =	sshll.u32 s1, $0x11  }
0xba: {  	s0 =	sor.u32 s1, s0  }
0xbb: {  	s0 =	sadd.s32 $0x8F2B, s0  }
0xbc: {  	[sflag:s0] =	ssyncadd.remote.s32 $0x1  }
0xbd: {  	_ =	sfence.sel $0xFFFF  }
0xbe: {  	[dreg:$0x0] =	wrdreg $0xFFFFFFFF;
	(pc) =	sbr.abs _section_cstart, $3  }
0xbf: {  	[dreg:$0x1] =	wrdreg $0xFFFFFFFF  }
0xc0: {  	_ =	task.clear_ibuf [dreg:s6], $0x2FFFF;
	_ =	strace $0x9FFFFFFF  }
0xc1: {  	(tm) =	ssettm $0x7FFFFFFF  }
tec
execute0_lowered:
.L_overlay_start_1:
0x0: {  	(tag) =	ssettag $0x1  }
0x1: {  	s7 =	rddreg [dreg:$0x0]  }
0x2: {  	s0 =	rddreg [dreg:$0x1];
	s1 =	simm.s32 $0x0;
	s5 =	srdreg.scid  }
0x3: {  	s2 =	stileid.u32;
	s12 =	simm.s32 $0x50;
	s13 =	simm.s32 $0x100  }
0x4: {  	s14 =	simm.s32 $0x2900;
	s15 =	simm.s32 $0x1;
	s16 =	simm.s32 $0x2  }
0x5: {  	s17 =	simm.s32 $0x0;
	[smem:$0x7FF] =	sst s1;
	s3 =	sadd.s32 $0xAC8A00, s7  }
0x6: {  	s4 =	sadd.s32 $0xADCC00, s7;
	s8 =	sand.u32 $0x1, s5;
	s5 =	sadd.s32 $0x21000, s7  }
0x7: {  	s10 =	sshll.u32 s2, $0x1;
	s6 =	sadd.s32 $0x48200, s7;
	s9 =	ssub.s32 $0x2, s8  }
0x8: {  	s7 =	sadd.s32 $0xAF0E00, s7;
	_ =	strace $0x80000050;
	s11 =	sshrl.u32 s9, $0x1  }
0x9: {  	s8 =	sor.u32 s8, s10;
	s10 =	simm.s32 $0x3;
	s9 =	ssub.s32 s9, s11  }
0xa: {  	s8 =	smul.u32 $0x5050, s8;
	s11 =	simm.s32 $0x80;
	s9 =	smax.u32 s9, $0x1  }
.LBB2_1:
0xb: {  	s18 =	simm.s32 $0x0  }
.LBB2_2:
0xc: {  	s19 =	smul.u32 $0x50, s18;
	_ =	sdelay $0x1  }
0xd: {  	s19 =	sadd.s32 s8, s19  }
0xe: {  	s20 =	sshrl.u32 s19, $0x3  }
0xf: {  	s22 =	simm.s32 $0x0;
	s21 =	sadd.s32 s3, s20  }
0x10: {  	[tilespmem:s22], [sflag:$0x3] =	stream.linear.gather [hbm4b:s21+s22], $0x50, $0x38;
	[tilespmem:$0x5100] =	vst v63  }
0x11: {  	_ =	swait.ge [sflag:s10], $0x50  }
0x12: {  	[sflag:s10] =	ssyncset.done $0x0  }
0x13: {  	s20 =	sadd.s32 s4, s20;
	[sflag:s10] =	ssyncadd.s32 $0xFFFFFFB0  }
0x14: {  	[tilespmem:s11], [sflag:$0x3] =	stream.linear.gather [hbm4b:s20+s22], $0x50, $0x38;
	[tilespmem:$0x5100] =	vst v63  }
0x15: {  	_ =	swait.ge [sflag:s10], $0x50  }
0x16: {  	[sflag:s10] =	ssyncset.done $0x0  }
0x17: {  	[sflag:s10] =	ssyncadd.s32 $0xFFFFFFB0  }
0x18: {  	[tilespmem:s13], [sflag:$0x1] =	stream.indirect.gather [hbm4b:s5+s12], $0x80, s22, s12, $0xb8;
	[tilespmem:$0x5100] =	vst v63  }
0x19: {  	_ = 	snop  }
0x1a: {  	[tilespmem:s14], [sflag:$0x2] =	stream.indirect.gather [hbm4b:s6+s12], $0x80, s11, s12, $0xb8;
	[tilespmem:$0x5100] =	vst v63  }
0x1b: {  	_ =	swait.ge [sflag:s15], $0x2800  }
0x1c: {  	[sflag:s15] =	ssyncset.done $0x0  }
0x1d: {  	[sflag:s15] =	ssyncadd.s32 $0xFFFFD800  }
0x1e: {  	_ =	swait.ge [sflag:s16], $0x2800  }
0x1f: {  	[sflag:s16] =	ssyncset.done $0x0  }
0x20: {  	s20 =	simm.s32 $0x0;
	[sflag:s16] =	ssyncadd.s32 $0xFFFFD800  }
0x21: {  	v7 =	vld [tilespmem:s20+$0x2900]  }
0x22: {  	v11 =	vld [tilespmem:s20+$0x2910]  }
0x23: {  	v5 =	vld [tilespmem:s20+$0x2920]  }
0x24: {  	v4 =	vld [tilespmem:s20+$0x2930]  }
0x25: {  	v3 =	vld [tilespmem:s20+$0x2940]  }
0x26: {  	v2 =	vld [tilespmem:s20+$0x2950]  }
0x27: {  	v1 =	vld [tilespmem:s20+$0x2960]  }
0x28: {  	v0 =	vld [tilespmem:s20+$0x2970]  }
0x29: {  	v12 =	vld [tilespmem:s20+$0x100]  }
0x2a: {  	v13 =	vld [tilespmem:s20+$0x110]  }
0x2b: {  	v10 =	vld [tilespmem:s20+$0x120]  }
0x2c: {  	v9 =	vld [tilespmem:s20+$0x130]  }
0x2d: {  	v8 =	vld [tilespmem:s20+$0x140]  }
0x2e: {  	v6 =	vld [tilespmem:s20+$0x150];
	v12 =	vadd.f32 v7, v12  }
0x2f: {  	s21 =	simm.s32 $0x200;
	v11 =	vadd.f32 v11, v13;
	v7 =	vld [tilespmem:s20+$0x160]  }
.LBB2_3:
0x30: {  	s22 =	sshra.s32 s21, $0x2;
	p0 =	sne.s32 s21, $0x9E00;
	[tilespmem:s20+$0x100] =	vst v12;
	v5 =	vadd.f32 v5, v10;
	v10 =	vld [tilespmem:s20+$0x170]  }
0x31: {  	v12 =	vld [tilespmem:s22+$0x2900];
	[tilespmem:s20+$0x110] =	vst v11;
	v4 =	vadd.f32 v4, v9  }
0x32: {  	v11 =	vld [tilespmem:s22+$0x2910];
	[tilespmem:s20+$0x120] =	vst v5;
	v3 =	vadd.f32 v3, v8  }
0x33: {  	v5 =	vld [tilespmem:s22+$0x2920];
	[tilespmem:s20+$0x130] =	vst v4;
	v2 =	vadd.f32 v2, v6  }
0x34: {  	v4 =	vld [tilespmem:s22+$0x2930];
	[tilespmem:s20+$0x140] =	vst v3;
	v1 =	vadd.f32 v1, v7  }
0x35: {  	v3 =	vld [tilespmem:s22+$0x2940];
	[tilespmem:s20+$0x150] =	vst v2;
	v0 =	vadd.f32 v0, v10  }
0x36: {  	v2 =	vld [tilespmem:s22+$0x2950];
	[tilespmem:s20+$0x160] =	vst v1  }
0x37: {  	v1 =	vld [tilespmem:s22+$0x2960];
	[tilespmem:s20+$0x170] =	vst v0;
	s20 =	smov.u32 s22  }
0x38: {  	v0 =	vld [tilespmem:s20+$0x2970]  }
0x39: {  	v6 =	vld [tilespmem:s20+$0x100]  }
0x3a: {  	v7 =	vld [tilespmem:s20+$0x110]  }
.Ltmp0:
0x3b: {  	v10 =	vld [tilespmem:s20+$0x120];
	(pc) =	sbr.rel @p0 .LBB2_3-.Ltmp0, $4  }
0x3c: {  	v9 =	vld [tilespmem:s20+$0x130]  }
0x3d: {  	v8 =	vld [tilespmem:s20+$0x140]  }
0x3e: {  	v12 =	vadd.f32 v12, v6;
	v6 =	vld [tilespmem:s20+$0x150]  }
0x3f: {  	s21 =	sadd.s32 $0x200, s21;
	v11 =	vadd.f32 v11, v7;
	v7 =	vld [tilespmem:s20+$0x160]  }
0x40: {  	[tilespmem:s20+$0x100] =	vst v12;
	v5 =	vadd.f32 v5, v10;
	v63 =	vld [tilespmem:s20+$0x170]  }
0x41: {  	[tilespmem:s20+$0x110] =	vst v11;
	v4 =	vadd.f32 v4, v9  }
0x42: {  	[tilespmem:s20+$0x120] =	vst v5;
	v3 =	vadd.f32 v3, v8  }
0x43: {  	[tilespmem:s20+$0x130] =	vst v4;
	v2 =	vadd.f32 v2, v6  }
0x44: {  	[tilespmem:s20+$0x140] =	vst v3;
	v1 =	vadd.f32 v1, v7  }
0x45: {  	s18 =	sadd.s32 $0x1, s18;
	[tilespmem:s20+$0x150] =	vst v2;
	v0 =	vadd.f32 v0, v63  }
0x46: {  	s19 =	sshll.u32 s19, $0x4;
	p0 =	sne.s32 s18, $0x101;
	[tilespmem:s20+$0x160] =	vst v1  }
.Ltmp1:
0x47: {  	s19 =	sadd.s32 s7, s19;
	[tilespmem:s20+$0x170] =	vst v0;
	(pc) =	sbr.rel @p0 .LBB2_2-.Ltmp1, $4  }
0x48: {  	[hbm4b:s19+s1] =	stream.linear.scatter [tilespmem:s13], [sflag:$0x3], $0x2800, $0x38;
	[tilespmem:$0x5100] =	vst v63  }
0x49: {  	_ =	swait.ge [sflag:s10], $0x2800  }
0x4a: {  	[sflag:s10] =	ssyncset.done $0x0  }
0x4b: {  	[sflag:s10] =	ssyncadd.s32 $0xFFFFD800  }
0x4c: {  	s17 =	sadd.s32 $0x1, s17  }
0x4d: {  	p0 =	sne.s32 s17, s9  }
.Ltmp2:
0x4e: {  	_ = 	snop;
	(pc) =	sbr.rel @p0 .LBB2_1-.Ltmp2, $1  }
0x4f: {  	_ =	sdelay $0x3  }
0x50: {  	_ =	sfence.sel $0x180000  }
0x51: {  	[bflag:$0x0] =	sbarrier.arrive $0xFFFF  }
0x52: {  	p0 =	sne.s32 s2, $0x0;
	_ =	strace $0x90000050  }
0x53: {  	s0 =	sadd.s32 @!p0 $0x100000, s0;
	[bflag:$0x2] =	sbarrier.arrive $0xFFFF  }
0x54: {  	[sflag:s0] =	ssyncadd.tile.s32 @!p0 $0x1;
	_ =	shalt  }
.Lfunc_end2:
_tile_overlayer_lowered:
.L_overlay_start_2:
0x55: {  	(tag) =	ssettag $0x2  }
0x56: {  	s0 =	rddreg [dreg:$0x0];
	s2 =	stileid.u32  }
0x57: {  	s1 =	rddreg [dreg:$0x1];
	p0 =	sne.s32 s2, $0x0  }
0x58: {  	s3 =	rddreg [dreg:$0x2];
	[bflag:$0x3] =	sbarrier.arrive $0xFFFF;
	s2 =	simm.s32 @!p0 $0x1C03  }
0x59: {  	[timem:s3], [sflag:s2] =	dma.local @!p0 [hbm:s0], s1  }
0x5a: {  	s0 =	simm.s32 @!p0 $0x3  }
0x5b: {  	_ =	swait.ge @!p0 [sflag:s0], s1  }
0x5c: {  	s1 =	ssub.s32 @!p0 $0x0, s1;
	[sflag:s0] =	ssyncset.done @!p0 $0x0  }
0x5d: {  	[sflag:s0] =	ssyncadd.s32 @!p0 s1  }
0x5e: {  	[bflag:$0x3] =	sbarrier.arrive $0xFFFF  }
0x5f: {  	_ =	shalt  }

// kernel: kernel.39.cloned.1.call-start
scs
__scs_entry_jumppad:
0x0: {  	(pc) =	sbr.rel $0x88, $3  }
0x1: {  	(tag) =	ssettag $0x0;
	lr =	simm.s32 $0x1  }
0x2: {  	[smem:$0x3F8F] =	sst lr;
	_ =	strace $0xD0000000  }
0x3: {  	_ = 	snop  }
0x4: {  	_ = 	snop  }
0x5: {  	_ = 	snop  }
0x6: {  	_ = 	snop  }
0x7: {  	_ = 	snop  }
__scs_overlays_trampoline_lowered:
0x8: {  	[smem:$0x3F9E] =	sst s0  }
0x9: {  	[smem:$0x3F9F] =	sst s1  }
0xa: {  	[smem:$0x3FA0] =	sst s2  }
0xb: {  	[smem:$0x3FA1] =	sst s3  }
0xc: {  	[smem:$0x3FA2] =	sst s4  }
0xd: {  	[smem:$0x3FA3] =	sst s5  }
0xe: {  	[smem:$0x3FA4] =	sst s6  }
0xf: {  	[smem:$0x3FA5] =	sst s7  }
0x10: {  	[smem:$0x3FA6] =	sst s8  }
0x11: {  	[smem:$0x3FA7] =	sst s9;
	s0 =	simm.s32 @!p0 $0x0  }
0x12: {  	s1 =	sld [smem:$0x3F8D];
	s0 =	simm.s32 @p0 $0x1  }
0x13: {  	[smem:$0x3FA8] =	sst s0;
	s0 =	simm.s32 @!p1 $0x0  }
0x14: {  	s2 =	sld [smem:$0x3F8C];
	s0 =	simm.s32 @p1 $0x1  }
0x15: {  	[smem:$0x3FA9] =	sst s0;
	s0 =	simm.s32 @!p2 $0x0  }
0x16: {  	s3 =	sld [smem:$0x3FDB];
	s0 =	simm.s32 @p2 $0x1  }
0x17: {  	s4 =	simm.s32 $0x1BF5;
	[smem:$0x3FAB] =	sst s0  }
0x18: {  	s0 =	sld [smem:$0x3F8E];
	_ =	swait.ge [sflag:s4], $0x0  }
0x19: {  	s7 =	sld [smem:$0x3F8F]  }
0x1a: {  	s8 =	sadd.s32 $0xFFFFE003, lr  }
0x1b: {  	s9 =	sadd.s32 $0xFFFFFEF7, lr;
	s5 =	simm.s32 $0xFFFFFFFF;
	p2 =	slt.u32 s8, $0xFFFFF086  }
0x1c: {  	p1 =	slt.u32 s9, $0xF7A;
	s5 =	simm.s32 @!p2 $0x0  }
0x1d: {  	s5 =	simm.s32 @p1 $0x1;
	p0 =	seq.s32 s7, s2  }
0x1e: {  	s7 =	smul.u32 @!p0 $0xF7A, s2;
	p2 =	seq.s32 @!p0 s5, $0x0  }
0x1f: {  	s9 =	smul.u32 $0xF7A, s1;
	s8 =	simm.s32 @!p0 $0x1BF5;
	p2 =	por !p2, p0  }
0x20: {  	[sflag:s8] =	ssyncset.s32 @!p0 $0xFFFFF086;
	s6 =	sadd.s32 @!p0 s3, s7;
	s7 =	simm.s32 @!p0 $0x108  }
0x21: {  	s3 =	sadd.s32 s3, s9;
	s6 =	sadd.s32 @!p0 $0x88, s6;
	s7 =	simm.s32 @p2 $0x1082  }
0x22: {  	[simem:s7], [sflag:s8] =	dma.local @!p0 [hbm:s6], $0xF7A  }
0x23: {  	s9 =	sor.u32 $0xD0000000, s2;
	s6 =	simm.s32 $0x108;
	_ =	swait.ge @!p0 [sflag:s8], $0x0  }
0x24: {  	s3 =	sadd.s32 $0x88, s3;
	s6 =	simm.s32 @!p1 $0x1082;
	[sflag:s4] =	ssyncset.s32 $0xFFFFF086  }
0x25: {  	[simem:s6], [sflag:s4] =	dma.local [hbm:s3], $0xF7A  }
0x26: {  	[smem:$0x3F8F] =	sst s1;
	(tag) =	ssettag s2;
	_ =	strace s9  }
0x27: {  	s1 =	sld [smem:$0x3F9F]  }
0x28: {  	s2 =	sld [smem:$0x3FA0]  }
0x29: {  	s4 =	sld [smem:$0x3FA2]  }
0x2a: {  	p0 =	seq.s32 s5, $0x0;
	s5 =	sld [smem:$0x3FA3]  }
0x2b: {  	s6 =	sld [smem:$0x3FA4]  }
0x2c: {  	s7 =	sld [smem:$0x3FA5]  }
0x2d: {  	s3 =	simm.s32 $0x108;
	s8 =	sld [smem:$0x3FA6]  }
0x2e: {  	s3 =	simm.s32 @!p0 $0x1082;
	s9 =	sld [smem:$0x3FA7]  }
0x2f: {  	lr =	sadd.s32 s0, s3;
	s0 =	sld [smem:$0x3F9E]  }
0x30: {  	s3 =	sld [smem:$0x3FA1]  }
0x31: {  	[smem:$0x3FAA] =	sst s10  }
0x32: {  	s10 =	sld [smem:$0x3FA8];
	_ =	sdelay $0x3  }
0x33: {  	p0 =	seq.s32 s10, $0x1;
	s10 =	sld [smem:$0x3FAA];
	_ =	sdelay $0x3  }
0x34: {  	[smem:$0x3FAA] =	sst s10  }
0x35: {  	s10 =	sld [smem:$0x3FA9];
	_ =	sdelay $0x3  }
0x36: {  	p1 =	seq.s32 s10, $0x1;
	s10 =	sld [smem:$0x3FAA];
	_ =	sdelay $0x3  }
0x37: {  	[smem:$0x3FAA] =	sst s10  }
0x38: {  	s10 =	sld [smem:$0x3FAB]  }
0x39: {  	_ = 	snop;
	(pc) =	sbr.ind lr, $3  }
0x3a: {  	_ = 	snop  }
0x3b: {  	_ = 	snop  }
0x3c: {  	p2 =	seq.s32 s10, $0x1;
	s10 =	sld [smem:$0x3FAA]  }
0x3d: {  	_ =	shalt  }
0x3e: {  	_ =	shalt  }
0x3f: {  	_ =	shalt  }
0x40: {  	_ =	shalt  }
0x41: {  	_ =	shalt  }
0x42: {  	_ =	shalt  }
0x43: {  	_ =	shalt  }
0x44: {  	_ =	shalt  }
0x45: {  	_ =	shalt  }
0x46: {  	_ =	shalt  }
0x47: {  	_ =	shalt  }
0x48: {  	_ =	shalt  }
0x49: {  	_ =	shalt  }
0x4a: {  	_ =	shalt  }
0x4b: {  	_ =	shalt  }
0x4c: {  	_ =	shalt  }
0x4d: {  	_ =	shalt  }
0x4e: {  	_ =	shalt  }
0x4f: {  	_ =	shalt  }
0x50: {  	_ =	shalt  }
0x51: {  	_ =	shalt  }
0x52: {  	_ =	shalt  }
0x53: {  	_ =	shalt  }
0x54: {  	_ =	shalt  }
0x55: {  	_ =	shalt  }
0x56: {  	_ =	shalt  }
0x57: {  	_ =	shalt  }
0x58: {  	_ =	shalt  }
0x59: {  	_ =	shalt  }
0x5a: {  	_ =	shalt  }
0x5b: {  	_ =	shalt  }
0x5c: {  	_ =	shalt  }
0x5d: {  	_ =	shalt  }
0x5e: {  	_ =	shalt  }
0x5f: {  	_ =	shalt  }
0x60: {  	_ =	shalt  }
0x61: {  	_ =	shalt  }
0x62: {  	_ =	shalt  }
0x63: {  	_ =	shalt  }
0x64: {  	_ =	shalt  }
0x65: {  	_ =	shalt  }
0x66: {  	_ =	shalt  }
0x67: {  	_ =	shalt  }
0x68: {  	_ =	shalt  }
0x69: {  	_ =	shalt  }
0x6a: {  	_ =	shalt  }
0x6b: {  	_ =	shalt  }
0x6c: {  	_ =	shalt  }
0x6d: {  	_ =	shalt  }
0x6e: {  	_ =	shalt  }
0x6f: {  	_ =	shalt  }
0x70: {  	_ =	shalt  }
0x71: {  	_ =	shalt  }
0x72: {  	_ =	shalt  }
0x73: {  	_ =	shalt  }
0x74: {  	_ =	shalt  }
0x75: {  	_ =	shalt  }
0x76: {  	_ =	shalt  }
0x77: {  	_ =	shalt  }
0x78: {  	_ =	shalt  }
0x79: {  	_ =	shalt  }
0x7a: {  	_ =	shalt  }
0x7b: {  	_ =	shalt  }
0x7c: {  	_ =	shalt  }
0x7d: {  	_ =	shalt  }
0x7e: {  	_ =	shalt  }
0x7f: {  	_ =	shalt  }
0x80: {  	_ =	shalt  }
0x81: {  	_ =	shalt  }
0x82: {  	_ =	shalt  }
0x83: {  	_ =	shalt  }
0x84: {  	_ =	shalt  }
0x85: {  	_ =	shalt  }
0x86: {  	_ =	shalt  }
0x87: {  	_ =	shalt  }
.Lfunc_end0:
.L_simem_size_0:
called_computation.4_lowered:
.L_overlay_start_0:
0x88: {  	s2 =	sld [smem:$0x3FD9]  }
0x89: {  	s3 =	sld [smem:$0x3FFE];
	_ =	sdelay $0x1  }
0x8a: {  	s1 =	srdreg.scid  }
0x8b: {  	s0 =	sand.u32 $0x1, s1  }
0x8c: {  	s16 =	sshll.u32 s0, $0xA;
	s2 =	sadd.s32 s3, s2  }
0x8d: {  	s2 =	sadd.s32 s2, s16  }
0x8e: {  	[smem:$0x3FB6] =	sst s2  }
0x8f: {  	_ = 	snop  }
0x90: {  	(tm) =	ssettm $0x1  }
0x91: {  	s17 =	sld [smem:$0x3FFB];
	_ =	sdelay $0x3  }
0x92: {  	_ =	strace s17  }
0x93: {  	s2 =	sld [smem:$0x3FFC];
	_ =	sdelay $0x3  }
0x94: {  	_ =	strace s2  }
0x95: {  	s2 =	sld [smem:$0x3FFD];
	_ =	sdelay $0x3  }
0x96: {  	_ =	strace s2  }
0x97: {  	_ =	strace $0x8FFFFFFF  }
0x98: {  	s18 =	sld [smem:$0x3FDB];
	_ =	sdelay $0x1  }
0x99: {  	s19 =	simm.s32 $_scs_section_size  }
0x9a: {  	s4 =	simm.s32 $_size__tile_overlayer_lowered;
	s5 =	simm.s32 $_tile_overlayer_lowered  }
0x9b: {  	s22 =	simm.s32 $0x1BFF;
	s21 =	sshll.u32 s5, $0x1;
	s2 =	sadd.s32 s19, s18  }
0x9c: {  	s6 =	simm.s32 $0x0;
	s20 =	sshll.u32 s4, $0x1;
	s4 =	sadd.s32 s21, s2  }
0x9d: {  	[timem:s6], [sflag:s22] =	dma.local [hbm:s4], s20  }
0x9e: {  	_ =	swait.ge [sflag:s22], s20  }
0x9f: {  	s3 =	ssub.s32 $0x0, s20;
	[sflag:s22] =	ssyncset.done $0x0  }
0xa0: {  	[sflag:s22] =	ssyncadd.s32 s3;
	_ =	sdelay $0x1  }
0xa1: {  	s23 =	simm.s32 $0x1B8B  }
0xa2: {  	_ =	swait.ge [sflag:s23], $0x1  }
0xa3: {  	[sflag:s23] =	ssyncset.done $0x0  }
0xa4: {  	s25 =	simm.s32 $0x1B8E;
	s24 =	sld [smem:$0x3FFE];
	[sflag:s23] =	ssyncadd.s32 $0xFFFFFFFF  }
0xa5: {  	s26 =	simm.s32 $execute0_lowered;
	[smem:$0x3FD2] =	sst s25  }
0xa6: {  	s4 =	sshll.u32 s26, $0x1;
	_ =	strace $0x80000052;
	[dreg:$0x1] =	wrdreg $0xFFFFFFFF  }
0xa7: {  	s28 =	simm.s32 $_size_execute0_lowered;
	s2 =	sadd.s32 s2, s4;
	[dreg:$0x0] =	wrdreg $0x0  }
0xa8: {  	s4 =	sshll.u32 s28, $0x1;
	[dreg:$0x2] =	wrdreg s2  }
0xa9: {  	[dreg:$0x3] =	wrdreg s4  }
0xaa: {  	[dreg:$0x4] =	wrdreg $0xC0  }
0xab: {  	_ =	task [dreg:s6], $0x5FFFF  }
0xac: {  	[dreg:$0x1] =	wrdreg $0xFFFFFFFF  }
0xad: {  	[dreg:$0x0] =	wrdreg $0x60  }
0xae: {  	[dreg:$0x2] =	wrdreg s24  }
0xaf: {  	[dreg:$0x3] =	wrdreg $0x9  }
0xb0: {  	_ =	task.clear_ibuf [dreg:s6], $0x4FFFF;
	_ =	strace $0x90000052  }
0xb1: {  	s29 =	simm.s32 $0x9;
	_ =	strace $0x80000054  }
0xb2: {  	_ =	swait.ge [sflag:s29], $0x1  }
0xb3: {  	[sflag:s29] =	ssyncadd.s32 $0xFFFFFFFF  }
0xb4: {  	_ =	strace $0x90000054  }
0xb5: {  	_ =	sfence  }
0xb6: {  	s30 =	sld [smem:$0x0];
	_ =	sdelay $0x2  }
0xb7: {  	s31 =	sshll.u32 s1, $0xD;
	s1 =	sshrl.u32 s1, $0x2  }
0xb8: {  	s3 =	sand.u32 $0x4000, s31;
	s1 =	sadd.s32 s1, s30  }
0xb9: {  	s0 =	sor.u32 s3, s0;
	s1 =	sshll.u32 s1, $0x11  }
0xba: {  	s0 =	sor.u32 s1, s0  }
0xbb: {  	s0 =	sadd.s32 $0x8F2B, s0  }
0xbc: {  	[sflag:s0] =	ssyncadd.remote.s32 $0x1  }
0xbd: {  	_ =	sfence.sel $0xFFFF  }
0xbe: {  	[dreg:$0x0] =	wrdreg $0xFFFFFFFF;
	(pc) =	sbr.abs _section_cstart, $3  }
0xbf: {  	[dreg:$0x1] =	wrdreg $0xFFFFFFFF  }
0xc0: {  	_ =	task.clear_ibuf [dreg:s6], $0x2FFFF;
	_ =	strace $0x9FFFFFFF  }
0xc1: {  	(tm) =	ssettm $0x7FFFFFFF  }
tec
execute0_lowered:
.L_overlay_start_1:
0x0: {  	(tag) =	ssettag $0x1  }
0x1: {  	s7 =	rddreg [dreg:$0x0]  }
0x2: {  	s0 =	rddreg [dreg:$0x1];
	s1 =	simm.s32 $0x0;
	s5 =	srdreg.scid  }
0x3: {  	s2 =	stileid.u32;
	s12 =	simm.s32 $0x50;
	s13 =	simm.s32 $0x100  }
0x4: {  	s14 =	simm.s32 $0x2900;
	s15 =	simm.s32 $0x1;
	s16 =	simm.s32 $0x2  }
0x5: {  	s17 =	simm.s32 $0x0;
	[smem:$0x7FF] =	sst s1;
	s3 =	sadd.s32 $0xAC8A00, s7  }
0x6: {  	s4 =	sadd.s32 $0xADCC00, s7;
	s8 =	sand.u32 $0x1, s5;
	s5 =	sadd.s32 $0xD800, s7  }
0x7: {  	s10 =	sshll.u32 s2, $0x1;
	s6 =	sadd.s32 $0x34A00, s7;
	s9 =	ssub.s32 $0x2, s8  }
0x8: {  	s7 =	sadd.s32 $0xAF0E00, s7;
	_ =	strace $0x80000053;
	s11 =	sshrl.u32 s9, $0x1  }
0x9: {  	s8 =	sor.u32 s8, s10;
	s10 =	simm.s32 $0x3;
	s9 =	ssub.s32 s9, s11  }
0xa: {  	s8 =	smul.u32 $0x5050, s8;
	s11 =	simm.s32 $0x80;
	s9 =	smax.u32 s9, $0x1  }
.LBB2_1:
0xb: {  	s18 =	simm.s32 $0x0  }
.LBB2_2:
0xc: {  	s19 =	smul.u32 $0x50, s18;
	_ =	sdelay $0x1  }
0xd: {  	s19 =	sadd.s32 s8, s19  }
0xe: {  	s20 =	sshrl.u32 s19, $0x3  }
0xf: {  	s22 =	simm.s32 $0x0;
	s21 =	sadd.s32 s3, s20  }
0x10: {  	[tilespmem:s22], [sflag:$0x3] =	stream.linear.gather [hbm4b:s21+s22], $0x50, $0x38;
	[tilespmem:$0x5100] =	vst v63  }
0x11: {  	_ =	swait.ge [sflag:s10], $0x50  }
0x12: {  	[sflag:s10] =	ssyncset.done $0x0  }
0x13: {  	s20 =	sadd.s32 s4, s20;
	[sflag:s10] =	ssyncadd.s32 $0xFFFFFFB0  }
0x14: {  	[tilespmem:s11], [sflag:$0x3] =	stream.linear.gather [hbm4b:s20+s22], $0x50, $0x38;
	[tilespmem:$0x5100] =	vst v63  }
0x15: {  	_ =	swait.ge [sflag:s10], $0x50  }
0x16: {  	[sflag:s10] =	ssyncset.done $0x0  }
0x17: {  	[sflag:s10] =	ssyncadd.s32 $0xFFFFFFB0  }
0x18: {  	[tilespmem:s13], [sflag:$0x1] =	stream.indirect.gather [hbm4b:s5+s12], $0x80, s22, s12, $0xb8;
	[tilespmem:$0x5100] =	vst v63  }
0x19: {  	_ = 	snop  }
0x1a: {  	[tilespmem:s14], [sflag:$0x2] =	stream.indirect.gather [hbm4b:s6+s12], $0x80, s11, s12, $0xb8;
	[tilespmem:$0x5100] =	vst v63  }
0x1b: {  	_ =	swait.ge [sflag:s15], $0x2800  }
0x1c: {  	[sflag:s15] =	ssyncset.done $0x0  }
0x1d: {  	[sflag:s15] =	ssyncadd.s32 $0xFFFFD800  }
0x1e: {  	_ =	swait.ge [sflag:s16], $0x2800  }
0x1f: {  	[sflag:s16] =	ssyncset.done $0x0  }
0x20: {  	s20 =	simm.s32 $0x0;
	[sflag:s16] =	ssyncadd.s32 $0xFFFFD800  }
0x21: {  	v7 =	vld [tilespmem:s20+$0x2900]  }
0x22: {  	v11 =	vld [tilespmem:s20+$0x2910]  }
0x23: {  	v5 =	vld [tilespmem:s20+$0x2920]  }
0x24: {  	v4 =	vld [tilespmem:s20+$0x2930]  }
0x25: {  	v3 =	vld [tilespmem:s20+$0x2940]  }
0x26: {  	v2 =	vld [tilespmem:s20+$0x2950]  }
0x27: {  	v1 =	vld [tilespmem:s20+$0x2960]  }
0x28: {  	v0 =	vld [tilespmem:s20+$0x2970]  }
0x29: {  	v12 =	vld [tilespmem:s20+$0x100]  }
0x2a: {  	v13 =	vld [tilespmem:s20+$0x110]  }
0x2b: {  	v10 =	vld [tilespmem:s20+$0x120]  }
0x2c: {  	v9 =	vld [tilespmem:s20+$0x130]  }
0x2d: {  	v8 =	vld [tilespmem:s20+$0x140]  }
0x2e: {  	v6 =	vld [tilespmem:s20+$0x150];
	v12 =	vadd.f32 v7, v12  }
0x2f: {  	s21 =	simm.s32 $0x200;
	v11 =	vadd.f32 v11, v13;
	v7 =	vld [tilespmem:s20+$0x160]  }
.LBB2_3:
0x30: {  	s22 =	sshra.s32 s21, $0x2;
	p0 =	sne.s32 s21, $0x9E00;
	[tilespmem:s20+$0x100] =	vst v12;
	v5 =	vadd.f32 v5, v10;
	v10 =	vld [tilespmem:s20+$0x170]  }
0x31: {  	v12 =	vld [tilespmem:s22+$0x2900];
	[tilespmem:s20+$0x110] =	vst v11;
	v4 =	vadd.f32 v4, v9  }
0x32: {  	v11 =	vld [tilespmem:s22+$0x2910];
	[tilespmem:s20+$0x120] =	vst v5;
	v3 =	vadd.f32 v3, v8  }
0x33: {  	v5 =	vld [tilespmem:s22+$0x2920];
	[tilespmem:s20+$0x130] =	vst v4;
	v2 =	vadd.f32 v2, v6  }
0x34: {  	v4 =	vld [tilespmem:s22+$0x2930];
	[tilespmem:s20+$0x140] =	vst v3;
	v1 =	vadd.f32 v1, v7  }
0x35: {  	v3 =	vld [tilespmem:s22+$0x2940];
	[tilespmem:s20+$0x150] =	vst v2;
	v0 =	vadd.f32 v0, v10  }
0x36: {  	v2 =	vld [tilespmem:s22+$0x2950];
	[tilespmem:s20+$0x160] =	vst v1  }
0x37: {  	v1 =	vld [tilespmem:s22+$0x2960];
	[tilespmem:s20+$0x170] =	vst v0;
	s20 =	smov.u32 s22  }
0x38: {  	v0 =	vld [tilespmem:s20+$0x2970]  }
0x39: {  	v6 =	vld [tilespmem:s20+$0x100]  }
0x3a: {  	v7 =	vld [tilespmem:s20+$0x110]  }
.Ltmp0:
0x3b: {  	v10 =	vld [tilespmem:s20+$0x120];
	(pc) =	sbr.rel @p0 .LBB2_3-.Ltmp0, $4  }
0x3c: {  	v9 =	vld [tilespmem:s20+$0x130]  }
0x3d: {  	v8 =	vld [tilespmem:s20+$0x140]  }
0x3e: {  	v12 =	vadd.f32 v12, v6;
	v6 =	vld [tilespmem:s20+$0x150]  }
0x3f: {  	s21 =	sadd.s32 $0x200, s21;
	v11 =	vadd.f32 v11, v7;
	v7 =	vld [tilespmem:s20+$0x160]  }
0x40: {  	[tilespmem:s20+$0x100] =	vst v12;
	v5 =	vadd.f32 v5, v10;
	v63 =	vld [tilespmem:s20+$0x170]  }
0x41: {  	[tilespmem:s20+$0x110] =	vst v11;
	v4 =	vadd.f32 v4, v9  }
0x42: {  	[tilespmem:s20+$0x120] =	vst v5;
	v3 =	vadd.f32 v3, v8  }
0x43: {  	[tilespmem:s20+$0x130] =	vst v4;
	v2 =	vadd.f32 v2, v6  }
0x44: {  	[tilespmem:s20+$0x140] =	vst v3;
	v1 =	vadd.f32 v1, v7  }
0x45: {  	s18 =	sadd.s32 $0x1, s18;
	[tilespmem:s20+$0x150] =	vst v2;
	v0 =	vadd.f32 v0, v63  }
0x46: {  	s19 =	sshll.u32 s19, $0x4;
	p0 =	sne.s32 s18, $0x101;
	[tilespmem:s20+$0x160] =	vst v1  }
.Ltmp1:
0x47: {  	s19 =	sadd.s32 s7, s19;
	[tilespmem:s20+$0x170] =	vst v0;
	(pc) =	sbr.rel @p0 .LBB2_2-.Ltmp1, $4  }
0x48: {  	[hbm4b:s19+s1] =	stream.linear.scatter [tilespmem:s13], [sflag:$0x3], $0x2800, $0x38;
	[tilespmem:$0x5100] =	vst v63  }
0x49: {  	_ =	swait.ge [sflag:s10], $0x2800  }
0x4a: {  	[sflag:s10] =	ssyncset.done $0x0  }
0x4b: {  	[sflag:s10] =	ssyncadd.s32 $0xFFFFD800  }
0x4c: {  	s17 =	sadd.s32 $0x1, s17  }
0x4d: {  	p0 =	sne.s32 s17, s9  }
.Ltmp2:
0x4e: {  	_ = 	snop;
	(pc) =	sbr.rel @p0 .LBB2_1-.Ltmp2, $1  }
0x4f: {  	_ =	sdelay $0x3  }
0x50: {  	_ =	sfence.sel $0x180000  }
0x51: {  	[bflag:$0x0] =	sbarrier.arrive $0xFFFF  }
0x52: {  	p0 =	sne.s32 s2, $0x0;
	_ =	strace $0x90000053  }
0x53: {  	s0 =	sadd.s32 @!p0 $0x100000, s0;
	[bflag:$0x2] =	sbarrier.arrive $0xFFFF  }
0x54: {  	[sflag:s0] =	ssyncadd.tile.s32 @!p0 $0x1;
	_ =	shalt  }
.Lfunc_end2:
_tile_overlayer_lowered:
.L_overlay_start_2:
0x55: {  	(tag) =	ssettag $0x2  }
0x56: {  	s0 =	rddreg [dreg:$0x0];
	s2 =	stileid.u32  }
0x57: {  	s1 =	rddreg [dreg:$0x1];
	p0 =	sne.s32 s2, $0x0  }
0x58: {  	s3 =	rddreg [dreg:$0x2];
	[bflag:$0x3] =	sbarrier.arrive $0xFFFF;
	s2 =	simm.s32 @!p0 $0x1C03  }
0x59: {  	[timem:s3], [sflag:s2] =	dma.local @!p0 [hbm:s0], s1  }
0x5a: {  	s0 =	simm.s32 @!p0 $0x3  }
0x5b: {  	_ =	swait.ge @!p0 [sflag:s0], s1  }
0x5c: {  	s1 =	ssub.s32 @!p0 $0x0, s1;
	[sflag:s0] =	ssyncset.done @!p0 $0x0  }
0x5d: {  	[sflag:s0] =	ssyncadd.s32 @!p0 s1  }
0x5e: {  	[bflag:$0x3] =	sbarrier.arrive $0xFFFF  }
0x5f: {  	_ =	shalt  }

</sc_bundles>
